<compile_context>
chip_gen: v7x
topology: tpu7x:2x2x1
jax: 0.10.2.dev20260603
libtpu: 0.0.44.dev20260713+nightly
codegen_flags: <defaults>
</compile_context>

<pallas_src>
import functools

import jax
import jax.numpy as jnp
from jax import lax
from jax.experimental import pallas as pl
from jax.experimental.pallas import tpu as pltpu
from jax.experimental.pallas import tpu_sc as plsc

N = 10000
E = 320000
D = 128
G = 128
NP = 10240
NC = 2
NS = 16
NW = NC * NS
EPT = 10112
K = 128
NCH = EPT // K
BR = 512
NBLK = NP // BR

_mesh = functools.partial(
    plsc.VectorSubcoreMesh, core_axis_name="c", subcore_axis_name="s")


def _deg_body(dst_hbm, deg_out, dstbuf, acc):
  c = lax.axis_index("c")
  s = lax.axis_index("s")
  w = s * NC + c

  def zero(i, _):
    acc[pl.ds(i * 16, 16)] = jnp.zeros((16,), jnp.float32)
    return 0
  lax.fori_loop(0, NP // 16, zero, 0)

  pltpu.sync_copy(dst_hbm.at[w], dstbuf)
  ones = jnp.ones((16,), jnp.float32)

  def body(j, _):
    idx = dstbuf[pl.ds(j * 16, 16)]
    plsc.addupdate_scatter(acc, [idx], ones)
    return 0
  lax.fori_loop(0, EPT // 16, body, 0)
  pltpu.sync_copy(acc, deg_out.at[w])


def _deg_call(dst_t):
  kern = pl.kernel(
      _deg_body,
      out_type=jax.ShapeDtypeStruct((NW, NP), jnp.float32),
      mesh=_mesh(),
      scratch_types=[
          pltpu.VMEM((EPT,), jnp.int32),
          pltpu.VMEM((NP,), jnp.float32),
      ],
      compiler_params=pltpu.CompilerParams(needs_layout_passes=False),
  )
  return kern(dst_t)


def _h2_body(x_ref, w_ref, deg_ref, batch_ref, h2_ref, starts_ref):
  ones = jnp.ones((NW, 1), jnp.float32)
  degs = lax.dot_general(deg_ref[...], ones,
                         (((0,), (0,)), ((), ()))) + 1.0
  dinv = lax.rsqrt(degs)
  h = jnp.dot(x_ref[...], w_ref[...], preferred_element_type=jnp.float32)
  h2_ref[...] = h * dinv

  @pl.when(pl.program_id(0) == 0)
  def _():
    b = batch_ref[...]
    gid = lax.broadcasted_iota(jnp.int32, (1, G), 1)
    oh = (b == gid).astype(jnp.float32)
    hist = jnp.sum(oh, axis=0)
    r = lax.broadcasted_iota(jnp.int32, (G, G), 0)
    cc = lax.broadcasted_iota(jnp.int32, (G, G), 1)
    ut = (r < cc).astype(jnp.float32)
    starts = lax.dot_general(hist, ut, (((0,), (0,)), ((), ())))
    starts_i = starts.astype(jnp.int32)
    first = jnp.minimum(starts_i, N - 1)
    pad = jnp.full((6, G), N, jnp.int32)
    starts_ref[...] = jnp.concatenate(
        [starts_i[None], first[None], pad], axis=0)


def _h2_call(x_pad, W_conv, deg_part, batch_col):
  return pl.pallas_call(
      _h2_body,
      grid=(NBLK,),
      in_specs=[
          pl.BlockSpec((BR, D), lambda i: (i, 0)),
          pl.BlockSpec((D, D), lambda i: (0, 0)),
          pl.BlockSpec((NW, BR), lambda i: (0, i)),
          pl.BlockSpec((NP, 1), lambda i: (0, 0)),
      ],
      out_specs=[
          pl.BlockSpec((BR, D), lambda i: (i, 0)),
          pl.BlockSpec((8, G), lambda i: (0, 0)),
      ],
      out_shape=[
          jax.ShapeDtypeStruct((NP, D), jnp.float32),
          jax.ShapeDtypeStruct((8, G), jnp.int32),
      ],
  )(x_pad, W_conv, deg_part, batch_col)


def _agg_body(h2_hbm, src_hbm, dst_hbm, zrows_hbm, p0, p1,
              src_v, dst_v, rows, rowsb, acc, gsem, gsemb):
  c = lax.axis_index("c")
  s = lax.axis_index("s")
  w = s * NC + c
  rpt = NP // NS
  r0 = s * rpt
  zk = 128

  for k in range(rpt // zk):
    pltpu.sync_copy(zrows_hbm, acc.at[pl.ds(r0 + k * zk, zk)])
  pltpu.sync_copy(dst_hbm.at[w], dst_v)
  plsc.subcore_barrier()

  def round_(r, _):
    j = r * 2
    pltpu.sync_copy(src_hbm.at[w, pl.ds(j * K, 2 * K)], src_v)
    ca = pltpu.make_async_copy(h2_hbm.at[src_v.at[pl.ds(0, K)]], rows, gsem)
    cb = pltpu.make_async_copy(h2_hbm.at[src_v.at[pl.ds(K, K)]], rowsb, gsemb)
    ca.start()
    cb.start()
    ca.wait()
    pltpu.sync_copy(rows, acc.at[dst_v.at[j]], add=True)
    cb.wait()
    pltpu.sync_copy(rowsb, acc.at[dst_v.at[j + 1]], add=True)
    return 0
  lax.fori_loop(0, NCH // 2, round_, 0)

  j_tail = NCH - 1
  pltpu.sync_copy(src_hbm.at[w, pl.ds(j_tail * K, K)], src_v.at[pl.ds(0, K)])
  pltpu.async_copy(h2_hbm.at[src_v.at[pl.ds(0, K)]], rows, gsem).wait()
  pltpu.sync_copy(rows, acc.at[dst_v.at[j_tail]], add=True)
  plsc.subcore_barrier()

  sl = pl.ds(r0, rpt)

  @pl.when(c == 0)
  def _():
    pltpu.sync_copy(acc.at[sl], p0.at[sl])

  @pl.when(c == 1)
  def _():
    pltpu.sync_copy(acc.at[sl], p1.at[sl])


def _agg_call(h2, src_t, dst_t, zrows):
  kern = pl.kernel(
      _agg_body,
      out_type=(
          jax.ShapeDtypeStruct((NP, D), jnp.float32),
          jax.ShapeDtypeStruct((NP, D), jnp.float32),
      ),
      mesh=_mesh(),
      scratch_types=[
          pltpu.VMEM((2 * K,), jnp.int32),
          pltpu.VMEM((NCH, K), jnp.int32),
          pltpu.VMEM((K, D), jnp.float32),
          pltpu.VMEM((K, D), jnp.float32),
          pltpu.VMEM_SHARED((NP, D), jnp.float32),
          pltpu.SemaphoreType.DMA,
          pltpu.SemaphoreType.DMA,
      ],
  )
  return kern(h2, src_t, dst_t.reshape(NW, NCH, K), zrows)


def _x1_body(p0_ref, p1_ref, h2_ref, deg_ref, b_ref, x1_ref):
  ones = jnp.ones((NW, 1), jnp.float32)
  degs = lax.dot_general(deg_ref[...], ones,
                         (((0,), (0,)), ((), ()))) + 1.0
  dinv = lax.rsqrt(degs)
  agg = p0_ref[...] + p1_ref[...] + h2_ref[...]
  x1_ref[...] = jnp.maximum(dinv * agg + b_ref[...], 0.0)


def _x1_call(p0, p1, h2, deg_part, b_conv_row):
  blk = pl.BlockSpec((BR, D), lambda i: (i, 0))
  return pl.pallas_call(
      _x1_body,
      grid=(NBLK,),
      in_specs=[
          blk,
          blk,
          blk,
          pl.BlockSpec((NW, BR), lambda i: (0, i)),
          pl.BlockSpec((1, D), lambda i: (0, 0)),
      ],
      out_specs=pl.BlockSpec((BR, D), lambda i: (i, 0)),
      out_shape=jax.ShapeDtypeStruct((NP, D), jnp.float32),
  )(p0, p1, h2, deg_part, b_conv_row)


def _pool_body(x1_hbm, x_hbm, starts_hbm, first_hbm, pooled, news,
               starts_v, first_v, buf, rowbuf, newsbuf):
  c = lax.axis_index("c")
  s = lax.axis_index("s")
  w = s * NC + c
  pltpu.sync_copy(starts_hbm, starts_v)
  pltpu.sync_copy(first_hbm, first_v)
  lane = lax.iota(jnp.int32, 16)

  def extract(ref, idx):
    vec = ref[pl.ds((idx // 16) * 16, 16)]
    return jnp.max(jnp.where(lane == (idx % 16), vec, -1))

  for jj in range(G // NW):
    g = w * (G // NW) + jj
    sval = extract(starts_v, g)
    eval_ = extract(starts_v, g + 1)
    fi = extract(first_v, g)

    pltpu.sync_copy(x_hbm.at[fi], newsbuf)
    pltpu.sync_copy(newsbuf, news.at[g])

    rowa = (sval // K) * K
    init_m = tuple(jnp.full((16,), -jnp.inf, jnp.float32) for _ in range(8))

    def cond(carry):
      return rowa + carry[0] * K < eval_

    def body(carry):
      k, m = carry
      row0 = rowa + k * K
      pltpu.sync_copy(x1_hbm.at[pl.ds(row0, K)], buf)

      def inner(r, m):
        gr = row0 + r
        valid = jnp.logical_and(gr >= sval, gr < eval_)
        return tuple(
            jnp.where(valid,
                      jnp.maximum(m[cc], buf[r, pl.ds(cc * 16, 16)]),
                      m[cc])
            for cc in range(8))
      m = lax.fori_loop(0, K, inner, m)
      return (k + 1, m)

    _, m = lax.while_loop(cond, body, (jnp.int32(0), init_m))
    for cc in range(8):
      rowbuf[pl.ds(cc * 16, 16)] = m[cc]
    pltpu.sync_copy(rowbuf, pooled.at[g])


def _pool_call(x1, x_pad, starts_ext, first_idx):
  kern = pl.kernel(
      _pool_body,
      out_type=(
          jax.ShapeDtypeStruct((G, D), jnp.float32),
          jax.ShapeDtypeStruct((G, D), jnp.float32),
      ),
      mesh=_mesh(),
      scratch_types=[
          pltpu.VMEM((144,), jnp.int32),
          pltpu.VMEM((G,), jnp.int32),
          pltpu.VMEM((K, D), jnp.float32),
          pltpu.VMEM((D,), jnp.float32),
          pltpu.VMEM((D,), jnp.float32),
      ],
      compiler_params=pltpu.CompilerParams(needs_layout_passes=False),
  )
  return kern(x1, x_pad, starts_ext, first_idx)


def _head_body(pooled_ref, newsr_ref, w0_ref, b0_ref, w1a_ref, w1b_ref,
               b1_ref, w2_ref, b2_ref, out_ref):
  nr = jnp.dot(newsr_ref[...], w0_ref[...],
               preferred_element_type=jnp.float32) + b0_ref[...]
  nr = jnp.maximum(nr, 0.0)
  z = (jnp.dot(pooled_ref[...], w1a_ref[...],
               preferred_element_type=jnp.float32)
       + jnp.dot(nr, w1b_ref[...], preferred_element_type=jnp.float32)
       + b1_ref[...])
  z = jnp.maximum(z, 0.0)
  logits = jnp.dot(z, w2_ref[...],
                   preferred_element_type=jnp.float32) + b2_ref[...]
  colmask = lax.broadcasted_iota(jnp.int32, (G, D), 1) < 2
  lm = jnp.where(colmask, logits, -1e30)
  mx = jnp.max(lm, axis=1, keepdims=True)
  sh = lm - mx
  se = jnp.sum(jnp.exp(sh), axis=1, keepdims=True)
  out_ref[...] = sh - jnp.log(se)


def _head_call(pooled, news_rows, W0, b0r, W1a, W1b, b1r, W2p, b2r):
  return pl.pallas_call(
      _head_body,
      out_shape=jax.ShapeDtypeStruct((G, D), jnp.float32),
  )(pooled, news_rows, W0, b0r, W1a, W1b, b1r, W2p, b2r)


@jax.jit
def kernel(x, edge_index, batch, num_graphs,
           W_conv, b_conv, W0, b0, W1, b1, W2, b2):
  del num_graphs
  src = edge_index[0].astype(jnp.int32).reshape(NW, E // NW)
  dst = edge_index[1].astype(jnp.int32).reshape(NW, E // NW)
  padw = EPT - E // NW
  src_t = jnp.concatenate(
      [src, jnp.zeros((NW, padw), jnp.int32)], axis=1)
  dst_pad = jnp.broadcast_to(
      N + jnp.arange(padw, dtype=jnp.int32) % (NP - N), (NW, padw))
  dst_t = jnp.concatenate([dst, dst_pad], axis=1)
  x_pad = jnp.pad(x, ((0, NP - N), (0, 0)))
  batch_col = jnp.pad(batch.astype(jnp.int32), (0, NP - N),
                      constant_values=G).reshape(NP, 1)
  zrows = jnp.zeros((128, D), jnp.float32)

  deg_part = _deg_call(dst_t)
  h2, starts_out = _h2_call(x_pad, W_conv, deg_part, batch_col)
  p0, p1 = _agg_call(h2, src_t, dst_t, zrows)
  x1 = _x1_call(p0, p1, h2, deg_part, b_conv.reshape(1, D))

  starts_ext = jnp.concatenate(
      [starts_out[0], jnp.full((16,), N, jnp.int32)])
  first_idx = starts_out[1]
  pooled, news_rows = _pool_call(x1, x_pad, starts_ext, first_idx)

  W1a, W1b = W1[:D], W1[D:]
  W2p = jnp.pad(W2, ((0, 0), (0, D - 2)))
  b2p = jnp.pad(b2, (0, D - 2))
  out = _head_call(pooled, news_rows, W0, b0.reshape(1, D),
                   W1a, W1b, b1.reshape(1, D), W2p, b2p.reshape(1, D))
  return out[:, :2]

# --- scband reference (transcript-rebuilt; emitter-appended) ---
"""Pipeline reference for scband-gcnmodel-41540923687252 (READ-ONLY COPY).

The authoritative reference and input builder live on the scoring server;
editing this copy changes nothing except your own understanding.
"""

import jax, jax.numpy as jnp
import numpy as np

N_NODES = 10000
N_EDGES = 320000
D_FEAT = 128
D_HID = 128
N_CLASSES = 2
N_GRAPHS = 128


def setup_inputs(seed: int = 0) -> dict:
    key = jax.random.key(seed)
    ks = jax.random.split(key, 12)
    x = jax.random.normal(ks[0], (N_NODES, D_FEAT), dtype=jnp.float32)
    edge_index = jax.random.randint(ks[1], (2, N_EDGES), 0, N_NODES, dtype=jnp.int64 if jax.config.jax_enable_x64 else jnp.int32)
    batch = jnp.sort(jax.random.randint(ks[2], (N_NODES,), 0, N_GRAPHS))
    s = 1.0 / np.sqrt(D_FEAT)
    W_conv = jax.random.uniform(ks[3], (D_FEAT, D_HID), jnp.float32, -s, s)
    b_conv = jax.random.uniform(ks[4], (D_HID,), jnp.float32, -s, s)
    W0 = jax.random.uniform(ks[5], (D_FEAT, D_HID), jnp.float32, -s, s)
    b0 = jax.random.uniform(ks[6], (D_HID,), jnp.float32, -s, s)
    s1 = 1.0 / np.sqrt(2 * D_HID)
    W1 = jax.random.uniform(ks[7], (2 * D_HID, D_HID), jnp.float32, -s1, s1)
    b1 = jax.random.uniform(ks[8], (D_HID,), jnp.float32, -s1, s1)
    s2 = 1.0 / np.sqrt(D_HID)
    W2 = jax.random.uniform(ks[9], (D_HID, N_CLASSES), jnp.float32, -s2, s2)
    b2 = jax.random.uniform(ks[10], (N_CLASSES,), jnp.float32, -s2, s2)
    return {"x": x, "edge_index": edge_index, "batch": batch, "num_graphs": N_GRAPHS,
            "W_conv": W_conv, "b_conv": b_conv, "W0": W0, "b0": b0,
            "W1": W1, "b1": b1, "W2": W2, "b2": b2}


def reference(x, edge_index, batch, num_graphs, W_conv, b_conv, W0, b0, W1, b1, W2, b2):
    N = x.shape[0]
    self_loop = jnp.arange(N, dtype=edge_index.dtype)
    src = jnp.concatenate([edge_index[0], self_loop])
    dst = jnp.concatenate([edge_index[1], self_loop])
    # GCN symmetric normalization with self loops
    deg = jnp.zeros((N,), jnp.float32).at[dst].add(1.0)
    dinv = jnp.where(deg > 0, jax.lax.rsqrt(deg), 0.0)
    norm = dinv[src] * dinv[dst]
    h = x @ W_conv
    msg = h[src] * norm[:, None]
    agg = jnp.zeros((N, h.shape[1]), jnp.float32).at[dst].add(msg) + b_conv
    x1 = jax.nn.relu(agg)
    graph_range = jnp.arange(N_GRAPHS, dtype=batch.dtype) % jnp.asarray(num_graphs, dtype=batch.dtype)
    # global max pool per graph
    pooled = jax.ops.segment_max(x1, batch, num_segments=N_GRAPHS)
    # root node (first node of each graph; batch is sorted)
    first_idx = jnp.searchsorted(batch, graph_range)
    news = x[first_idx]
    news = jax.nn.relu(news @ W0 + b0)
    cat = jnp.concatenate([pooled, news], axis=1)
    cat = jax.nn.relu(cat @ W1 + b1)
    logits = cat @ W2 + b2
    return jax.nn.log_softmax(logits, axis=-1)

if __name__ == "__main__":
    import jax
    _d = setup_inputs()
    print(jax.jit(kernel)(*tuple(_d.values())))

</pallas_src>

<mosaic_0001>
#map = affine_map<(d0, d1) -> (0, 0)>
#map1 = affine_map<(d0, d1) -> (0, 0, 0)>
module attributes {stable_mosaic.version = 14 : i64} {
  func.func @_agg_body(%arg0: i32, %arg1: i32, %arg2: memref<10240x128xf32, #tpu.memory_space<hbm>>, %arg3: memref<32x10112xi32, #tpu.memory_space<hbm>>, %arg4: memref<32x79x128xi32, #tpu.memory_space<hbm>>, %arg5: memref<128x128xf32, #tpu.memory_space<hbm>>, %arg6: memref<10240x128xf32, #tpu.memory_space<hbm>>, %arg7: memref<10240x128xf32, #tpu.memory_space<hbm>>, %arg8: memref<256xi32, #tpu.memory_space<vmem>>, %arg9: memref<79x128xi32, #tpu.memory_space<vmem>>, %arg10: memref<128x128xf32, #tpu.memory_space<vmem>>, %arg11: memref<128x128xf32, #tpu.memory_space<vmem>>, %arg12: memref<10240x128xf32, #tpu.memory_space<vmem_shared>>, %arg13: memref<!tpu.dma_semaphore, #tpu.memory_space<semaphore_mem>>, %arg14: memref<!tpu.dma_semaphore, #tpu.memory_space<semaphore_mem>>) attributes {dimension_semantics = [#tpu.dimension_semantics<core_parallel>, #tpu.dimension_semantics<subcore_parallel>], iteration_bounds = array<i64: 2, 16>, scalar_prefetch = 0 : i64, scratch_operands = 7 : i64, tpu.core_type = #tpu.core_type<sc_vector_subcore>, window_params = [{transform_indices = #map}, {transform_indices = #map}, {transform_indices = #map1}, {transform_indices = #map}, {transform_indices = #map}, {transform_indices = #map}]} {
    %mul3A = arith.constant 2 : i32
    %mul3A_0 = arith.muli %arg1, %mul3A : i32
    %add3A = arith.addi %mul3A_0, %arg0 : i32
    %mul3A_1 = arith.constant 640 : i32
    %mul3A_2 = arith.muli %arg1, %mul3A_1 : i32
    %add3A_3 = arith.constant 0 : i32
    %add3A_4 = arith.addi %mul3A_2, %add3A_3 : i32
    "tpu.region"() ({
      %run_scoped3A_35 = tpu.sem_alloc : memref<!tpu.dma_semaphore, #tpu.memory_space<semaphore_mem>>
      %dma_start3A_36 = arith.constant 0 : i32
      %dma_start3A_37 = tpu.memref_slice %arg12[%add3A_4, %dma_start3A_36] : memref<10240x128xf32, #tpu.memory_space<vmem_shared>> -> memref<128x128xf32, #tpu.memory_space<vmem_shared>>
      tpu.enqueue_dma source(%arg5 : memref<128x128xf32, #tpu.memory_space<hbm>>) target(%dma_start3A_37 : memref<128x128xf32, #tpu.memory_space<vmem_shared>>) target_semaphore(%run_scoped3A_35 : memref<!tpu.dma_semaphore, #tpu.memory_space<semaphore_mem>>)
      %dma_wait3A_38 = arith.constant 0 : i32
      %dma_wait3A_39 = tpu.memref_slice %arg12[%add3A_4, %dma_wait3A_38] : memref<10240x128xf32, #tpu.memory_space<vmem_shared>> -> memref<128x128xf32, #tpu.memory_space<vmem_shared>>
      tpu.wait_dma2 semaphore(%run_scoped3A_35 : memref<!tpu.dma_semaphore, #tpu.memory_space<semaphore_mem>>) src(%arg5 : memref<128x128xf32, #tpu.memory_space<hbm>>) dst(%dma_wait3A_39 : memref<128x128xf32, #tpu.memory_space<vmem_shared>>)
      tpu.yield
    }) : () -> ()
    %add3A_5 = arith.constant 128 : i32
    %add3A_6 = arith.addi %mul3A_2, %add3A_5 : i32
    "tpu.region"() ({
      %run_scoped3A_35 = tpu.sem_alloc : memref<!tpu.dma_semaphore, #tpu.memory_space<semaphore_mem>>
      %dma_start3A_36 = arith.constant 0 : i32
      %dma_start3A_37 = tpu.memref_slice %arg12[%add3A_6, %dma_start3A_36] : memref<10240x128xf32, #tpu.memory_space<vmem_shared>> -> memref<128x128xf32, #tpu.memory_space<vmem_shared>>
      tpu.enqueue_dma source(%arg5 : memref<128x128xf32, #tpu.memory_space<hbm>>) target(%dma_start3A_37 : memref<128x128xf32, #tpu.memory_space<vmem_shared>>) target_semaphore(%run_scoped3A_35 : memref<!tpu.dma_semaphore, #tpu.memory_space<semaphore_mem>>)
      %dma_wait3A_38 = arith.constant 0 : i32
      %dma_wait3A_39 = tpu.memref_slice %arg12[%add3A_6, %dma_wait3A_38] : memref<10240x128xf32, #tpu.memory_space<vmem_shared>> -> memref<128x128xf32, #tpu.memory_space<vmem_shared>>
      tpu.wait_dma2 semaphore(%run_scoped3A_35 : memref<!tpu.dma_semaphore, #tpu.memory_space<semaphore_mem>>) src(%arg5 : memref<128x128xf32, #tpu.memory_space<hbm>>) dst(%dma_wait3A_39 : memref<128x128xf32, #tpu.memory_space<vmem_shared>>)
      tpu.yield
    }) : () -> ()
    %add3A_7 = arith.constant 256 : i32
    %add3A_8 = arith.addi %mul3A_2, %add3A_7 : i32
    "tpu.region"() ({
      %run_scoped3A_35 = tpu.sem_alloc : memref<!tpu.dma_semaphore, #tpu.memory_space<semaphore_mem>>
      %dma_start3A_36 = arith.constant 0 : i32
      %dma_start3A_37 = tpu.memref_slice %arg12[%add3A_8, %dma_start3A_36] : memref<10240x128xf32, #tpu.memory_space<vmem_shared>> -> memref<128x128xf32, #tpu.memory_space<vmem_shared>>
      tpu.enqueue_dma source(%arg5 : memref<128x128xf32, #tpu.memory_space<hbm>>) target(%dma_start3A_37 : memref<128x128xf32, #tpu.memory_space<vmem_shared>>) target_semaphore(%run_scoped3A_35 : memref<!tpu.dma_semaphore, #tpu.memory_space<semaphore_mem>>)
      %dma_wait3A_38 = arith.constant 0 : i32
      %dma_wait3A_39 = tpu.memref_slice %arg12[%add3A_8, %dma_wait3A_38] : memref<10240x128xf32, #tpu.memory_space<vmem_shared>> -> memref<128x128xf32, #tpu.memory_space<vmem_shared>>
      tpu.wait_dma2 semaphore(%run_scoped3A_35 : memref<!tpu.dma_semaphore, #tpu.memory_space<semaphore_mem>>) src(%arg5 : memref<128x128xf32, #tpu.memory_space<hbm>>) dst(%dma_wait3A_39 : memref<128x128xf32, #tpu.memory_space<vmem_shared>>)
      tpu.yield
    }) : () -> ()
    %add3A_9 = arith.constant 384 : i32
    %add3A_10 = arith.addi %mul3A_2, %add3A_9 : i32
    "tpu.region"() ({
      %run_scoped3A_35 = tpu.sem_alloc : memref<!tpu.dma_semaphore, #tpu.memory_space<semaphore_mem>>
      %dma_start3A_36 = arith.constant 0 : i32
      %dma_start3A_37 = tpu.memref_slice %arg12[%add3A_10, %dma_start3A_36] : memref<10240x128xf32, #tpu.memory_space<vmem_shared>> -> memref<128x128xf32, #tpu.memory_space<vmem_shared>>
      tpu.enqueue_dma source(%arg5 : memref<128x128xf32, #tpu.memory_space<hbm>>) target(%dma_start3A_37 : memref<128x128xf32, #tpu.memory_space<vmem_shared>>) target_semaphore(%run_scoped3A_35 : memref<!tpu.dma_semaphore, #tpu.memory_space<semaphore_mem>>)
      %dma_wait3A_38 = arith.constant 0 : i32
      %dma_wait3A_39 = tpu.memref_slice %arg12[%add3A_10, %dma_wait3A_38] : memref<10240x128xf32, #tpu.memory_space<vmem_shared>> -> memref<128x128xf32, #tpu.memory_space<vmem_shared>>
      tpu.wait_dma2 semaphore(%run_scoped3A_35 : memref<!tpu.dma_semaphore, #tpu.memory_space<semaphore_mem>>) src(%arg5 : memref<128x128xf32, #tpu.memory_space<hbm>>) dst(%dma_wait3A_39 : memref<128x128xf32, #tpu.memory_space<vmem_shared>>)
      tpu.yield
    }) : () -> ()
    %add3A_11 = arith.constant 512 : i32
    %add3A_12 = arith.addi %mul3A_2, %add3A_11 : i32
    "tpu.region"() ({
      %run_scoped3A_35 = tpu.sem_alloc : memref<!tpu.dma_semaphore, #tpu.memory_space<semaphore_mem>>
      %dma_start3A_36 = arith.constant 0 : i32
      %dma_start3A_37 = tpu.memref_slice %arg12[%add3A_12, %dma_start3A_36] : memref<10240x128xf32, #tpu.memory_space<vmem_shared>> -> memref<128x128xf32, #tpu.memory_space<vmem_shared>>
      tpu.enqueue_dma source(%arg5 : memref<128x128xf32, #tpu.memory_space<hbm>>) target(%dma_start3A_37 : memref<128x128xf32, #tpu.memory_space<vmem_shared>>) target_semaphore(%run_scoped3A_35 : memref<!tpu.dma_semaphore, #tpu.memory_space<semaphore_mem>>)
      %dma_wait3A_38 = arith.constant 0 : i32
      %dma_wait3A_39 = tpu.memref_slice %arg12[%add3A_12, %dma_wait3A_38] : memref<10240x128xf32, #tpu.memory_space<vmem_shared>> -> memref<128x128xf32, #tpu.memory_space<vmem_shared>>
      tpu.wait_dma2 semaphore(%run_scoped3A_35 : memref<!tpu.dma_semaphore, #tpu.memory_space<semaphore_mem>>) src(%arg5 : memref<128x128xf32, #tpu.memory_space<hbm>>) dst(%dma_wait3A_39 : memref<128x128xf32, #tpu.memory_space<vmem_shared>>)
      tpu.yield
    }) : () -> ()
    "tpu.region"() ({
      %run_scoped3A_35 = tpu.sem_alloc : memref<!tpu.dma_semaphore, #tpu.memory_space<semaphore_mem>>
      %dma_start3A_36 = arith.constant 0 : i32
      %dma_start3A_37 = arith.constant 0 : i32
      %dma_start3A_38 = tpu.memref_slice %arg4[%add3A, %dma_start3A_36, %dma_start3A_37] : memref<32x79x128xi32, #tpu.memory_space<hbm>> -> memref<1x79x128xi32, #tpu.memory_space<hbm>>
      %dma_start3A_39 = tpu.memref_squeeze %dma_start3A_38 : memref<1x79x128xi32, #tpu.memory_space<hbm>> -> memref<79x128xi32, #tpu.memory_space<hbm>>
      %dma_start3A_40 = arith.constant 0 : i32
      %dma_start3A_41 = arith.constant 0 : i32
      %dma_start3A_42 = tpu.memref_slice %arg4[%add3A, %dma_start3A_40, %dma_start3A_41] : memref<32x79x128xi32, #tpu.memory_space<hbm>> -> memref<1x79x128xi32, #tpu.memory_space<hbm>>
      %dma_start3A_43 = tpu.memref_squeeze %dma_start3A_42 : memref<1x79x128xi32, #tpu.memory_space<hbm>> -> memref<79x128xi32, #tpu.memory_space<hbm>>
      tpu.enqueue_dma source(%dma_start3A_43 : memref<79x128xi32, #tpu.memory_space<hbm>>) target(%arg9 : memref<79x128xi32, #tpu.memory_space<vmem>>) target_semaphore(%run_scoped3A_35 : memref<!tpu.dma_semaphore, #tpu.memory_space<semaphore_mem>>)
      %dma_wait3A_44 = arith.constant 0 : i32
      %dma_wait3A_45 = arith.constant 0 : i32
      %dma_wait3A_46 = tpu.memref_slice %arg4[%add3A, %dma_wait3A_44, %dma_wait3A_45] : memref<32x79x128xi32, #tpu.memory_space<hbm>> -> memref<1x79x128xi32, #tpu.memory_space<hbm>>
      %dma_wait3A_47 = tpu.memref_squeeze %dma_wait3A_46 : memref<1x79x128xi32, #tpu.memory_space<hbm>> -> memref<79x128xi32, #tpu.memory_space<hbm>>
      %dma_wait3A_48 = arith.constant 0 : i32
      %dma_wait3A_49 = arith.constant 0 : i32
      %dma_wait3A_50 = tpu.memref_slice %arg4[%add3A, %dma_wait3A_48, %dma_wait3A_49] : memref<32x79x128xi32, #tpu.memory_space<hbm>> -> memref<1x79x128xi32, #tpu.memory_space<hbm>>
      %dma_wait3A_51 = tpu.memref_squeeze %dma_wait3A_50 : memref<1x79x128xi32, #tpu.memory_space<hbm>> -> memref<79x128xi32, #tpu.memory_space<hbm>>
      tpu.wait_dma2 semaphore(%run_scoped3A_35 : memref<!tpu.dma_semaphore, #tpu.memory_space<semaphore_mem>>) src(%dma_wait3A_51 : memref<79x128xi32, #tpu.memory_space<hbm>>) dst(%arg9 : memref<79x128xi32, #tpu.memory_space<vmem>>)
      tpu.yield
    }) : () -> ()
    %barrier3A = arith.constant 0 : index
    tpu.barrier barrier_id(%barrier3A)
    %scan3A = arith.constant 0 : i32
    %scan3A_13 = arith.constant 0 : i32
    %scan3A_14 = arith.constant 39 : i32
    %scan3A_15 = arith.addi %scan3A_13, %scan3A_14 : i32
    %scan3A_16 = arith.constant 1 : i32
    %scan3A_17 = scf.for %scan3A_35 = %scan3A_13 to %scan3A_15 step %scan3A_16 iter_args(%scan3A_36 = %scan3A) -> (i32)  : i32 {
      %mul3A_37 = arith.constant 2 : i32
      %mul3A_38 = arith.muli %scan3A_35, %mul3A_37 : i32
      %mul3A_39 = arith.constant 128 : i32
      %mul3A_40 = arith.muli %mul3A_38, %mul3A_39 : i32
      "tpu.region"() ({
        %run_scoped3A_64 = tpu.sem_alloc : memref<!tpu.dma_semaphore, #tpu.memory_space<semaphore_mem>>
        %dma_start3A_65 = tpu.memref_slice %arg3[%add3A, %mul3A_40] : memref<32x10112xi32, #tpu.memory_space<hbm>> -> memref<1x256xi32, #tpu.memory_space<hbm>>
        %dma_start3A_66 = tpu.memref_squeeze %dma_start3A_65 : memref<1x256xi32, #tpu.memory_space<hbm>> -> memref<256xi32, #tpu.memory_space<hbm>>
        %dma_start3A_67 = tpu.memref_slice %arg3[%add3A, %mul3A_40] : memref<32x10112xi32, #tpu.memory_space<hbm>> -> memref<1x256xi32, #tpu.memory_space<hbm>>
        %dma_start3A_68 = tpu.memref_squeeze %dma_start3A_67 : memref<1x256xi32, #tpu.memory_space<hbm>> -> memref<256xi32, #tpu.memory_space<hbm>>
        tpu.enqueue_dma source(%dma_start3A_68 : memref<256xi32, #tpu.memory_space<hbm>>) target(%arg8 : memref<256xi32, #tpu.memory_space<vmem>>) target_semaphore(%run_scoped3A_64 : memref<!tpu.dma_semaphore, #tpu.memory_space<semaphore_mem>>)
        %dma_wait3A_69 = tpu.memref_slice %arg3[%add3A, %mul3A_40] : memref<32x10112xi32, #tpu.memory_space<hbm>> -> memref<1x256xi32, #tpu.memory_space<hbm>>
        %dma_wait3A_70 = tpu.memref_squeeze %dma_wait3A_69 : memref<1x256xi32, #tpu.memory_space<hbm>> -> memref<256xi32, #tpu.memory_space<hbm>>
        %dma_wait3A_71 = tpu.memref_slice %arg3[%add3A, %mul3A_40] : memref<32x10112xi32, #tpu.memory_space<hbm>> -> memref<1x256xi32, #tpu.memory_space<hbm>>
        %dma_wait3A_72 = tpu.memref_squeeze %dma_wait3A_71 : memref<1x256xi32, #tpu.memory_space<hbm>> -> memref<256xi32, #tpu.memory_space<hbm>>
        tpu.wait_dma2 semaphore(%run_scoped3A_64 : memref<!tpu.dma_semaphore, #tpu.memory_space<semaphore_mem>>) src(%dma_wait3A_72 : memref<256xi32, #tpu.memory_space<hbm>>) dst(%arg8 : memref<256xi32, #tpu.memory_space<vmem>>)
        tpu.yield
      }) : () -> ()
      %dma_start3A_41 = arith.constant 0 : i32
      %dma_start3A_42 = tpu.memref_slice %arg8[%dma_start3A_41] : memref<256xi32, #tpu.memory_space<vmem>> -> memref<128xi32, #tpu.memory_space<vmem>>
      %dma_start3A_43 = arith.constant 0 : i32
      %dma_start3A_44 = arith.constant 0 : i32
      %dma_start3A_45 = tpu.memref_slice %arg2[%dma_start3A_43, %dma_start3A_44] : memref<10240x128xf32, #tpu.memory_space<hbm>> -> memref<10240x128xf32, #tpu.memory_space<hbm>>
      tpu.enqueue_indirect_dma source(%dma_start3A_45 : memref<10240x128xf32, #tpu.memory_space<hbm>>) target(%arg10 : memref<128x128xf32, #tpu.memory_space<vmem>>) offsets(%dma_start3A_42 : memref<128xi32, #tpu.memory_space<vmem>>) semaphore(%arg13 : memref<!tpu.dma_semaphore, #tpu.memory_space<semaphore_mem>>)
      %dma_start3A_46 = arith.constant 128 : i32
      %dma_start3A_47 = tpu.memref_slice %arg8[%dma_start3A_46] : memref<256xi32, #tpu.memory_space<vmem>> -> memref<128xi32, #tpu.memory_space<vmem>>
      %dma_start3A_48 = arith.constant 0 : i32
      %dma_start3A_49 = arith.constant 0 : i32
      %dma_start3A_50 = tpu.memref_slice %arg2[%dma_start3A_48, %dma_start3A_49] : memref<10240x128xf32, #tpu.memory_space<hbm>> -> memref<10240x128xf32, #tpu.memory_space<hbm>>
      tpu.enqueue_indirect_dma source(%dma_start3A_50 : memref<10240x128xf32, #tpu.memory_space<hbm>>) target(%arg11 : memref<128x128xf32, #tpu.memory_space<vmem>>) offsets(%dma_start3A_47 : memref<128xi32, #tpu.memory_space<vmem>>) semaphore(%arg14 : memref<!tpu.dma_semaphore, #tpu.memory_space<semaphore_mem>>)
      %dma_wait3A_51 = arith.constant 0 : i32
      %dma_wait3A_52 = tpu.memref_slice %arg8[%dma_wait3A_51] : memref<256xi32, #tpu.memory_space<vmem>> -> memref<128xi32, #tpu.memory_space<vmem>>
      %dma_wait3A_53 = arith.constant 0 : i32
      %dma_wait3A_54 = arith.constant 0 : i32
      %dma_wait3A_55 = tpu.memref_slice %arg2[%dma_wait3A_53, %dma_wait3A_54] : memref<10240x128xf32, #tpu.memory_space<hbm>> -> memref<10240x128xf32, #tpu.memory_space<hbm>>
      tpu.wait_indirect_dma semaphore(%arg13 : memref<!tpu.dma_semaphore, #tpu.memory_space<semaphore_mem>>) src(%dma_wait3A_55 : memref<10240x128xf32, #tpu.memory_space<hbm>>) dst(%arg10 : memref<128x128xf32, #tpu.memory_space<vmem>>)
      "tpu.region"() ({
        %run_scoped3A_64 = tpu.sem_alloc : memref<!tpu.dma_semaphore, #tpu.memory_space<semaphore_mem>>
        %dma_start3A_65 = arith.constant 0 : i32
        %dma_start3A_66 = tpu.memref_slice %arg9[%mul3A_38, %dma_start3A_65] : memref<79x128xi32, #tpu.memory_space<vmem>> -> memref<1x128xi32, #tpu.memory_space<vmem>>
        %dma_start3A_67 = tpu.memref_squeeze %dma_start3A_66 : memref<1x128xi32, #tpu.memory_space<vmem>> -> memref<128xi32, #tpu.memory_space<vmem>>
        %dma_start3A_68 = arith.constant 0 : i32
        %dma_start3A_69 = arith.constant 0 : i32
        %dma_start3A_70 = tpu.memref_slice %arg12[%dma_start3A_68, %dma_start3A_69] : memref<10240x128xf32, #tpu.memory_space<vmem_shared>> -> memref<10240x128xf32, #tpu.memory_space<vmem_shared>>
        tpu.enqueue_indirect_dma source(%arg10 : memref<128x128xf32, #tpu.memory_space<vmem>>) target(%dma_start3A_70 : memref<10240x128xf32, #tpu.memory_space<vmem_shared>>) offsets(%dma_start3A_67 : memref<128xi32, #tpu.memory_space<vmem>>) semaphore(%run_scoped3A_64 : memref<!tpu.dma_semaphore, #tpu.memory_space<semaphore_mem>>) {add = true}
        %dma_wait3A_71 = arith.constant 0 : i32
        %dma_wait3A_72 = tpu.memref_slice %arg9[%mul3A_38, %dma_wait3A_71] : memref<79x128xi32, #tpu.memory_space<vmem>> -> memref<1x128xi32, #tpu.memory_space<vmem>>
        %dma_wait3A_73 = tpu.memref_squeeze %dma_wait3A_72 : memref<1x128xi32, #tpu.memory_space<vmem>> -> memref<128xi32, #tpu.memory_space<vmem>>
        %dma_wait3A_74 = arith.constant 0 : i32
        %dma_wait3A_75 = arith.constant 0 : i32
        %dma_wait3A_76 = tpu.memref_slice %arg12[%dma_wait3A_74, %dma_wait3A_75] : memref<10240x128xf32, #tpu.memory_space<vmem_shared>> -> memref<10240x128xf32, #tpu.memory_space<vmem_shared>>
        tpu.wait_indirect_dma semaphore(%run_scoped3A_64 : memref<!tpu.dma_semaphore, #tpu.memory_space<semaphore_mem>>) src(%arg10 : memref<128x128xf32, #tpu.memory_space<vmem>>) dst(%dma_wait3A_76 : memref<10240x128xf32, #tpu.memory_space<vmem_shared>>)
        tpu.yield
      }) : () -> ()
      %dma_wait3A_56 = arith.constant 128 : i32
      %dma_wait3A_57 = tpu.memref_slice %arg8[%dma_wait3A_56] : memref<256xi32, #tpu.memory_space<vmem>> -> memref<128xi32, #tpu.memory_space<vmem>>
      %dma_wait3A_58 = arith.constant 0 : i32
      %dma_wait3A_59 = arith.constant 0 : i32
      %dma_wait3A_60 = tpu.memref_slice %arg2[%dma_wait3A_58, %dma_wait3A_59] : memref<10240x128xf32, #tpu.memory_space<hbm>> -> memref<10240x128xf32, #tpu.memory_space<hbm>>
      tpu.wait_indirect_dma semaphore(%arg14 : memref<!tpu.dma_semaphore, #tpu.memory_space<semaphore_mem>>) src(%dma_wait3A_60 : memref<10240x128xf32, #tpu.memory_space<hbm>>) dst(%arg11 : memref<128x128xf32, #tpu.memory_space<vmem>>)
      %add3A_61 = arith.constant 1 : i32
      %add3A_62 = arith.addi %mul3A_38, %add3A_61 : i32
      "tpu.region"() ({
        %run_scoped3A_64 = tpu.sem_alloc : memref<!tpu.dma_semaphore, #tpu.memory_space<semaphore_mem>>
        %dma_start3A_65 = arith.constant 0 : i32
        %dma_start3A_66 = tpu.memref_slice %arg9[%add3A_62, %dma_start3A_65] : memref<79x128xi32, #tpu.memory_space<vmem>> -> memref<1x128xi32, #tpu.memory_space<vmem>>
        %dma_start3A_67 = tpu.memref_squeeze %dma_start3A_66 : memref<1x128xi32, #tpu.memory_space<vmem>> -> memref<128xi32, #tpu.memory_space<vmem>>
        %dma_start3A_68 = arith.constant 0 : i32
        %dma_start3A_69 = arith.constant 0 : i32
        %dma_start3A_70 = tpu.memref_slice %arg12[%dma_start3A_68, %dma_start3A_69] : memref<10240x128xf32, #tpu.memory_space<vmem_shared>> -> memref<10240x128xf32, #tpu.memory_space<vmem_shared>>
        tpu.enqueue_indirect_dma source(%arg11 : memref<128x128xf32, #tpu.memory_space<vmem>>) target(%dma_start3A_70 : memref<10240x128xf32, #tpu.memory_space<vmem_shared>>) offsets(%dma_start3A_67 : memref<128xi32, #tpu.memory_space<vmem>>) semaphore(%run_scoped3A_64 : memref<!tpu.dma_semaphore, #tpu.memory_space<semaphore_mem>>) {add = true}
        %dma_wait3A_71 = arith.constant 0 : i32
        %dma_wait3A_72 = tpu.memref_slice %arg9[%add3A_62, %dma_wait3A_71] : memref<79x128xi32, #tpu.memory_space<vmem>> -> memref<1x128xi32, #tpu.memory_space<vmem>>
        %dma_wait3A_73 = tpu.memref_squeeze %dma_wait3A_72 : memref<1x128xi32, #tpu.memory_space<vmem>> -> memref<128xi32, #tpu.memory_space<vmem>>
        %dma_wait3A_74 = arith.constant 0 : i32
        %dma_wait3A_75 = arith.constant 0 : i32
        %dma_wait3A_76 = tpu.memref_slice %arg12[%dma_wait3A_74, %dma_wait3A_75] : memref<10240x128xf32, #tpu.memory_space<vmem_shared>> -> memref<10240x128xf32, #tpu.memory_space<vmem_shared>>
        tpu.wait_indirect_dma semaphore(%run_scoped3A_64 : memref<!tpu.dma_semaphore, #tpu.memory_space<semaphore_mem>>) src(%arg11 : memref<128x128xf32, #tpu.memory_space<vmem>>) dst(%dma_wait3A_76 : memref<10240x128xf32, #tpu.memory_space<vmem_shared>>)
        tpu.yield
      }) : () -> ()
      %scan3A_63 = arith.constant 0 : i32
      scf.yield %scan3A_63 : i32
    }
    %scan3A_18 = arith.constant 39 : i32
    "tpu.region"() ({
      %run_scoped3A_35 = tpu.sem_alloc : memref<!tpu.dma_semaphore, #tpu.memory_space<semaphore_mem>>
      %dma_start3A_36 = arith.constant 0 : i32
      %dma_start3A_37 = tpu.memref_slice %arg8[%dma_start3A_36] : memref<256xi32, #tpu.memory_space<vmem>> -> memref<128xi32, #tpu.memory_space<vmem>>
      %dma_start3A_38 = arith.constant 9984 : i32
      %dma_start3A_39 = tpu.memref_slice %arg3[%add3A, %dma_start3A_38] : memref<32x10112xi32, #tpu.memory_space<hbm>> -> memref<1x128xi32, #tpu.memory_space<hbm>>
      %dma_start3A_40 = tpu.memref_squeeze %dma_start3A_39 : memref<1x128xi32, #tpu.memory_space<hbm>> -> memref<128xi32, #tpu.memory_space<hbm>>
      %dma_start3A_41 = arith.constant 0 : i32
      %dma_start3A_42 = tpu.memref_slice %arg8[%dma_start3A_41] : memref<256xi32, #tpu.memory_space<vmem>> -> memref<128xi32, #tpu.memory_space<vmem>>
      %dma_start3A_43 = arith.constant 9984 : i32
      %dma_start3A_44 = tpu.memref_slice %arg3[%add3A, %dma_start3A_43] : memref<32x10112xi32, #tpu.memory_space<hbm>> -> memref<1x128xi32, #tpu.memory_space<hbm>>
      %dma_start3A_45 = tpu.memref_squeeze %dma_start3A_44 : memref<1x128xi32, #tpu.memory_space<hbm>> -> memref<128xi32, #tpu.memory_space<hbm>>
      tpu.enqueue_dma source(%dma_start3A_45 : memref<128xi32, #tpu.memory_space<hbm>>) target(%dma_start3A_42 : memref<128xi32, #tpu.memory_space<vmem>>) target_semaphore(%run_scoped3A_35 : memref<!tpu.dma_semaphore, #tpu.memory_space<semaphore_mem>>)
      %dma_wait3A_46 = arith.constant 0 : i32
      %dma_wait3A_47 = tpu.memref_slice %arg8[%dma_wait3A_46] : memref<256xi32, #tpu.memory_space<vmem>> -> memref<128xi32, #tpu.memory_space<vmem>>
      %dma_wait3A_48 = arith.constant 9984 : i32
      %dma_wait3A_49 = tpu.memref_slice %arg3[%add3A, %dma_wait3A_48] : memref<32x10112xi32, #tpu.memory_space<hbm>> -> memref<1x128xi32, #tpu.memory_space<hbm>>
      %dma_wait3A_50 = tpu.memref_squeeze %dma_wait3A_49 : memref<1x128xi32, #tpu.memory_space<hbm>> -> memref<128xi32, #tpu.memory_space<hbm>>
      %dma_wait3A_51 = arith.constant 0 : i32
      %dma_wait3A_52 = tpu.memref_slice %arg8[%dma_wait3A_51] : memref<256xi32, #tpu.memory_space<vmem>> -> memref<128xi32, #tpu.memory_space<vmem>>
      %dma_wait3A_53 = arith.constant 9984 : i32
      %dma_wait3A_54 = tpu.memref_slice %arg3[%add3A, %dma_wait3A_53] : memref<32x10112xi32, #tpu.memory_space<hbm>> -> memref<1x128xi32, #tpu.memory_space<hbm>>
      %dma_wait3A_55 = tpu.memref_squeeze %dma_wait3A_54 : memref<1x128xi32, #tpu.memory_space<hbm>> -> memref<128xi32, #tpu.memory_space<hbm>>
      tpu.wait_dma2 semaphore(%run_scoped3A_35 : memref<!tpu.dma_semaphore, #tpu.memory_space<semaphore_mem>>) src(%dma_wait3A_55 : memref<128xi32, #tpu.memory_space<hbm>>) dst(%dma_wait3A_52 : memref<128xi32, #tpu.memory_space<vmem>>)
      tpu.yield
    }) : () -> ()
    %dma_start3A = arith.constant 0 : i32
    %dma_start3A_19 = tpu.memref_slice %arg8[%dma_start3A] : memref<256xi32, #tpu.memory_space<vmem>> -> memref<128xi32, #tpu.memory_space<vmem>>
    %dma_start3A_20 = arith.constant 0 : i32
    %dma_start3A_21 = arith.constant 0 : i32
    %dma_start3A_22 = tpu.memref_slice %arg2[%dma_start3A_20, %dma_start3A_21] : memref<10240x128xf32, #tpu.memory_space<hbm>> -> memref<10240x128xf32, #tpu.memory_space<hbm>>
    tpu.enqueue_indirect_dma source(%dma_start3A_22 : memref<10240x128xf32, #tpu.memory_space<hbm>>) target(%arg10 : memref<128x128xf32, #tpu.memory_space<vmem>>) offsets(%dma_start3A_19 : memref<128xi32, #tpu.memory_space<vmem>>) semaphore(%arg13 : memref<!tpu.dma_semaphore, #tpu.memory_space<semaphore_mem>>)
    %dma_wait3A = arith.constant 0 : i32
    %dma_wait3A_23 = tpu.memref_slice %arg8[%dma_wait3A] : memref<256xi32, #tpu.memory_space<vmem>> -> memref<128xi32, #tpu.memory_space<vmem>>
    %dma_wait3A_24 = arith.constant 0 : i32
    %dma_wait3A_25 = arith.constant 0 : i32
    %dma_wait3A_26 = tpu.memref_slice %arg2[%dma_wait3A_24, %dma_wait3A_25] : memref<10240x128xf32, #tpu.memory_space<hbm>> -> memref<10240x128xf32, #tpu.memory_space<hbm>>
    tpu.wait_indirect_dma semaphore(%arg13 : memref<!tpu.dma_semaphore, #tpu.memory_space<semaphore_mem>>) src(%dma_wait3A_26 : memref<10240x128xf32, #tpu.memory_space<hbm>>) dst(%arg10 : memref<128x128xf32, #tpu.memory_space<vmem>>)
    %run_scoped3A = arith.constant 78 : i32
    "tpu.region"() ({
      %run_scoped3A_35 = tpu.sem_alloc : memref<!tpu.dma_semaphore, #tpu.memory_space<semaphore_mem>>
      %dma_start3A_36 = arith.constant 0 : i32
      %dma_start3A_37 = tpu.memref_slice %arg9[%run_scoped3A, %dma_start3A_36] : memref<79x128xi32, #tpu.memory_space<vmem>> -> memref<1x128xi32, #tpu.memory_space<vmem>>
      %dma_start3A_38 = tpu.memref_squeeze %dma_start3A_37 : memref<1x128xi32, #tpu.memory_space<vmem>> -> memref<128xi32, #tpu.memory_space<vmem>>
      %dma_start3A_39 = arith.constant 0 : i32
      %dma_start3A_40 = arith.constant 0 : i32
      %dma_start3A_41 = tpu.memref_slice %arg12[%dma_start3A_39, %dma_start3A_40] : memref<10240x128xf32, #tpu.memory_space<vmem_shared>> -> memref<10240x128xf32, #tpu.memory_space<vmem_shared>>
      tpu.enqueue_indirect_dma source(%arg10 : memref<128x128xf32, #tpu.memory_space<vmem>>) target(%dma_start3A_41 : memref<10240x128xf32, #tpu.memory_space<vmem_shared>>) offsets(%dma_start3A_38 : memref<128xi32, #tpu.memory_space<vmem>>) semaphore(%run_scoped3A_35 : memref<!tpu.dma_semaphore, #tpu.memory_space<semaphore_mem>>) {add = true}
      %dma_wait3A_42 = arith.constant 0 : i32
      %dma_wait3A_43 = tpu.memref_slice %arg9[%run_scoped3A, %dma_wait3A_42] : memref<79x128xi32, #tpu.memory_space<vmem>> -> memref<1x128xi32, #tpu.memory_space<vmem>>
      %dma_wait3A_44 = tpu.memref_squeeze %dma_wait3A_43 : memref<1x128xi32, #tpu.memory_space<vmem>> -> memref<128xi32, #tpu.memory_space<vmem>>
      %dma_wait3A_45 = arith.constant 0 : i32
      %dma_wait3A_46 = arith.constant 0 : i32
      %dma_wait3A_47 = tpu.memref_slice %arg12[%dma_wait3A_45, %dma_wait3A_46] : memref<10240x128xf32, #tpu.memory_space<vmem_shared>> -> memref<10240x128xf32, #tpu.memory_space<vmem_shared>>
      tpu.wait_indirect_dma semaphore(%run_scoped3A_35 : memref<!tpu.dma_semaphore, #tpu.memory_space<semaphore_mem>>) src(%arg10 : memref<128x128xf32, #tpu.memory_space<vmem>>) dst(%dma_wait3A_47 : memref<10240x128xf32, #tpu.memory_space<vmem_shared>>)
      tpu.yield
    }) : () -> ()
    %barrier3A_27 = arith.constant 0 : index
    tpu.barrier barrier_id(%barrier3A_27)
    %eq3A = arith.constant 0 : i32
    %eq3A_28 = arith.cmpi eq, %arg0, %eq3A : i32
    %convert_element_type3A = arith.extui %eq3A_28 : i1 to i32
    %cond3A = arith.constant 0 : i32
    %cond3A_29 = arith.cmpi ne, %convert_element_type3A, %cond3A : i32
    scf.if %cond3A_29 {
      "tpu.region"() ({
        %run_scoped3A_35 = tpu.sem_alloc : memref<!tpu.dma_semaphore, #tpu.memory_space<semaphore_mem>>
        %dma_start3A_36 = arith.constant 0 : i32
        %dma_start3A_37 = tpu.memref_slice %arg6[%mul3A_2, %dma_start3A_36] : memref<10240x128xf32, #tpu.memory_space<hbm>> -> memref<640x128xf32, #tpu.memory_space<hbm>>
        %dma_start3A_38 = arith.constant 0 : i32
        %dma_start3A_39 = tpu.memref_slice %arg12[%mul3A_2, %dma_start3A_38] : memref<10240x128xf32, #tpu.memory_space<vmem_shared>> -> memref<640x128xf32, #tpu.memory_space<vmem_shared>>
        tpu.enqueue_dma source(%dma_start3A_39 : memref<640x128xf32, #tpu.memory_space<vmem_shared>>) target(%dma_start3A_37 : memref<640x128xf32, #tpu.memory_space<hbm>>) target_semaphore(%run_scoped3A_35 : memref<!tpu.dma_semaphore, #tpu.memory_space<semaphore_mem>>)
        %dma_wait3A_40 = arith.constant 0 : i32
        %dma_wait3A_41 = tpu.memref_slice %arg6[%mul3A_2, %dma_wait3A_40] : memref<10240x128xf32, #tpu.memory_space<hbm>> -> memref<640x128xf32, #tpu.memory_space<hbm>>
        %dma_wait3A_42 = arith.constant 0 : i32
        %dma_wait3A_43 = tpu.memref_slice %arg12[%mul3A_2, %dma_wait3A_42] : memref<10240x128xf32, #tpu.memory_space<vmem_shared>> -> memref<640x128xf32, #tpu.memory_space<vmem_shared>>
        tpu.wait_dma2 semaphore(%run_scoped3A_35 : memref<!tpu.dma_semaphore, #tpu.memory_space<semaphore_mem>>) src(%dma_wait3A_43 : memref<640x128xf32, #tpu.memory_space<vmem_shared>>) dst(%dma_wait3A_41 : memref<640x128xf32, #tpu.memory_space<hbm>>)
        tpu.yield
      }) : () -> ()
    } else {
    }
    %eq3A_30 = arith.constant 1 : i32
    %eq3A_31 = arith.cmpi eq, %arg0, %eq3A_30 : i32
    %convert_element_type3A_32 = arith.extui %eq3A_31 : i1 to i32
    %cond3A_33 = arith.constant 0 : i32
    %cond3A_34 = arith.cmpi ne, %convert_element_type3A_32, %cond3A_33 : i32
    scf.if %cond3A_34 {
      "tpu.region"() ({
        %run_scoped3A_35 = tpu.sem_alloc : memref<!tpu.dma_semaphore, #tpu.memory_space<semaphore_mem>>
        %dma_start3A_36 = arith.constant 0 : i32
        %dma_start3A_37 = tpu.memref_slice %arg7[%mul3A_2, %dma_start3A_36] : memref<10240x128xf32, #tpu.memory_space<hbm>> -> memref<640x128xf32, #tpu.memory_space<hbm>>
        %dma_start3A_38 = arith.constant 0 : i32
        %dma_start3A_39 = tpu.memref_slice %arg12[%mul3A_2, %dma_start3A_38] : memref<10240x128xf32, #tpu.memory_space<vmem_shared>> -> memref<640x128xf32, #tpu.memory_space<vmem_shared>>
        tpu.enqueue_dma source(%dma_start3A_39 : memref<640x128xf32, #tpu.memory_space<vmem_shared>>) target(%dma_start3A_37 : memref<640x128xf32, #tpu.memory_space<hbm>>) target_semaphore(%run_scoped3A_35 : memref<!tpu.dma_semaphore, #tpu.memory_space<semaphore_mem>>)
        %dma_wait3A_40 = arith.constant 0 : i32
        %dma_wait3A_41 = tpu.memref_slice %arg7[%mul3A_2, %dma_wait3A_40] : memref<10240x128xf32, #tpu.memory_space<hbm>> -> memref<640x128xf32, #tpu.memory_space<hbm>>
        %dma_wait3A_42 = arith.constant 0 : i32
        %dma_wait3A_43 = tpu.memref_slice %arg12[%mul3A_2, %dma_wait3A_42] : memref<10240x128xf32, #tpu.memory_space<vmem_shared>> -> memref<640x128xf32, #tpu.memory_space<vmem_shared>>
        tpu.wait_dma2 semaphore(%run_scoped3A_35 : memref<!tpu.dma_semaphore, #tpu.memory_space<semaphore_mem>>) src(%dma_wait3A_43 : memref<640x128xf32, #tpu.memory_space<vmem_shared>>) dst(%dma_wait3A_41 : memref<640x128xf32, #tpu.memory_space<hbm>>)
        tpu.yield
      }) : () -> ()
    } else {
    }
    return
  }
}

#map = affine_map<(d0, d1) -> (0, 0)>
module attributes {stable_mosaic.version = 14 : i64} {
  func.func @_deg_body(%arg0: i32, %arg1: i32, %arg2: memref<32x10112xi32, #tpu.memory_space<hbm>>, %arg3: memref<32x10240xf32, #tpu.memory_space<hbm>>, %arg4: memref<10112xi32, #tpu.memory_space<vmem>>, %arg5: memref<10240xf32, #tpu.memory_space<vmem>>) attributes {dimension_semantics = [#tpu.dimension_semantics<core_parallel>, #tpu.dimension_semantics<subcore_parallel>], iteration_bounds = array<i64: 2, 16>, scalar_prefetch = 0 : i64, scratch_operands = 2 : i64, tpu.core_type = #tpu.core_type<sc_vector_subcore>, window_params = [{transform_indices = #map}, {transform_indices = #map}]} {
    %mul3A = arith.constant 2 : i32
    %mul3A_0 = arith.muli %arg1, %mul3A : i32
    %add3A = arith.addi %mul3A_0, %arg0 : i32
    %scan3A = arith.constant 0 : i32
    %scan3A_1 = arith.constant 0 : i32
    %scan3A_2 = arith.constant 640 : i32
    %scan3A_3 = arith.addi %scan3A_1, %scan3A_2 : i32
    %scan3A_4 = arith.constant 1 : i32
    %scan3A_5 = scf.for %scan3A_15 = %scan3A_1 to %scan3A_3 step %scan3A_4 iter_args(%scan3A_16 = %scan3A) -> (i32)  : i32 {
      %broadcast_in_dim3A_17 = arith.constant 0.000000e+00 : f32
      %broadcast_in_dim3A_18 = vector.broadcast %broadcast_in_dim3A_17 : f32 to vector<16xf32>
      %mul3A_19 = arith.constant 16 : i32
      %mul3A_20 = arith.muli %scan3A_15, %mul3A_19 : i32
      %swap3A = arith.index_cast %mul3A_20 : i32 to index
      %swap3A_21 = tpu.vector_load %arg5[%swap3A] {strides = array<i32>} : memref<10240xf32, #tpu.memory_space<vmem>>, vector<16xf32>,
      tpu.vector_store %arg5[%swap3A], %broadcast_in_dim3A_18 {strides = array<i32>} : memref<10240xf32, #tpu.memory_space<vmem>>, vector<16xf32>,
      %scan3A_22 = arith.constant 0 : i32
      scf.yield %scan3A_22 : i32
    }
    %scan3A_6 = arith.constant 640 : i32
    "tpu.region"() ({
      %run_scoped3A = tpu.sem_alloc : memref<!tpu.dma_semaphore, #tpu.memory_space<semaphore_mem>>
      %dma_start3A = arith.constant 0 : i32
      %dma_start3A_15 = tpu.memref_slice %arg2[%add3A, %dma_start3A] : memref<32x10112xi32, #tpu.memory_space<hbm>> -> memref<1x10112xi32, #tpu.memory_space<hbm>>
      %dma_start3A_16 = tpu.memref_squeeze %dma_start3A_15 : memref<1x10112xi32, #tpu.memory_space<hbm>> -> memref<10112xi32, #tpu.memory_space<hbm>>
      %dma_start3A_17 = arith.constant 0 : i32
      %dma_start3A_18 = tpu.memref_slice %arg2[%add3A, %dma_start3A_17] : memref<32x10112xi32, #tpu.memory_space<hbm>> -> memref<1x10112xi32, #tpu.memory_space<hbm>>
      %dma_start3A_19 = tpu.memref_squeeze %dma_start3A_18 : memref<1x10112xi32, #tpu.memory_space<hbm>> -> memref<10112xi32, #tpu.memory_space<hbm>>
      tpu.enqueue_dma source(%dma_start3A_19 : memref<10112xi32, #tpu.memory_space<hbm>>) target(%arg4 : memref<10112xi32, #tpu.memory_space<vmem>>) target_semaphore(%run_scoped3A : memref<!tpu.dma_semaphore, #tpu.memory_space<semaphore_mem>>)
      %dma_wait3A = arith.constant 0 : i32
      %dma_wait3A_20 = tpu.memref_slice %arg2[%add3A, %dma_wait3A] : memref<32x10112xi32, #tpu.memory_space<hbm>> -> memref<1x10112xi32, #tpu.memory_space<hbm>>
      %dma_wait3A_21 = tpu.memref_squeeze %dma_wait3A_20 : memref<1x10112xi32, #tpu.memory_space<hbm>> -> memref<10112xi32, #tpu.memory_space<hbm>>
      %dma_wait3A_22 = arith.constant 0 : i32
      %dma_wait3A_23 = tpu.memref_slice %arg2[%add3A, %dma_wait3A_22] : memref<32x10112xi32, #tpu.memory_space<hbm>> -> memref<1x10112xi32, #tpu.memory_space<hbm>>
      %dma_wait3A_24 = tpu.memref_squeeze %dma_wait3A_23 : memref<1x10112xi32, #tpu.memory_space<hbm>> -> memref<10112xi32, #tpu.memory_space<hbm>>
      tpu.wait_dma2 semaphore(%run_scoped3A : memref<!tpu.dma_semaphore, #tpu.memory_space<semaphore_mem>>) src(%dma_wait3A_24 : memref<10112xi32, #tpu.memory_space<hbm>>) dst(%arg4 : memref<10112xi32, #tpu.memory_space<vmem>>)
      tpu.yield
    }) : () -> ()
    %broadcast_in_dim3A = arith.constant 1.000000e+00 : f32
    %broadcast_in_dim3A_7 = vector.broadcast %broadcast_in_dim3A : f32 to vector<16xf32>
    %scan3A_8 = arith.constant 0 : i32
    %scan3A_9 = arith.constant 0 : i32
    %scan3A_10 = arith.constant 632 : i32
    %scan3A_11 = arith.addi %scan3A_9, %scan3A_10 : i32
    %scan3A_12 = arith.constant 1 : i32
    %scan3A_13 = scf.for %scan3A_15 = %scan3A_9 to %scan3A_11 step %scan3A_12 iter_args(%scan3A_16 = %scan3A_8) -> (i32)  : i32 {
      %mul3A_17 = arith.constant 16 : i32
      %mul3A_18 = arith.muli %scan3A_15, %mul3A_17 : i32
      %get3A = arith.index_cast %mul3A_18 : i32 to index
      %get3A_19 = tpu.vector_load %arg4[%get3A] {strides = array<i32>} : memref<10112xi32, #tpu.memory_space<vmem>>, vector<16xi32>,
      tpu.vector_store_idx %arg5[%get3A_19], %broadcast_in_dim3A_7 {add = true} : memref<10240xf32, #tpu.memory_space<vmem>>[vector<16xi32>], vector<16xf32>,
      %scan3A_20 = arith.constant 0 : i32
      scf.yield %scan3A_20 : i32
    }
    %scan3A_14 = arith.constant 632 : i32
    "tpu.region"() ({
      %run_scoped3A = tpu.sem_alloc : memref<!tpu.dma_semaphore, #tpu.memory_space<semaphore_mem>>
      %dma_start3A = arith.constant 0 : i32
      %dma_start3A_15 = tpu.memref_slice %arg3[%add3A, %dma_start3A] : memref<32x10240xf32, #tpu.memory_space<hbm>> -> memref<1x10240xf32, #tpu.memory_space<hbm>>
      %dma_start3A_16 = tpu.memref_squeeze %dma_start3A_15 : memref<1x10240xf32, #tpu.memory_space<hbm>> -> memref<10240xf32, #tpu.memory_space<hbm>>
      %dma_start3A_17 = arith.constant 0 : i32
      %dma_start3A_18 = tpu.memref_slice %arg3[%add3A, %dma_start3A_17] : memref<32x10240xf32, #tpu.memory_space<hbm>> -> memref<1x10240xf32, #tpu.memory_space<hbm>>
      %dma_start3A_19 = tpu.memref_squeeze %dma_start3A_18 : memref<1x10240xf32, #tpu.memory_space<hbm>> -> memref<10240xf32, #tpu.memory_space<hbm>>
      tpu.enqueue_dma source(%arg5 : memref<10240xf32, #tpu.memory_space<vmem>>) target(%dma_start3A_19 : memref<10240xf32, #tpu.memory_space<hbm>>) target_semaphore(%run_scoped3A : memref<!tpu.dma_semaphore, #tpu.memory_space<semaphore_mem>>)
      %dma_wait3A = arith.constant 0 : i32
      %dma_wait3A_20 = tpu.memref_slice %arg3[%add3A, %dma_wait3A] : memref<32x10240xf32, #tpu.memory_space<hbm>> -> memref<1x10240xf32, #tpu.memory_space<hbm>>
      %dma_wait3A_21 = tpu.memref_squeeze %dma_wait3A_20 : memref<1x10240xf32, #tpu.memory_space<hbm>> -> memref<10240xf32, #tpu.memory_space<hbm>>
      %dma_wait3A_22 = arith.constant 0 : i32
      %dma_wait3A_23 = tpu.memref_slice %arg3[%add3A, %dma_wait3A_22] : memref<32x10240xf32, #tpu.memory_space<hbm>> -> memref<1x10240xf32, #tpu.memory_space<hbm>>
      %dma_wait3A_24 = tpu.memref_squeeze %dma_wait3A_23 : memref<1x10240xf32, #tpu.memory_space<hbm>> -> memref<10240xf32, #tpu.memory_space<hbm>>
      tpu.wait_dma2 semaphore(%run_scoped3A : memref<!tpu.dma_semaphore, #tpu.memory_space<semaphore_mem>>) src(%arg5 : memref<10240xf32, #tpu.memory_space<vmem>>) dst(%dma_wait3A_24 : memref<10240xf32, #tpu.memory_space<hbm>>)
      tpu.yield
    }) : () -> ()
    return
  }
}

#map = affine_map<(d0, d1) -> (0, 0)>
#map1 = affine_map<(d0, d1) -> (0)>
module attributes {stable_mosaic.version = 14 : i64} {
  func.func @_pool_body(%arg0: i32, %arg1: i32, %arg2: memref<10240x128xf32, #tpu.memory_space<hbm>>, %arg3: memref<10240x128xf32, #tpu.memory_space<hbm>>, %arg4: memref<144xi32, #tpu.memory_space<hbm>>, %arg5: memref<128xi32, #tpu.memory_space<hbm>>, %arg6: memref<128x128xf32, #tpu.memory_space<hbm>>, %arg7: memref<128x128xf32, #tpu.memory_space<hbm>>, %arg8: memref<144xi32, #tpu.memory_space<vmem>>, %arg9: memref<128xi32, #tpu.memory_space<vmem>>, %arg10: memref<128x128xf32, #tpu.memory_space<vmem>>, %arg11: memref<128xf32, #tpu.memory_space<vmem>>, %arg12: memref<128xf32, #tpu.memory_space<vmem>>) attributes {dimension_semantics = [#tpu.dimension_semantics<core_parallel>, #tpu.dimension_semantics<subcore_parallel>], iteration_bounds = array<i64: 2, 16>, scalar_prefetch = 0 : i64, scratch_operands = 5 : i64, tpu.core_type = #tpu.core_type<sc_vector_subcore>, window_params = [{transform_indices = #map}, {transform_indices = #map}, {transform_indices = #map1}, {transform_indices = #map1}, {transform_indices = #map}, {transform_indices = #map}]} {
    %mul3A = arith.constant 2 : i32
    %mul3A_0 = arith.muli %arg1, %mul3A : i32
    %add3A = arith.addi %mul3A_0, %arg0 : i32
    "tpu.region"() ({
      %run_scoped3A = tpu.sem_alloc : memref<!tpu.dma_semaphore, #tpu.memory_space<semaphore_mem>>
      tpu.enqueue_dma source(%arg4 : memref<144xi32, #tpu.memory_space<hbm>>) target(%arg8 : memref<144xi32, #tpu.memory_space<vmem>>) target_semaphore(%run_scoped3A : memref<!tpu.dma_semaphore, #tpu.memory_space<semaphore_mem>>)
      tpu.wait_dma2 semaphore(%run_scoped3A : memref<!tpu.dma_semaphore, #tpu.memory_space<semaphore_mem>>) src(%arg4 : memref<144xi32, #tpu.memory_space<hbm>>) dst(%arg8 : memref<144xi32, #tpu.memory_space<vmem>>)
      tpu.yield
    }) : () -> ()
    "tpu.region"() ({
      %run_scoped3A = tpu.sem_alloc : memref<!tpu.dma_semaphore, #tpu.memory_space<semaphore_mem>>
      tpu.enqueue_dma source(%arg5 : memref<128xi32, #tpu.memory_space<hbm>>) target(%arg9 : memref<128xi32, #tpu.memory_space<vmem>>) target_semaphore(%run_scoped3A : memref<!tpu.dma_semaphore, #tpu.memory_space<semaphore_mem>>)
      tpu.wait_dma2 semaphore(%run_scoped3A : memref<!tpu.dma_semaphore, #tpu.memory_space<semaphore_mem>>) src(%arg5 : memref<128xi32, #tpu.memory_space<hbm>>) dst(%arg9 : memref<128xi32, #tpu.memory_space<vmem>>)
      tpu.yield
    }) : () -> ()
    %iota3A = tpu.iota {dimensions = array<i32: 0>} : vector<16xi32>
    %mul3A_1 = arith.constant 4 : i32
    %mul3A_2 = arith.muli %add3A, %mul3A_1 : i32
    %add3A_3 = arith.constant 0 : i32
    %add3A_4 = arith.addi %mul3A_2, %add3A_3 : i32
    %jit3A = arith.constant 16 : i32
    %div3A = arith.divsi %add3A_4, %jit3A : i32
    %sign3A = arith.constant 0 : i32
    %sign3A_5 = arith.cmpi sgt, %add3A_4, %sign3A : i32
    %sign3A_6 = arith.extui %sign3A_5 : i1 to i32
    %sign3A_7 = arith.constant 0 : i32
    %sign3A_8 = arith.cmpi slt, %add3A_4, %sign3A_7 : i32
    %sign3A_9 = arith.extui %sign3A_8 : i1 to i32
    %sign3A_10 = arith.subi %sign3A_6, %sign3A_9 : i32
    %sign3A_11 = arith.constant 0 : i32
    %sign3A_12 = arith.cmpi sgt, %jit3A, %sign3A_11 : i32
    %sign3A_13 = arith.extui %sign3A_12 : i1 to i32
    %sign3A_14 = arith.constant 0 : i32
    %sign3A_15 = arith.cmpi slt, %jit3A, %sign3A_14 : i32
    %sign3A_16 = arith.extui %sign3A_15 : i1 to i32
    %sign3A_17 = arith.subi %sign3A_13, %sign3A_16 : i32
    %ne3A = arith.cmpi ne, %sign3A_10, %sign3A_17 : i32
    %rem3A = arith.remsi %add3A_4, %jit3A : i32
    %ne3A_18 = arith.constant 0 : i32
    %ne3A_19 = arith.cmpi ne, %rem3A, %ne3A_18 : i32
    %and3A = arith.andi %ne3A, %ne3A_19 : i1
    %sub3A = arith.constant 1 : i32
    %sub3A_20 = arith.subi %div3A, %sub3A : i32
    %select_n3A = arith.select %and3A, %sub3A_20, %div3A : i32
    %mul3A_21 = arith.constant 16 : i32
    %mul3A_22 = arith.muli %select_n3A, %mul3A_21 : i32
    %get3A = arith.index_cast %mul3A_22 : i32 to index
    %get3A_23 = tpu.vector_load %arg8[%get3A] {strides = array<i32>} : memref<144xi32, #tpu.memory_space<vmem>>, vector<16xi32>,
    %jit3A_24 = arith.constant 16 : i32
    %eq3A = arith.constant 0 : i32
    %eq3A_25 = arith.cmpi eq, %jit3A_24, %eq3A : i32
    %jit3A_26 = arith.constant 1 : i32
    %select_n3A_27 = arith.select %eq3A_25, %jit3A_26, %jit3A_24 : i32
    %rem3A_28 = arith.remsi %add3A_4, %select_n3A_27 : i32
    %ne3A_29 = arith.constant 0 : i32
    %ne3A_30 = arith.cmpi ne, %rem3A_28, %ne3A_29 : i32
    %lt3A = arith.constant 0 : i32
    %lt3A_31 = arith.cmpi slt, %rem3A_28, %lt3A : i32
    %lt3A_32 = arith.constant 0 : i32
    %lt3A_33 = arith.cmpi slt, %select_n3A_27, %lt3A_32 : i32
    %ne3A_34 = arith.xori %lt3A_31, %lt3A_33 : i1
    %and3A_35 = arith.andi %ne3A_34, %ne3A_30 : i1
    %add3A_36 = arith.addi %rem3A_28, %select_n3A_27 : i32
    %select_n3A_37 = arith.select %and3A_35, %add3A_36, %rem3A_28 : i32
    %eq3A_38 = vector.broadcast %select_n3A_37 : i32 to vector<16xi32>
    %eq3A_39 = arith.cmpi eq, %iota3A, %eq3A_38 : vector<16xi32>
    %jit3A_40 = arith.constant -1 : i32
    %broadcast_in_dim3A = vector.broadcast %jit3A_40 : i32 to vector<16xi32>
    %select_n3A_41 = arith.select %eq3A_39, %get3A_23, %broadcast_in_dim3A : vector<16xi1>, vector<16xi32>
    %reduce_max3A = arith.constant true
    %reduce_max3A_42 = vector.broadcast %reduce_max3A : i1 to vector<16xi1>
    %reduce_max3A_43 = arith.constant -2147483648 : i32
    %reduce_max3A_44 = vector.broadcast %reduce_max3A_43 : i32 to vector<16xi32>
    %reduce_max3A_45 = arith.xori %select_n3A_41, %reduce_max3A_44 : vector<16xi32>
    %reduce_max3A_46 = tpu.scan <max>, %reduce_max3A_45 masked %reduce_max3A_42 : vector<16xi32>, vector<16xi1> -> vector<16xi32>
    %reduce_max3A_47 = arith.xori %reduce_max3A_46, %reduce_max3A_44 : vector<16xi32>
    %reduce_max3A_48 = vector.extract %reduce_max3A_47[15] : i32 from vector<16xi32>
    %add3A_49 = arith.constant 1 : i32
    %add3A_50 = arith.addi %add3A_4, %add3A_49 : i32
    %jit3A_51 = arith.constant 16 : i32
    %div3A_52 = arith.divsi %add3A_50, %jit3A_51 : i32
    %sign3A_53 = arith.constant 0 : i32
    %sign3A_54 = arith.cmpi sgt, %add3A_50, %sign3A_53 : i32
    %sign3A_55 = arith.extui %sign3A_54 : i1 to i32
    %sign3A_56 = arith.constant 0 : i32
    %sign3A_57 = arith.cmpi slt, %add3A_50, %sign3A_56 : i32
    %sign3A_58 = arith.extui %sign3A_57 : i1 to i32
    %sign3A_59 = arith.subi %sign3A_55, %sign3A_58 : i32
    %sign3A_60 = arith.constant 0 : i32
    %sign3A_61 = arith.cmpi sgt, %jit3A_51, %sign3A_60 : i32
    %sign3A_62 = arith.extui %sign3A_61 : i1 to i32
    %sign3A_63 = arith.constant 0 : i32
    %sign3A_64 = arith.cmpi slt, %jit3A_51, %sign3A_63 : i32
    %sign3A_65 = arith.extui %sign3A_64 : i1 to i32
    %sign3A_66 = arith.subi %sign3A_62, %sign3A_65 : i32
    %ne3A_67 = arith.cmpi ne, %sign3A_59, %sign3A_66 : i32
    %rem3A_68 = arith.remsi %add3A_50, %jit3A_51 : i32
    %ne3A_69 = arith.constant 0 : i32
    %ne3A_70 = arith.cmpi ne, %rem3A_68, %ne3A_69 : i32
    %and3A_71 = arith.andi %ne3A_67, %ne3A_70 : i1
    %sub3A_72 = arith.constant 1 : i32
    %sub3A_73 = arith.subi %div3A_52, %sub3A_72 : i32
    %select_n3A_74 = arith.select %and3A_71, %sub3A_73, %div3A_52 : i32
    %mul3A_75 = arith.constant 16 : i32
    %mul3A_76 = arith.muli %select_n3A_74, %mul3A_75 : i32
    %get3A_77 = arith.index_cast %mul3A_76 : i32 to index
    %get3A_78 = tpu.vector_load %arg8[%get3A_77] {strides = array<i32>} : memref<144xi32, #tpu.memory_space<vmem>>, vector<16xi32>,
    %jit3A_79 = arith.constant 16 : i32
    %eq3A_80 = arith.constant 0 : i32
    %eq3A_81 = arith.cmpi eq, %jit3A_79, %eq3A_80 : i32
    %jit3A_82 = arith.constant 1 : i32
    %select_n3A_83 = arith.select %eq3A_81, %jit3A_82, %jit3A_79 : i32
    %rem3A_84 = arith.remsi %add3A_50, %select_n3A_83 : i32
    %ne3A_85 = arith.constant 0 : i32
    %ne3A_86 = arith.cmpi ne, %rem3A_84, %ne3A_85 : i32
    %lt3A_87 = arith.constant 0 : i32
    %lt3A_88 = arith.cmpi slt, %rem3A_84, %lt3A_87 : i32
    %lt3A_89 = arith.constant 0 : i32
    %lt3A_90 = arith.cmpi slt, %select_n3A_83, %lt3A_89 : i32
    %ne3A_91 = arith.xori %lt3A_88, %lt3A_90 : i1
    %and3A_92 = arith.andi %ne3A_91, %ne3A_86 : i1
    %add3A_93 = arith.addi %rem3A_84, %select_n3A_83 : i32
    %select_n3A_94 = arith.select %and3A_92, %add3A_93, %rem3A_84 : i32
    %eq3A_95 = vector.broadcast %select_n3A_94 : i32 to vector<16xi32>
    %eq3A_96 = arith.cmpi eq, %iota3A, %eq3A_95 : vector<16xi32>
    %jit3A_97 = arith.constant -1 : i32
    %broadcast_in_dim3A_98 = vector.broadcast %jit3A_97 : i32 to vector<16xi32>
    %select_n3A_99 = arith.select %eq3A_96, %get3A_78, %broadcast_in_dim3A_98 : vector<16xi1>, vector<16xi32>
    %reduce_max3A_100 = arith.constant true
    %reduce_max3A_101 = vector.broadcast %reduce_max3A_100 : i1 to vector<16xi1>
    %reduce_max3A_102 = arith.constant -2147483648 : i32
    %reduce_max3A_103 = vector.broadcast %reduce_max3A_102 : i32 to vector<16xi32>
    %reduce_max3A_104 = arith.xori %select_n3A_99, %reduce_max3A_103 : vector<16xi32>
    %reduce_max3A_105 = tpu.scan <max>, %reduce_max3A_104 masked %reduce_max3A_101 : vector<16xi32>, vector<16xi1> -> vector<16xi32>
    %reduce_max3A_106 = arith.xori %reduce_max3A_105, %reduce_max3A_103 : vector<16xi32>
    %reduce_max3A_107 = vector.extract %reduce_max3A_106[15] : i32 from vector<16xi32>
    %jit3A_108 = arith.constant 16 : i32
    %div3A_109 = arith.divsi %add3A_4, %jit3A_108 : i32
    %sign3A_110 = arith.constant 0 : i32
    %sign3A_111 = arith.cmpi sgt, %add3A_4, %sign3A_110 : i32
    %sign3A_112 = arith.extui %sign3A_111 : i1 to i32
    %sign3A_113 = arith.constant 0 : i32
    %sign3A_114 = arith.cmpi slt, %add3A_4, %sign3A_113 : i32
    %sign3A_115 = arith.extui %sign3A_114 : i1 to i32
    %sign3A_116 = arith.subi %sign3A_112, %sign3A_115 : i32
    %sign3A_117 = arith.constant 0 : i32
    %sign3A_118 = arith.cmpi sgt, %jit3A_108, %sign3A_117 : i32
    %sign3A_119 = arith.extui %sign3A_118 : i1 to i32
    %sign3A_120 = arith.constant 0 : i32
    %sign3A_121 = arith.cmpi slt, %jit3A_108, %sign3A_120 : i32
    %sign3A_122 = arith.extui %sign3A_121 : i1 to i32
    %sign3A_123 = arith.subi %sign3A_119, %sign3A_122 : i32
    %ne3A_124 = arith.cmpi ne, %sign3A_116, %sign3A_123 : i32
    %rem3A_125 = arith.remsi %add3A_4, %jit3A_108 : i32
    %ne3A_126 = arith.constant 0 : i32
    %ne3A_127 = arith.cmpi ne, %rem3A_125, %ne3A_126 : i32
    %and3A_128 = arith.andi %ne3A_124, %ne3A_127 : i1
    %sub3A_129 = arith.constant 1 : i32
    %sub3A_130 = arith.subi %div3A_109, %sub3A_129 : i32
    %select_n3A_131 = arith.select %and3A_128, %sub3A_130, %div3A_109 : i32
    %mul3A_132 = arith.constant 16 : i32
    %mul3A_133 = arith.muli %select_n3A_131, %mul3A_132 : i32
    %get3A_134 = arith.index_cast %mul3A_133 : i32 to index
    %get3A_135 = tpu.vector_load %arg9[%get3A_134] {strides = array<i32>} : memref<128xi32, #tpu.memory_space<vmem>>, vector<16xi32>,
    %jit3A_136 = arith.constant 16 : i32
    %eq3A_137 = arith.constant 0 : i32
    %eq3A_138 = arith.cmpi eq, %jit3A_136, %eq3A_137 : i32
    %jit3A_139 = arith.constant 1 : i32
    %select_n3A_140 = arith.select %eq3A_138, %jit3A_139, %jit3A_136 : i32
    %rem3A_141 = arith.remsi %add3A_4, %select_n3A_140 : i32
    %ne3A_142 = arith.constant 0 : i32
    %ne3A_143 = arith.cmpi ne, %rem3A_141, %ne3A_142 : i32
    %lt3A_144 = arith.constant 0 : i32
    %lt3A_145 = arith.cmpi slt, %rem3A_141, %lt3A_144 : i32
    %lt3A_146 = arith.constant 0 : i32
    %lt3A_147 = arith.cmpi slt, %select_n3A_140, %lt3A_146 : i32
    %ne3A_148 = arith.xori %lt3A_145, %lt3A_147 : i1
    %and3A_149 = arith.andi %ne3A_148, %ne3A_143 : i1
    %add3A_150 = arith.addi %rem3A_141, %select_n3A_140 : i32
    %select_n3A_151 = arith.select %and3A_149, %add3A_150, %rem3A_141 : i32
    %eq3A_152 = vector.broadcast %select_n3A_151 : i32 to vector<16xi32>
    %eq3A_153 = arith.cmpi eq, %iota3A, %eq3A_152 : vector<16xi32>
    %jit3A_154 = arith.constant -1 : i32
    %broadcast_in_dim3A_155 = vector.broadcast %jit3A_154 : i32 to vector<16xi32>
    %select_n3A_156 = arith.select %eq3A_153, %get3A_135, %broadcast_in_dim3A_155 : vector<16xi1>, vector<16xi32>
    %reduce_max3A_157 = arith.constant true
    %reduce_max3A_158 = vector.broadcast %reduce_max3A_157 : i1 to vector<16xi1>
    %reduce_max3A_159 = arith.constant -2147483648 : i32
    %reduce_max3A_160 = vector.broadcast %reduce_max3A_159 : i32 to vector<16xi32>
    %reduce_max3A_161 = arith.xori %select_n3A_156, %reduce_max3A_160 : vector<16xi32>
    %reduce_max3A_162 = tpu.scan <max>, %reduce_max3A_161 masked %reduce_max3A_158 : vector<16xi32>, vector<16xi1> -> vector<16xi32>
    %reduce_max3A_163 = arith.xori %reduce_max3A_162, %reduce_max3A_160 : vector<16xi32>
    %reduce_max3A_164 = vector.extract %reduce_max3A_163[15] : i32 from vector<16xi32>
    "tpu.region"() ({
      %run_scoped3A = tpu.sem_alloc : memref<!tpu.dma_semaphore, #tpu.memory_space<semaphore_mem>>
      %dma_start3A = arith.constant 0 : i32
      %dma_start3A_934 = tpu.memref_slice %arg3[%reduce_max3A_164, %dma_start3A] : memref<10240x128xf32, #tpu.memory_space<hbm>> -> memref<1x128xf32, #tpu.memory_space<hbm>>
      %dma_start3A_935 = tpu.memref_squeeze %dma_start3A_934 : memref<1x128xf32, #tpu.memory_space<hbm>> -> memref<128xf32, #tpu.memory_space<hbm>>
      %dma_start3A_936 = arith.constant 0 : i32
      %dma_start3A_937 = tpu.memref_slice %arg3[%reduce_max3A_164, %dma_start3A_936] : memref<10240x128xf32, #tpu.memory_space<hbm>> -> memref<1x128xf32, #tpu.memory_space<hbm>>
      %dma_start3A_938 = tpu.memref_squeeze %dma_start3A_937 : memref<1x128xf32, #tpu.memory_space<hbm>> -> memref<128xf32, #tpu.memory_space<hbm>>
      tpu.enqueue_dma source(%dma_start3A_938 : memref<128xf32, #tpu.memory_space<hbm>>) target(%arg12 : memref<128xf32, #tpu.memory_space<vmem>>) target_semaphore(%run_scoped3A : memref<!tpu.dma_semaphore, #tpu.memory_space<semaphore_mem>>)
      %dma_wait3A = arith.constant 0 : i32
      %dma_wait3A_939 = tpu.memref_slice %arg3[%reduce_max3A_164, %dma_wait3A] : memref<10240x128xf32, #tpu.memory_space<hbm>> -> memref<1x128xf32, #tpu.memory_space<hbm>>
      %dma_wait3A_940 = tpu.memref_squeeze %dma_wait3A_939 : memref<1x128xf32, #tpu.memory_space<hbm>> -> memref<128xf32, #tpu.memory_space<hbm>>
      %dma_wait3A_941 = arith.constant 0 : i32
      %dma_wait3A_942 = tpu.memref_slice %arg3[%reduce_max3A_164, %dma_wait3A_941] : memref<10240x128xf32, #tpu.memory_space<hbm>> -> memref<1x128xf32, #tpu.memory_space<hbm>>
      %dma_wait3A_943 = tpu.memref_squeeze %dma_wait3A_942 : memref<1x128xf32, #tpu.memory_space<hbm>> -> memref<128xf32, #tpu.memory_space<hbm>>
      tpu.wait_dma2 semaphore(%run_scoped3A : memref<!tpu.dma_semaphore, #tpu.memory_space<semaphore_mem>>) src(%dma_wait3A_943 : memref<128xf32, #tpu.memory_space<hbm>>) dst(%arg12 : memref<128xf32, #tpu.memory_space<vmem>>)
      tpu.yield
    }) : () -> ()
    "tpu.region"() ({
      %run_scoped3A = tpu.sem_alloc : memref<!tpu.dma_semaphore, #tpu.memory_space<semaphore_mem>>
      %dma_start3A = arith.constant 0 : i32
      %dma_start3A_934 = tpu.memref_slice %arg7[%add3A_4, %dma_start3A] : memref<128x128xf32, #tpu.memory_space<hbm>> -> memref<1x128xf32, #tpu.memory_space<hbm>>
      %dma_start3A_935 = tpu.memref_squeeze %dma_start3A_934 : memref<1x128xf32, #tpu.memory_space<hbm>> -> memref<128xf32, #tpu.memory_space<hbm>>
      %dma_start3A_936 = arith.constant 0 : i32
      %dma_start3A_937 = tpu.memref_slice %arg7[%add3A_4, %dma_start3A_936] : memref<128x128xf32, #tpu.memory_space<hbm>> -> memref<1x128xf32, #tpu.memory_space<hbm>>
      %dma_start3A_938 = tpu.memref_squeeze %dma_start3A_937 : memref<1x128xf32, #tpu.memory_space<hbm>> -> memref<128xf32, #tpu.memory_space<hbm>>
      tpu.enqueue_dma source(%arg12 : memref<128xf32, #tpu.memory_space<vmem>>) target(%dma_start3A_938 : memref<128xf32, #tpu.memory_space<hbm>>) target_semaphore(%run_scoped3A : memref<!tpu.dma_semaphore, #tpu.memory_space<semaphore_mem>>)
      %dma_wait3A = arith.constant 0 : i32
      %dma_wait3A_939 = tpu.memref_slice %arg7[%add3A_4, %dma_wait3A] : memref<128x128xf32, #tpu.memory_space<hbm>> -> memref<1x128xf32, #tpu.memory_space<hbm>>
      %dma_wait3A_940 = tpu.memref_squeeze %dma_wait3A_939 : memref<1x128xf32, #tpu.memory_space<hbm>> -> memref<128xf32, #tpu.memory_space<hbm>>
      %dma_wait3A_941 = arith.constant 0 : i32
      %dma_wait3A_942 = tpu.memref_slice %arg7[%add3A_4, %dma_wait3A_941] : memref<128x128xf32, #tpu.memory_space<hbm>> -> memref<1x128xf32, #tpu.memory_space<hbm>>
      %dma_wait3A_943 = tpu.memref_squeeze %dma_wait3A_942 : memref<1x128xf32, #tpu.memory_space<hbm>> -> memref<128xf32, #tpu.memory_space<hbm>>
      tpu.wait_dma2 semaphore(%run_scoped3A : memref<!tpu.dma_semaphore, #tpu.memory_space<semaphore_mem>>) src(%arg12 : memref<128xf32, #tpu.memory_space<vmem>>) dst(%dma_wait3A_943 : memref<128xf32, #tpu.memory_space<hbm>>)
      tpu.yield
    }) : () -> ()
    %jit3A_165 = arith.constant 128 : i32
    %div3A_166 = arith.divsi %reduce_max3A_48, %jit3A_165 : i32
    %sign3A_167 = arith.constant 0 : i32
    %sign3A_168 = arith.cmpi sgt, %reduce_max3A_48, %sign3A_167 : i32
    %sign3A_169 = arith.extui %sign3A_168 : i1 to i32
    %sign3A_170 = arith.constant 0 : i32
    %sign3A_171 = arith.cmpi slt, %reduce_max3A_48, %sign3A_170 : i32
    %sign3A_172 = arith.extui %sign3A_171 : i1 to i32
    %sign3A_173 = arith.subi %sign3A_169, %sign3A_172 : i32
    %sign3A_174 = arith.constant 0 : i32
    %sign3A_175 = arith.cmpi sgt, %jit3A_165, %sign3A_174 : i32
    %sign3A_176 = arith.extui %sign3A_175 : i1 to i32
    %sign3A_177 = arith.constant 0 : i32
    %sign3A_178 = arith.cmpi slt, %jit3A_165, %sign3A_177 : i32
    %sign3A_179 = arith.extui %sign3A_178 : i1 to i32
    %sign3A_180 = arith.subi %sign3A_176, %sign3A_179 : i32
    %ne3A_181 = arith.cmpi ne, %sign3A_173, %sign3A_180 : i32
    %rem3A_182 = arith.remsi %reduce_max3A_48, %jit3A_165 : i32
    %ne3A_183 = arith.constant 0 : i32
    %ne3A_184 = arith.cmpi ne, %rem3A_182, %ne3A_183 : i32
    %and3A_185 = arith.andi %ne3A_181, %ne3A_184 : i1
    %sub3A_186 = arith.constant 1 : i32
    %sub3A_187 = arith.subi %div3A_166, %sub3A_186 : i32
    %select_n3A_188 = arith.select %and3A_185, %sub3A_187, %div3A_166 : i32
    %mul3A_189 = arith.constant 128 : i32
    %mul3A_190 = arith.muli %select_n3A_188, %mul3A_189 : i32
    %broadcast_in_dim3A_191 = arith.constant 0xFF800000 : f32
    %broadcast_in_dim3A_192 = vector.broadcast %broadcast_in_dim3A_191 : f32 to vector<16xf32>
    %broadcast_in_dim3A_193 = arith.constant 0xFF800000 : f32
    %broadcast_in_dim3A_194 = vector.broadcast %broadcast_in_dim3A_193 : f32 to vector<16xf32>
    %broadcast_in_dim3A_195 = arith.constant 0xFF800000 : f32
    %broadcast_in_dim3A_196 = vector.broadcast %broadcast_in_dim3A_195 : f32 to vector<16xf32>
    %broadcast_in_dim3A_197 = arith.constant 0xFF800000 : f32
    %broadcast_in_dim3A_198 = vector.broadcast %broadcast_in_dim3A_197 : f32 to vector<16xf32>
    %broadcast_in_dim3A_199 = arith.constant 0xFF800000 : f32
    %broadcast_in_dim3A_200 = vector.broadcast %broadcast_in_dim3A_199 : f32 to vector<16xf32>
    %broadcast_in_dim3A_201 = arith.constant 0xFF800000 : f32
    %broadcast_in_dim3A_202 = vector.broadcast %broadcast_in_dim3A_201 : f32 to vector<16xf32>
    %broadcast_in_dim3A_203 = arith.constant 0xFF800000 : f32
    %broadcast_in_dim3A_204 = vector.broadcast %broadcast_in_dim3A_203 : f32 to vector<16xf32>
    %broadcast_in_dim3A_205 = arith.constant 0xFF800000 : f32
    %broadcast_in_dim3A_206 = vector.broadcast %broadcast_in_dim3A_205 : f32 to vector<16xf32>
    %while3A = arith.constant 0 : i32
    %while3A_207:9 = scf.while (%while3A_934 = %while3A, %while3A_935 = %broadcast_in_dim3A_192, %while3A_936 = %broadcast_in_dim3A_194, %while3A_937 = %broadcast_in_dim3A_196, %while3A_938 = %broadcast_in_dim3A_198, %while3A_939 = %broadcast_in_dim3A_200, %while3A_940 = %broadcast_in_dim3A_202, %while3A_941 = %broadcast_in_dim3A_204, %while3A_942 = %broadcast_in_dim3A_206) : (i32, vector<16xf32>, vector<16xf32>, vector<16xf32>, vector<16xf32>, vector<16xf32>, vector<16xf32>, vector<16xf32>, vector<16xf32>) -> (i32, vector<16xf32>, vector<16xf32>, vector<16xf32>, vector<16xf32>, vector<16xf32>, vector<16xf32>, vector<16xf32>, vector<16xf32>) {
      %mul3A_943 = arith.constant 128 : i32
      %mul3A_944 = arith.muli %while3A_934, %mul3A_943 : i32
      %add3A_945 = arith.addi %mul3A_190, %mul3A_944 : i32
      %lt3A_946 = arith.cmpi slt, %add3A_945, %reduce_max3A_107 : i32
      scf.condition(%lt3A_946) %while3A_934, %while3A_935, %while3A_936, %while3A_937, %while3A_938, %while3A_939, %while3A_940, %while3A_941, %while3A_942 : i32, vector<16xf32>, vector<16xf32>, vector<16xf32>, vector<16xf32>, vector<16xf32>, vector<16xf32>, vector<16xf32>, vector<16xf32>
    } do {
    ^bb0(%while3A_934: i32, %while3A_935: vector<16xf32>, %while3A_936: vector<16xf32>, %while3A_937: vector<16xf32>, %while3A_938: vector<16xf32>, %while3A_939: vector<16xf32>, %while3A_940: vector<16xf32>, %while3A_941: vector<16xf32>, %while3A_942: vector<16xf32>):
      %mul3A_943 = arith.constant 128 : i32
      %mul3A_944 = arith.muli %while3A_934, %mul3A_943 : i32
      %add3A_945 = arith.addi %mul3A_190, %mul3A_944 : i32
      "tpu.region"() ({
        %run_scoped3A = tpu.sem_alloc : memref<!tpu.dma_semaphore, #tpu.memory_space<semaphore_mem>>
        %dma_start3A = arith.constant 0 : i32
        %dma_start3A_953 = tpu.memref_slice %arg2[%add3A_945, %dma_start3A] : memref<10240x128xf32, #tpu.memory_space<hbm>> -> memref<128x128xf32, #tpu.memory_space<hbm>>
        %dma_start3A_954 = arith.constant 0 : i32
        %dma_start3A_955 = tpu.memref_slice %arg2[%add3A_945, %dma_start3A_954] : memref<10240x128xf32, #tpu.memory_space<hbm>> -> memref<128x128xf32, #tpu.memory_space<hbm>>
        tpu.enqueue_dma source(%dma_start3A_955 : memref<128x128xf32, #tpu.memory_space<hbm>>) target(%arg10 : memref<128x128xf32, #tpu.memory_space<vmem>>) target_semaphore(%run_scoped3A : memref<!tpu.dma_semaphore, #tpu.memory_space<semaphore_mem>>)
        %dma_wait3A = arith.constant 0 : i32
        %dma_wait3A_956 = tpu.memref_slice %arg2[%add3A_945, %dma_wait3A] : memref<10240x128xf32, #tpu.memory_space<hbm>> -> memref<128x128xf32, #tpu.memory_space<hbm>>
        %dma_wait3A_957 = arith.constant 0 : i32
        %dma_wait3A_958 = tpu.memref_slice %arg2[%add3A_945, %dma_wait3A_957] : memref<10240x128xf32, #tpu.memory_space<hbm>> -> memref<128x128xf32, #tpu.memory_space<hbm>>
        tpu.wait_dma2 semaphore(%run_scoped3A : memref<!tpu.dma_semaphore, #tpu.memory_space<semaphore_mem>>) src(%dma_wait3A_958 : memref<128x128xf32, #tpu.memory_space<hbm>>) dst(%arg10 : memref<128x128xf32, #tpu.memory_space<vmem>>)
        tpu.yield
      }) : () -> ()
      %scan3A = arith.constant 0 : i32
      %scan3A_946 = arith.constant 128 : i32
      %scan3A_947 = arith.addi %scan3A, %scan3A_946 : i32
      %scan3A_948 = arith.constant 1 : i32
      %scan3A_949:8 = scf.for %scan3A_953 = %scan3A to %scan3A_947 step %scan3A_948 iter_args(%scan3A_954 = %while3A_935, %scan3A_955 = %while3A_936, %scan3A_956 = %while3A_937, %scan3A_957 = %while3A_938, %scan3A_958 = %while3A_939, %scan3A_959 = %while3A_940, %scan3A_960 = %while3A_941, %scan3A_961 = %while3A_942) -> (vector<16xf32>, vector<16xf32>, vector<16xf32>, vector<16xf32>, vector<16xf32>, vector<16xf32>, vector<16xf32>, vector<16xf32>)  : i32 {
        %add3A_962 = arith.addi %add3A_945, %scan3A_953 : i32
        %ge3A = arith.cmpi sge, %add3A_962, %reduce_max3A_48 : i32
        %lt3A_963 = arith.cmpi slt, %add3A_962, %reduce_max3A_107 : i32
        %and3A_964 = arith.andi %ge3A, %lt3A_963 : i1
        %get3A_965 = arith.index_cast %scan3A_953 : i32 to index
        %get3A_966 = arith.constant 0 : index
        %get3A_967 = tpu.vector_load %arg10[%get3A_965, %get3A_966] {strides = array<i32>} : memref<128x128xf32, #tpu.memory_space<vmem>>, vector<16xf32>,
        %max3A = arith.maximumf %scan3A_954, %get3A_967 : vector<16xf32>
        %select_n3A_968 = arith.select %and3A_964, %max3A, %scan3A_954 : vector<16xf32>
        %get3A_969 = arith.index_cast %scan3A_953 : i32 to index
        %get3A_970 = arith.constant 16 : index
        %get3A_971 = tpu.vector_load %arg10[%get3A_969, %get3A_970] {strides = array<i32>} : memref<128x128xf32, #tpu.memory_space<vmem>>, vector<16xf32>,
        %max3A_972 = arith.maximumf %scan3A_955, %get3A_971 : vector<16xf32>
        %select_n3A_973 = arith.select %and3A_964, %max3A_972, %scan3A_955 : vector<16xf32>
        %get3A_974 = arith.index_cast %scan3A_953 : i32 to index
        %get3A_975 = arith.constant 32 : index
        %get3A_976 = tpu.vector_load %arg10[%get3A_974, %get3A_975] {strides = array<i32>} : memref<128x128xf32, #tpu.memory_space<vmem>>, vector<16xf32>,
        %max3A_977 = arith.maximumf %scan3A_956, %get3A_976 : vector<16xf32>
        %select_n3A_978 = arith.select %and3A_964, %max3A_977, %scan3A_956 : vector<16xf32>
        %get3A_979 = arith.index_cast %scan3A_953 : i32 to index
        %get3A_980 = arith.constant 48 : index
        %get3A_981 = tpu.vector_load %arg10[%get3A_979, %get3A_980] {strides = array<i32>} : memref<128x128xf32, #tpu.memory_space<vmem>>, vector<16xf32>,
        %max3A_982 = arith.maximumf %scan3A_957, %get3A_981 : vector<16xf32>
        %select_n3A_983 = arith.select %and3A_964, %max3A_982, %scan3A_957 : vector<16xf32>
        %get3A_984 = arith.index_cast %scan3A_953 : i32 to index
        %get3A_985 = arith.constant 64 : index
        %get3A_986 = tpu.vector_load %arg10[%get3A_984, %get3A_985] {strides = array<i32>} : memref<128x128xf32, #tpu.memory_space<vmem>>, vector<16xf32>,
        %max3A_987 = arith.maximumf %scan3A_958, %get3A_986 : vector<16xf32>
        %select_n3A_988 = arith.select %and3A_964, %max3A_987, %scan3A_958 : vector<16xf32>
        %get3A_989 = arith.index_cast %scan3A_953 : i32 to index
        %get3A_990 = arith.constant 80 : index
        %get3A_991 = tpu.vector_load %arg10[%get3A_989, %get3A_990] {strides = array<i32>} : memref<128x128xf32, #tpu.memory_space<vmem>>, vector<16xf32>,
        %max3A_992 = arith.maximumf %scan3A_959, %get3A_991 : vector<16xf32>
        %select_n3A_993 = arith.select %and3A_964, %max3A_992, %scan3A_959 : vector<16xf32>
        %get3A_994 = arith.index_cast %scan3A_953 : i32 to index
        %get3A_995 = arith.constant 96 : index
        %get3A_996 = tpu.vector_load %arg10[%get3A_994, %get3A_995] {strides = array<i32>} : memref<128x128xf32, #tpu.memory_space<vmem>>, vector<16xf32>,
        %max3A_997 = arith.maximumf %scan3A_960, %get3A_996 : vector<16xf32>
        %select_n3A_998 = arith.select %and3A_964, %max3A_997, %scan3A_960 : vector<16xf32>
        %get3A_999 = arith.index_cast %scan3A_953 : i32 to index
        %get3A_1000 = arith.constant 112 : index
        %get3A_1001 = tpu.vector_load %arg10[%get3A_999, %get3A_1000] {strides = array<i32>} : memref<128x128xf32, #tpu.memory_space<vmem>>, vector<16xf32>,
        %max3A_1002 = arith.maximumf %scan3A_961, %get3A_1001 : vector<16xf32>
        %select_n3A_1003 = arith.select %and3A_964, %max3A_1002, %scan3A_961 : vector<16xf32>
        scf.yield %select_n3A_968, %select_n3A_973, %select_n3A_978, %select_n3A_983, %select_n3A_988, %select_n3A_993, %select_n3A_998, %select_n3A_1003 : vector<16xf32>, vector<16xf32>, vector<16xf32>, vector<16xf32>, vector<16xf32>, vector<16xf32>, vector<16xf32>, vector<16xf32>
      }
      %scan3A_950 = arith.constant 128 : i32
      %add3A_951 = arith.constant 1 : i32
      %add3A_952 = arith.addi %while3A_934, %add3A_951 : i32
      scf.yield %add3A_952, %scan3A_949#0, %scan3A_949#1, %scan3A_949#2, %scan3A_949#3, %scan3A_949#4, %scan3A_949#5, %scan3A_949#6, %scan3A_949#7 : i32, vector<16xf32>, vector<16xf32>, vector<16xf32>, vector<16xf32>, vector<16xf32>, vector<16xf32>, vector<16xf32>, vector<16xf32>
    }
    %swap3A = arith.constant 0 : index
    %swap3A_208 = tpu.vector_load %arg11[%swap3A] {strides = array<i32>} : memref<128xf32, #tpu.memory_space<vmem>>, vector<16xf32>,
    tpu.vector_store %arg11[%swap3A], %while3A_207#1 {strides = array<i32>} : memref<128xf32, #tpu.memory_space<vmem>>, vector<16xf32>,
    %swap3A_209 = arith.constant 16 : index
    %swap3A_210 = tpu.vector_load %arg11[%swap3A_209] {strides = array<i32>} : memref<128xf32, #tpu.memory_space<vmem>>, vector<16xf32>,
    tpu.vector_store %arg11[%swap3A_209], %while3A_207#2 {strides = array<i32>} : memref<128xf32, #tpu.memory_space<vmem>>, vector<16xf32>,
    %swap3A_211 = arith.constant 32 : index
    %swap3A_212 = tpu.vector_load %arg11[%swap3A_211] {strides = array<i32>} : memref<128xf32, #tpu.memory_space<vmem>>, vector<16xf32>,
    tpu.vector_store %arg11[%swap3A_211], %while3A_207#3 {strides = array<i32>} : memref<128xf32, #tpu.memory_space<vmem>>, vector<16xf32>,
    %swap3A_213 = arith.constant 48 : index
    %swap3A_214 = tpu.vector_load %arg11[%swap3A_213] {strides = array<i32>} : memref<128xf32, #tpu.memory_space<vmem>>, vector<16xf32>,
    tpu.vector_store %arg11[%swap3A_213], %while3A_207#4 {strides = array<i32>} : memref<128xf32, #tpu.memory_space<vmem>>, vector<16xf32>,
    %swap3A_215 = arith.constant 64 : index
    %swap3A_216 = tpu.vector_load %arg11[%swap3A_215] {strides = array<i32>} : memref<128xf32, #tpu.memory_space<vmem>>, vector<16xf32>,
    tpu.vector_store %arg11[%swap3A_215], %while3A_207#5 {strides = array<i32>} : memref<128xf32, #tpu.memory_space<vmem>>, vector<16xf32>,
    %swap3A_217 = arith.constant 80 : index
    %swap3A_218 = tpu.vector_load %arg11[%swap3A_217] {strides = array<i32>} : memref<128xf32, #tpu.memory_space<vmem>>, vector<16xf32>,
    tpu.vector_store %arg11[%swap3A_217], %while3A_207#6 {strides = array<i32>} : memref<128xf32, #tpu.memory_space<vmem>>, vector<16xf32>,
    %swap3A_219 = arith.constant 96 : index
    %swap3A_220 = tpu.vector_load %arg11[%swap3A_219] {strides = array<i32>} : memref<128xf32, #tpu.memory_space<vmem>>, vector<16xf32>,
    tpu.vector_store %arg11[%swap3A_219], %while3A_207#7 {strides = array<i32>} : memref<128xf32, #tpu.memory_space<vmem>>, vector<16xf32>,
    %swap3A_221 = arith.constant 112 : index
    %swap3A_222 = tpu.vector_load %arg11[%swap3A_221] {strides = array<i32>} : memref<128xf32, #tpu.memory_space<vmem>>, vector<16xf32>,
    tpu.vector_store %arg11[%swap3A_221], %while3A_207#8 {strides = array<i32>} : memref<128xf32, #tpu.memory_space<vmem>>, vector<16xf32>,
    "tpu.region"() ({
      %run_scoped3A = tpu.sem_alloc : memref<!tpu.dma_semaphore, #tpu.memory_space<semaphore_mem>>
      %dma_start3A = arith.constant 0 : i32
      %dma_start3A_934 = tpu.memref_slice %arg6[%add3A_4, %dma_start3A] : memref<128x128xf32, #tpu.memory_space<hbm>> -> memref<1x128xf32, #tpu.memory_space<hbm>>
      %dma_start3A_935 = tpu.memref_squeeze %dma_start3A_934 : memref<1x128xf32, #tpu.memory_space<hbm>> -> memref<128xf32, #tpu.memory_space<hbm>>
      %dma_start3A_936 = arith.constant 0 : i32
      %dma_start3A_937 = tpu.memref_slice %arg6[%add3A_4, %dma_start3A_936] : memref<128x128xf32, #tpu.memory_space<hbm>> -> memref<1x128xf32, #tpu.memory_space<hbm>>
      %dma_start3A_938 = tpu.memref_squeeze %dma_start3A_937 : memref<1x128xf32, #tpu.memory_space<hbm>> -> memref<128xf32, #tpu.memory_space<hbm>>
      tpu.enqueue_dma source(%arg11 : memref<128xf32, #tpu.memory_space<vmem>>) target(%dma_start3A_938 : memref<128xf32, #tpu.memory_space<hbm>>) target_semaphore(%run_scoped3A : memref<!tpu.dma_semaphore, #tpu.memory_space<semaphore_mem>>)
      %dma_wait3A = arith.constant 0 : i32
      %dma_wait3A_939 = tpu.memref_slice %arg6[%add3A_4, %dma_wait3A] : memref<128x128xf32, #tpu.memory_space<hbm>> -> memref<1x128xf32, #tpu.memory_space<hbm>>
      %dma_wait3A_940 = tpu.memref_squeeze %dma_wait3A_939 : memref<1x128xf32, #tpu.memory_space<hbm>> -> memref<128xf32, #tpu.memory_space<hbm>>
      %dma_wait3A_941 = arith.constant 0 : i32
      %dma_wait3A_942 = tpu.memref_slice %arg6[%add3A_4, %dma_wait3A_941] : memref<128x128xf32, #tpu.memory_space<hbm>> -> memref<1x128xf32, #tpu.memory_space<hbm>>
      %dma_wait3A_943 = tpu.memref_squeeze %dma_wait3A_942 : memref<1x128xf32, #tpu.memory_space<hbm>> -> memref<128xf32, #tpu.memory_space<hbm>>
      tpu.wait_dma2 semaphore(%run_scoped3A : memref<!tpu.dma_semaphore, #tpu.memory_space<semaphore_mem>>) src(%arg11 : memref<128xf32, #tpu.memory_space<vmem>>) dst(%dma_wait3A_943 : memref<128xf32, #tpu.memory_space<hbm>>)
      tpu.yield
    }) : () -> ()
    %mul3A_223 = arith.constant 4 : i32
    %mul3A_224 = arith.muli %add3A, %mul3A_223 : i32
    %add3A_225 = arith.constant 1 : i32
    %add3A_226 = arith.addi %mul3A_224, %add3A_225 : i32
    %jit3A_227 = arith.constant 16 : i32
    %div3A_228 = arith.divsi %add3A_226, %jit3A_227 : i32
    %sign3A_229 = arith.constant 0 : i32
    %sign3A_230 = arith.cmpi sgt, %add3A_226, %sign3A_229 : i32
    %sign3A_231 = arith.extui %sign3A_230 : i1 to i32
    %sign3A_232 = arith.constant 0 : i32
    %sign3A_233 = arith.cmpi slt, %add3A_226, %sign3A_232 : i32
    %sign3A_234 = arith.extui %sign3A_233 : i1 to i32
    %sign3A_235 = arith.subi %sign3A_231, %sign3A_234 : i32
    %sign3A_236 = arith.constant 0 : i32
    %sign3A_237 = arith.cmpi sgt, %jit3A_227, %sign3A_236 : i32
    %sign3A_238 = arith.extui %sign3A_237 : i1 to i32
    %sign3A_239 = arith.constant 0 : i32
    %sign3A_240 = arith.cmpi slt, %jit3A_227, %sign3A_239 : i32
    %sign3A_241 = arith.extui %sign3A_240 : i1 to i32
    %sign3A_242 = arith.subi %sign3A_238, %sign3A_241 : i32
    %ne3A_243 = arith.cmpi ne, %sign3A_235, %sign3A_242 : i32
    %rem3A_244 = arith.remsi %add3A_226, %jit3A_227 : i32
    %ne3A_245 = arith.constant 0 : i32
    %ne3A_246 = arith.cmpi ne, %rem3A_244, %ne3A_245 : i32
    %and3A_247 = arith.andi %ne3A_243, %ne3A_246 : i1
    %sub3A_248 = arith.constant 1 : i32
    %sub3A_249 = arith.subi %div3A_228, %sub3A_248 : i32
    %select_n3A_250 = arith.select %and3A_247, %sub3A_249, %div3A_228 : i32
    %mul3A_251 = arith.constant 16 : i32
    %mul3A_252 = arith.muli %select_n3A_250, %mul3A_251 : i32
    %get3A_253 = arith.index_cast %mul3A_252 : i32 to index
    %get3A_254 = tpu.vector_load %arg8[%get3A_253] {strides = array<i32>} : memref<144xi32, #tpu.memory_space<vmem>>, vector<16xi32>,
    %jit3A_255 = arith.constant 16 : i32
    %eq3A_256 = arith.constant 0 : i32
    %eq3A_257 = arith.cmpi eq, %jit3A_255, %eq3A_256 : i32
    %jit3A_258 = arith.constant 1 : i32
    %select_n3A_259 = arith.select %eq3A_257, %jit3A_258, %jit3A_255 : i32
    %rem3A_260 = arith.remsi %add3A_226, %select_n3A_259 : i32
    %ne3A_261 = arith.constant 0 : i32
    %ne3A_262 = arith.cmpi ne, %rem3A_260, %ne3A_261 : i32
    %lt3A_263 = arith.constant 0 : i32
    %lt3A_264 = arith.cmpi slt, %rem3A_260, %lt3A_263 : i32
    %lt3A_265 = arith.constant 0 : i32
    %lt3A_266 = arith.cmpi slt, %select_n3A_259, %lt3A_265 : i32
    %ne3A_267 = arith.xori %lt3A_264, %lt3A_266 : i1
    %and3A_268 = arith.andi %ne3A_267, %ne3A_262 : i1
    %add3A_269 = arith.addi %rem3A_260, %select_n3A_259 : i32
    %select_n3A_270 = arith.select %and3A_268, %add3A_269, %rem3A_260 : i32
    %eq3A_271 = vector.broadcast %select_n3A_270 : i32 to vector<16xi32>
    %eq3A_272 = arith.cmpi eq, %iota3A, %eq3A_271 : vector<16xi32>
    %jit3A_273 = arith.constant -1 : i32
    %broadcast_in_dim3A_274 = vector.broadcast %jit3A_273 : i32 to vector<16xi32>
    %select_n3A_275 = arith.select %eq3A_272, %get3A_254, %broadcast_in_dim3A_274 : vector<16xi1>, vector<16xi32>
    %reduce_max3A_276 = arith.constant true
    %reduce_max3A_277 = vector.broadcast %reduce_max3A_276 : i1 to vector<16xi1>
    %reduce_max3A_278 = arith.constant -2147483648 : i32
    %reduce_max3A_279 = vector.broadcast %reduce_max3A_278 : i32 to vector<16xi32>
    %reduce_max3A_280 = arith.xori %select_n3A_275, %reduce_max3A_279 : vector<16xi32>
    %reduce_max3A_281 = tpu.scan <max>, %reduce_max3A_280 masked %reduce_max3A_277 : vector<16xi32>, vector<16xi1> -> vector<16xi32>
    %reduce_max3A_282 = arith.xori %reduce_max3A_281, %reduce_max3A_279 : vector<16xi32>
    %reduce_max3A_283 = vector.extract %reduce_max3A_282[15] : i32 from vector<16xi32>
    %add3A_284 = arith.constant 1 : i32
    %add3A_285 = arith.addi %add3A_226, %add3A_284 : i32
    %jit3A_286 = arith.constant 16 : i32
    %div3A_287 = arith.divsi %add3A_285, %jit3A_286 : i32
    %sign3A_288 = arith.constant 0 : i32
    %sign3A_289 = arith.cmpi sgt, %add3A_285, %sign3A_288 : i32
    %sign3A_290 = arith.extui %sign3A_289 : i1 to i32
    %sign3A_291 = arith.constant 0 : i32
    %sign3A_292 = arith.cmpi slt, %add3A_285, %sign3A_291 : i32
    %sign3A_293 = arith.extui %sign3A_292 : i1 to i32
    %sign3A_294 = arith.subi %sign3A_290, %sign3A_293 : i32
    %sign3A_295 = arith.constant 0 : i32
    %sign3A_296 = arith.cmpi sgt, %jit3A_286, %sign3A_295 : i32
    %sign3A_297 = arith.extui %sign3A_296 : i1 to i32
    %sign3A_298 = arith.constant 0 : i32
    %sign3A_299 = arith.cmpi slt, %jit3A_286, %sign3A_298 : i32
    %sign3A_300 = arith.extui %sign3A_299 : i1 to i32
    %sign3A_301 = arith.subi %sign3A_297, %sign3A_300 : i32
    %ne3A_302 = arith.cmpi ne, %sign3A_294, %sign3A_301 : i32
    %rem3A_303 = arith.remsi %add3A_285, %jit3A_286 : i32
    %ne3A_304 = arith.constant 0 : i32
    %ne3A_305 = arith.cmpi ne, %rem3A_303, %ne3A_304 : i32
    %and3A_306 = arith.andi %ne3A_302, %ne3A_305 : i1
    %sub3A_307 = arith.constant 1 : i32
    %sub3A_308 = arith.subi %div3A_287, %sub3A_307 : i32
    %select_n3A_309 = arith.select %and3A_306, %sub3A_308, %div3A_287 : i32
    %mul3A_310 = arith.constant 16 : i32
    %mul3A_311 = arith.muli %select_n3A_309, %mul3A_310 : i32
    %get3A_312 = arith.index_cast %mul3A_311 : i32 to index
    %get3A_313 = tpu.vector_load %arg8[%get3A_312] {strides = array<i32>} : memref<144xi32, #tpu.memory_space<vmem>>, vector<16xi32>,
    %jit3A_314 = arith.constant 16 : i32
    %eq3A_315 = arith.constant 0 : i32
    %eq3A_316 = arith.cmpi eq, %jit3A_314, %eq3A_315 : i32
    %jit3A_317 = arith.constant 1 : i32
    %select_n3A_318 = arith.select %eq3A_316, %jit3A_317, %jit3A_314 : i32
    %rem3A_319 = arith.remsi %add3A_285, %select_n3A_318 : i32
    %ne3A_320 = arith.constant 0 : i32
    %ne3A_321 = arith.cmpi ne, %rem3A_319, %ne3A_320 : i32
    %lt3A_322 = arith.constant 0 : i32
    %lt3A_323 = arith.cmpi slt, %rem3A_319, %lt3A_322 : i32
    %lt3A_324 = arith.constant 0 : i32
    %lt3A_325 = arith.cmpi slt, %select_n3A_318, %lt3A_324 : i32
    %ne3A_326 = arith.xori %lt3A_323, %lt3A_325 : i1
    %and3A_327 = arith.andi %ne3A_326, %ne3A_321 : i1
    %add3A_328 = arith.addi %rem3A_319, %select_n3A_318 : i32
    %select_n3A_329 = arith.select %and3A_327, %add3A_328, %rem3A_319 : i32
    %eq3A_330 = vector.broadcast %select_n3A_329 : i32 to vector<16xi32>
    %eq3A_331 = arith.cmpi eq, %iota3A, %eq3A_330 : vector<16xi32>
    %jit3A_332 = arith.constant -1 : i32
    %broadcast_in_dim3A_333 = vector.broadcast %jit3A_332 : i32 to vector<16xi32>
    %select_n3A_334 = arith.select %eq3A_331, %get3A_313, %broadcast_in_dim3A_333 : vector<16xi1>, vector<16xi32>
    %reduce_max3A_335 = arith.constant true
    %reduce_max3A_336 = vector.broadcast %reduce_max3A_335 : i1 to vector<16xi1>
    %reduce_max3A_337 = arith.constant -2147483648 : i32
    %reduce_max3A_338 = vector.broadcast %reduce_max3A_337 : i32 to vector<16xi32>
    %reduce_max3A_339 = arith.xori %select_n3A_334, %reduce_max3A_338 : vector<16xi32>
    %reduce_max3A_340 = tpu.scan <max>, %reduce_max3A_339 masked %reduce_max3A_336 : vector<16xi32>, vector<16xi1> -> vector<16xi32>
    %reduce_max3A_341 = arith.xori %reduce_max3A_340, %reduce_max3A_338 : vector<16xi32>
    %reduce_max3A_342 = vector.extract %reduce_max3A_341[15] : i32 from vector<16xi32>
    %jit3A_343 = arith.constant 16 : i32
    %div3A_344 = arith.divsi %add3A_226, %jit3A_343 : i32
    %sign3A_345 = arith.constant 0 : i32
    %sign3A_346 = arith.cmpi sgt, %add3A_226, %sign3A_345 : i32
    %sign3A_347 = arith.extui %sign3A_346 : i1 to i32
    %sign3A_348 = arith.constant 0 : i32
    %sign3A_349 = arith.cmpi slt, %add3A_226, %sign3A_348 : i32
    %sign3A_350 = arith.extui %sign3A_349 : i1 to i32
    %sign3A_351 = arith.subi %sign3A_347, %sign3A_350 : i32
    %sign3A_352 = arith.constant 0 : i32
    %sign3A_353 = arith.cmpi sgt, %jit3A_343, %sign3A_352 : i32
    %sign3A_354 = arith.extui %sign3A_353 : i1 to i32
    %sign3A_355 = arith.constant 0 : i32
    %sign3A_356 = arith.cmpi slt, %jit3A_343, %sign3A_355 : i32
    %sign3A_357 = arith.extui %sign3A_356 : i1 to i32
    %sign3A_358 = arith.subi %sign3A_354, %sign3A_357 : i32
    %ne3A_359 = arith.cmpi ne, %sign3A_351, %sign3A_358 : i32
    %rem3A_360 = arith.remsi %add3A_226, %jit3A_343 : i32
    %ne3A_361 = arith.constant 0 : i32
    %ne3A_362 = arith.cmpi ne, %rem3A_360, %ne3A_361 : i32
    %and3A_363 = arith.andi %ne3A_359, %ne3A_362 : i1
    %sub3A_364 = arith.constant 1 : i32
    %sub3A_365 = arith.subi %div3A_344, %sub3A_364 : i32
    %select_n3A_366 = arith.select %and3A_363, %sub3A_365, %div3A_344 : i32
    %mul3A_367 = arith.constant 16 : i32
    %mul3A_368 = arith.muli %select_n3A_366, %mul3A_367 : i32
    %get3A_369 = arith.index_cast %mul3A_368 : i32 to index
    %get3A_370 = tpu.vector_load %arg9[%get3A_369] {strides = array<i32>} : memref<128xi32, #tpu.memory_space<vmem>>, vector<16xi32>,
    %jit3A_371 = arith.constant 16 : i32
    %eq3A_372 = arith.constant 0 : i32
    %eq3A_373 = arith.cmpi eq, %jit3A_371, %eq3A_372 : i32
    %jit3A_374 = arith.constant 1 : i32
    %select_n3A_375 = arith.select %eq3A_373, %jit3A_374, %jit3A_371 : i32
    %rem3A_376 = arith.remsi %add3A_226, %select_n3A_375 : i32
    %ne3A_377 = arith.constant 0 : i32
    %ne3A_378 = arith.cmpi ne, %rem3A_376, %ne3A_377 : i32
    %lt3A_379 = arith.constant 0 : i32
    %lt3A_380 = arith.cmpi slt, %rem3A_376, %lt3A_379 : i32
    %lt3A_381 = arith.constant 0 : i32
    %lt3A_382 = arith.cmpi slt, %select_n3A_375, %lt3A_381 : i32
    %ne3A_383 = arith.xori %lt3A_380, %lt3A_382 : i1
    %and3A_384 = arith.andi %ne3A_383, %ne3A_378 : i1
    %add3A_385 = arith.addi %rem3A_376, %select_n3A_375 : i32
    %select_n3A_386 = arith.select %and3A_384, %add3A_385, %rem3A_376 : i32
    %eq3A_387 = vector.broadcast %select_n3A_386 : i32 to vector<16xi32>
    %eq3A_388 = arith.cmpi eq, %iota3A, %eq3A_387 : vector<16xi32>
    %jit3A_389 = arith.constant -1 : i32
    %broadcast_in_dim3A_390 = vector.broadcast %jit3A_389 : i32 to vector<16xi32>
    %select_n3A_391 = arith.select %eq3A_388, %get3A_370, %broadcast_in_dim3A_390 : vector<16xi1>, vector<16xi32>
    %reduce_max3A_392 = arith.constant true
    %reduce_max3A_393 = vector.broadcast %reduce_max3A_392 : i1 to vector<16xi1>
    %reduce_max3A_394 = arith.constant -2147483648 : i32
    %reduce_max3A_395 = vector.broadcast %reduce_max3A_394 : i32 to vector<16xi32>
    %reduce_max3A_396 = arith.xori %select_n3A_391, %reduce_max3A_395 : vector<16xi32>
    %reduce_max3A_397 = tpu.scan <max>, %reduce_max3A_396 masked %reduce_max3A_393 : vector<16xi32>, vector<16xi1> -> vector<16xi32>
    %reduce_max3A_398 = arith.xori %reduce_max3A_397, %reduce_max3A_395 : vector<16xi32>
    %reduce_max3A_399 = vector.extract %reduce_max3A_398[15] : i32 from vector<16xi32>
    "tpu.region"() ({
      %run_scoped3A = tpu.sem_alloc : memref<!tpu.dma_semaphore, #tpu.memory_space<semaphore_mem>>
      %dma_start3A = arith.constant 0 : i32
      %dma_start3A_934 = tpu.memref_slice %arg3[%reduce_max3A_399, %dma_start3A] : memref<10240x128xf32, #tpu.memory_space<hbm>> -> memref<1x128xf32, #tpu.memory_space<hbm>>
      %dma_start3A_935 = tpu.memref_squeeze %dma_start3A_934 : memref<1x128xf32, #tpu.memory_space<hbm>> -> memref<128xf32, #tpu.memory_space<hbm>>
      %dma_start3A_936 = arith.constant 0 : i32
      %dma_start3A_937 = tpu.memref_slice %arg3[%reduce_max3A_399, %dma_start3A_936] : memref<10240x128xf32, #tpu.memory_space<hbm>> -> memref<1x128xf32, #tpu.memory_space<hbm>>
      %dma_start3A_938 = tpu.memref_squeeze %dma_start3A_937 : memref<1x128xf32, #tpu.memory_space<hbm>> -> memref<128xf32, #tpu.memory_space<hbm>>
      tpu.enqueue_dma source(%dma_start3A_938 : memref<128xf32, #tpu.memory_space<hbm>>) target(%arg12 : memref<128xf32, #tpu.memory_space<vmem>>) target_semaphore(%run_scoped3A : memref<!tpu.dma_semaphore, #tpu.memory_space<semaphore_mem>>)
      %dma_wait3A = arith.constant 0 : i32
      %dma_wait3A_939 = tpu.memref_slice %arg3[%reduce_max3A_399, %dma_wait3A] : memref<10240x128xf32, #tpu.memory_space<hbm>> -> memref<1x128xf32, #tpu.memory_space<hbm>>
      %dma_wait3A_940 = tpu.memref_squeeze %dma_wait3A_939 : memref<1x128xf32, #tpu.memory_space<hbm>> -> memref<128xf32, #tpu.memory_space<hbm>>
      %dma_wait3A_941 = arith.constant 0 : i32
      %dma_wait3A_942 = tpu.memref_slice %arg3[%reduce_max3A_399, %dma_wait3A_941] : memref<10240x128xf32, #tpu.memory_space<hbm>> -> memref<1x128xf32, #tpu.memory_space<hbm>>
      %dma_wait3A_943 = tpu.memref_squeeze %dma_wait3A_942 : memref<1x128xf32, #tpu.memory_space<hbm>> -> memref<128xf32, #tpu.memory_space<hbm>>
      tpu.wait_dma2 semaphore(%run_scoped3A : memref<!tpu.dma_semaphore, #tpu.memory_space<semaphore_mem>>) src(%dma_wait3A_943 : memref<128xf32, #tpu.memory_space<hbm>>) dst(%arg12 : memref<128xf32, #tpu.memory_space<vmem>>)
      tpu.yield
    }) : () -> ()
    "tpu.region"() ({
      %run_scoped3A = tpu.sem_alloc : memref<!tpu.dma_semaphore, #tpu.memory_space<semaphore_mem>>
      %dma_start3A = arith.constant 0 : i32
      %dma_start3A_934 = tpu.memref_slice %arg7[%add3A_226, %dma_start3A] : memref<128x128xf32, #tpu.memory_space<hbm>> -> memref<1x128xf32, #tpu.memory_space<hbm>>
      %dma_start3A_935 = tpu.memref_squeeze %dma_start3A_934 : memref<1x128xf32, #tpu.memory_space<hbm>> -> memref<128xf32, #tpu.memory_space<hbm>>
      %dma_start3A_936 = arith.constant 0 : i32
      %dma_start3A_937 = tpu.memref_slice %arg7[%add3A_226, %dma_start3A_936] : memref<128x128xf32, #tpu.memory_space<hbm>> -> memref<1x128xf32, #tpu.memory_space<hbm>>
      %dma_start3A_938 = tpu.memref_squeeze %dma_start3A_937 : memref<1x128xf32, #tpu.memory_space<hbm>> -> memref<128xf32, #tpu.memory_space<hbm>>
      tpu.enqueue_dma source(%arg12 : memref<128xf32, #tpu.memory_space<vmem>>) target(%dma_start3A_938 : memref<128xf32, #tpu.memory_space<hbm>>) target_semaphore(%run_scoped3A : memref<!tpu.dma_semaphore, #tpu.memory_space<semaphore_mem>>)
      %dma_wait3A = arith.constant 0 : i32
      %dma_wait3A_939 = tpu.memref_slice %arg7[%add3A_226, %dma_wait3A] : memref<128x128xf32, #tpu.memory_space<hbm>> -> memref<1x128xf32, #tpu.memory_space<hbm>>
      %dma_wait3A_940 = tpu.memref_squeeze %dma_wait3A_939 : memref<1x128xf32, #tpu.memory_space<hbm>> -> memref<128xf32, #tpu.memory_space<hbm>>
      %dma_wait3A_941 = arith.constant 0 : i32
      %dma_wait3A_942 = tpu.memref_slice %arg7[%add3A_226, %dma_wait3A_941] : memref<128x128xf32, #tpu.memory_space<hbm>> -> memref<1x128xf32, #tpu.memory_space<hbm>>
      %dma_wait3A_943 = tpu.memref_squeeze %dma_wait3A_942 : memref<1x128xf32, #tpu.memory_space<hbm>> -> memref<128xf32, #tpu.memory_space<hbm>>
      tpu.wait_dma2 semaphore(%run_scoped3A : memref<!tpu.dma_semaphore, #tpu.memory_space<semaphore_mem>>) src(%arg12 : memref<128xf32, #tpu.memory_space<vmem>>) dst(%dma_wait3A_943 : memref<128xf32, #tpu.memory_space<hbm>>)
      tpu.yield
    }) : () -> ()
    %jit3A_400 = arith.constant 128 : i32
    %div3A_401 = arith.divsi %reduce_max3A_283, %jit3A_400 : i32
    %sign3A_402 = arith.constant 0 : i32
    %sign3A_403 = arith.cmpi sgt, %reduce_max3A_283, %sign3A_402 : i32
    %sign3A_404 = arith.extui %sign3A_403 : i1 to i32
    %sign3A_405 = arith.constant 0 : i32
    %sign3A_406 = arith.cmpi slt, %reduce_max3A_283, %sign3A_405 : i32
    %sign3A_407 = arith.extui %sign3A_406 : i1 to i32
    %sign3A_408 = arith.subi %sign3A_404, %sign3A_407 : i32
    %sign3A_409 = arith.constant 0 : i32
    %sign3A_410 = arith.cmpi sgt, %jit3A_400, %sign3A_409 : i32
    %sign3A_411 = arith.extui %sign3A_410 : i1 to i32
    %sign3A_412 = arith.constant 0 : i32
    %sign3A_413 = arith.cmpi slt, %jit3A_400, %sign3A_412 : i32
    %sign3A_414 = arith.extui %sign3A_413 : i1 to i32
    %sign3A_415 = arith.subi %sign3A_411, %sign3A_414 : i32
    %ne3A_416 = arith.cmpi ne, %sign3A_408, %sign3A_415 : i32
    %rem3A_417 = arith.remsi %reduce_max3A_283, %jit3A_400 : i32
    %ne3A_418 = arith.constant 0 : i32
    %ne3A_419 = arith.cmpi ne, %rem3A_417, %ne3A_418 : i32
    %and3A_420 = arith.andi %ne3A_416, %ne3A_419 : i1
    %sub3A_421 = arith.constant 1 : i32
    %sub3A_422 = arith.subi %div3A_401, %sub3A_421 : i32
    %select_n3A_423 = arith.select %and3A_420, %sub3A_422, %div3A_401 : i32
    %mul3A_424 = arith.constant 128 : i32
    %mul3A_425 = arith.muli %select_n3A_423, %mul3A_424 : i32
    %broadcast_in_dim3A_426 = arith.constant 0xFF800000 : f32
    %broadcast_in_dim3A_427 = vector.broadcast %broadcast_in_dim3A_426 : f32 to vector<16xf32>
    %broadcast_in_dim3A_428 = arith.constant 0xFF800000 : f32
    %broadcast_in_dim3A_429 = vector.broadcast %broadcast_in_dim3A_428 : f32 to vector<16xf32>
    %broadcast_in_dim3A_430 = arith.constant 0xFF800000 : f32
    %broadcast_in_dim3A_431 = vector.broadcast %broadcast_in_dim3A_430 : f32 to vector<16xf32>
    %broadcast_in_dim3A_432 = arith.constant 0xFF800000 : f32
    %broadcast_in_dim3A_433 = vector.broadcast %broadcast_in_dim3A_432 : f32 to vector<16xf32>
    %broadcast_in_dim3A_434 = arith.constant 0xFF800000 : f32
    %broadcast_in_dim3A_435 = vector.broadcast %broadcast_in_dim3A_434 : f32 to vector<16xf32>
    %broadcast_in_dim3A_436 = arith.constant 0xFF800000 : f32
    %broadcast_in_dim3A_437 = vector.broadcast %broadcast_in_dim3A_436 : f32 to vector<16xf32>
    %broadcast_in_dim3A_438 = arith.constant 0xFF800000 : f32
    %broadcast_in_dim3A_439 = vector.broadcast %broadcast_in_dim3A_438 : f32 to vector<16xf32>
    %broadcast_in_dim3A_440 = arith.constant 0xFF800000 : f32
    %broadcast_in_dim3A_441 = vector.broadcast %broadcast_in_dim3A_440 : f32 to vector<16xf32>
    %while3A_442 = arith.constant 0 : i32
    %while3A_443:9 = scf.while (%while3A_934 = %while3A_442, %while3A_935 = %broadcast_in_dim3A_427, %while3A_936 = %broadcast_in_dim3A_429, %while3A_937 = %broadcast_in_dim3A_431, %while3A_938 = %broadcast_in_dim3A_433, %while3A_939 = %broadcast_in_dim3A_435, %while3A_940 = %broadcast_in_dim3A_437, %while3A_941 = %broadcast_in_dim3A_439, %while3A_942 = %broadcast_in_dim3A_441) : (i32, vector<16xf32>, vector<16xf32>, vector<16xf32>, vector<16xf32>, vector<16xf32>, vector<16xf32>, vector<16xf32>, vector<16xf32>) -> (i32, vector<16xf32>, vector<16xf32>, vector<16xf32>, vector<16xf32>, vector<16xf32>, vector<16xf32>, vector<16xf32>, vector<16xf32>) {
      %mul3A_943 = arith.constant 128 : i32
      %mul3A_944 = arith.muli %while3A_934, %mul3A_943 : i32
      %add3A_945 = arith.addi %mul3A_425, %mul3A_944 : i32
      %lt3A_946 = arith.cmpi slt, %add3A_945, %reduce_max3A_342 : i32
      scf.condition(%lt3A_946) %while3A_934, %while3A_935, %while3A_936, %while3A_937, %while3A_938, %while3A_939, %while3A_940, %while3A_941, %while3A_942 : i32, vector<16xf32>, vector<16xf32>, vector<16xf32>, vector<16xf32>, vector<16xf32>, vector<16xf32>, vector<16xf32>, vector<16xf32>
    } do {
    ^bb0(%while3A_934: i32, %while3A_935: vector<16xf32>, %while3A_936: vector<16xf32>, %while3A_937: vector<16xf32>, %while3A_938: vector<16xf32>, %while3A_939: vector<16xf32>, %while3A_940: vector<16xf32>, %while3A_941: vector<16xf32>, %while3A_942: vector<16xf32>):
      %mul3A_943 = arith.constant 128 : i32
      %mul3A_944 = arith.muli %while3A_934, %mul3A_943 : i32
      %add3A_945 = arith.addi %mul3A_425, %mul3A_944 : i32
      "tpu.region"() ({
        %run_scoped3A = tpu.sem_alloc : memref<!tpu.dma_semaphore, #tpu.memory_space<semaphore_mem>>
        %dma_start3A = arith.constant 0 : i32
        %dma_start3A_953 = tpu.memref_slice %arg2[%add3A_945, %dma_start3A] : memref<10240x128xf32, #tpu.memory_space<hbm>> -> memref<128x128xf32, #tpu.memory_space<hbm>>
        %dma_start3A_954 = arith.constant 0 : i32
        %dma_start3A_955 = tpu.memref_slice %arg2[%add3A_945, %dma_start3A_954] : memref<10240x128xf32, #tpu.memory_space<hbm>> -> memref<128x128xf32, #tpu.memory_space<hbm>>
        tpu.enqueue_dma source(%dma_start3A_955 : memref<128x128xf32, #tpu.memory_space<hbm>>) target(%arg10 : memref<128x128xf32, #tpu.memory_space<vmem>>) target_semaphore(%run_scoped3A : memref<!tpu.dma_semaphore, #tpu.memory_space<semaphore_mem>>)
        %dma_wait3A = arith.constant 0 : i32
        %dma_wait3A_956 = tpu.memref_slice %arg2[%add3A_945, %dma_wait3A] : memref<10240x128xf32, #tpu.memory_space<hbm>> -> memref<128x128xf32, #tpu.memory_space<hbm>>
        %dma_wait3A_957 = arith.constant 0 : i32
        %dma_wait3A_958 = tpu.memref_slice %arg2[%add3A_945, %dma_wait3A_957] : memref<10240x128xf32, #tpu.memory_space<hbm>> -> memref<128x128xf32, #tpu.memory_space<hbm>>
        tpu.wait_dma2 semaphore(%run_scoped3A : memref<!tpu.dma_semaphore, #tpu.memory_space<semaphore_mem>>) src(%dma_wait3A_958 : memref<128x128xf32, #tpu.memory_space<hbm>>) dst(%arg10 : memref<128x128xf32, #tpu.memory_space<vmem>>)
        tpu.yield
      }) : () -> ()
      %scan3A = arith.constant 0 : i32
      %scan3A_946 = arith.constant 128 : i32
      %scan3A_947 = arith.addi %scan3A, %scan3A_946 : i32
      %scan3A_948 = arith.constant 1 : i32
      %scan3A_949:8 = scf.for %scan3A_953 = %scan3A to %scan3A_947 step %scan3A_948 iter_args(%scan3A_954 = %while3A_935, %scan3A_955 = %while3A_936, %scan3A_956 = %while3A_937, %scan3A_957 = %while3A_938, %scan3A_958 = %while3A_939, %scan3A_959 = %while3A_940, %scan3A_960 = %while3A_941, %scan3A_961 = %while3A_942) -> (vector<16xf32>, vector<16xf32>, vector<16xf32>, vector<16xf32>, vector<16xf32>, vector<16xf32>, vector<16xf32>, vector<16xf32>)  : i32 {
        %add3A_962 = arith.addi %add3A_945, %scan3A_953 : i32
        %ge3A = arith.cmpi sge, %add3A_962, %reduce_max3A_283 : i32
        %lt3A_963 = arith.cmpi slt, %add3A_962, %reduce_max3A_342 : i32
        %and3A_964 = arith.andi %ge3A, %lt3A_963 : i1
        %get3A_965 = arith.index_cast %scan3A_953 : i32 to index
        %get3A_966 = arith.constant 0 : index
        %get3A_967 = tpu.vector_load %arg10[%get3A_965, %get3A_966] {strides = array<i32>} : memref<128x128xf32, #tpu.memory_space<vmem>>, vector<16xf32>,
        %max3A = arith.maximumf %scan3A_954, %get3A_967 : vector<16xf32>
        %select_n3A_968 = arith.select %and3A_964, %max3A, %scan3A_954 : vector<16xf32>
        %get3A_969 = arith.index_cast %scan3A_953 : i32 to index
        %get3A_970 = arith.constant 16 : index
        %get3A_971 = tpu.vector_load %arg10[%get3A_969, %get3A_970] {strides = array<i32>} : memref<128x128xf32, #tpu.memory_space<vmem>>, vector<16xf32>,
        %max3A_972 = arith.maximumf %scan3A_955, %get3A_971 : vector<16xf32>
        %select_n3A_973 = arith.select %and3A_964, %max3A_972, %scan3A_955 : vector<16xf32>
        %get3A_974 = arith.index_cast %scan3A_953 : i32 to index
        %get3A_975 = arith.constant 32 : index
        %get3A_976 = tpu.vector_load %arg10[%get3A_974, %get3A_975] {strides = array<i32>} : memref<128x128xf32, #tpu.memory_space<vmem>>, vector<16xf32>,
        %max3A_977 = arith.maximumf %scan3A_956, %get3A_976 : vector<16xf32>
        %select_n3A_978 = arith.select %and3A_964, %max3A_977, %scan3A_956 : vector<16xf32>
        %get3A_979 = arith.index_cast %scan3A_953 : i32 to index
        %get3A_980 = arith.constant 48 : index
        %get3A_981 = tpu.vector_load %arg10[%get3A_979, %get3A_980] {strides = array<i32>} : memref<128x128xf32, #tpu.memory_space<vmem>>, vector<16xf32>,
        %max3A_982 = arith.maximumf %scan3A_957, %get3A_981 : vector<16xf32>
        %select_n3A_983 = arith.select %and3A_964, %max3A_982, %scan3A_957 : vector<16xf32>
        %get3A_984 = arith.index_cast %scan3A_953 : i32 to index
        %get3A_985 = arith.constant 64 : index
        %get3A_986 = tpu.vector_load %arg10[%get3A_984, %get3A_985] {strides = array<i32>} : memref<128x128xf32, #tpu.memory_space<vmem>>, vector<16xf32>,
        %max3A_987 = arith.maximumf %scan3A_958, %get3A_986 : vector<16xf32>
        %select_n3A_988 = arith.select %and3A_964, %max3A_987, %scan3A_958 : vector<16xf32>
        %get3A_989 = arith.index_cast %scan3A_953 : i32 to index
        %get3A_990 = arith.constant 80 : index
        %get3A_991 = tpu.vector_load %arg10[%get3A_989, %get3A_990] {strides = array<i32>} : memref<128x128xf32, #tpu.memory_space<vmem>>, vector<16xf32>,
        %max3A_992 = arith.maximumf %scan3A_959, %get3A_991 : vector<16xf32>
        %select_n3A_993 = arith.select %and3A_964, %max3A_992, %scan3A_959 : vector<16xf32>
        %get3A_994 = arith.index_cast %scan3A_953 : i32 to index
        %get3A_995 = arith.constant 96 : index
        %get3A_996 = tpu.vector_load %arg10[%get3A_994, %get3A_995] {strides = array<i32>} : memref<128x128xf32, #tpu.memory_space<vmem>>, vector<16xf32>,
        %max3A_997 = arith.maximumf %scan3A_960, %get3A_996 : vector<16xf32>
        %select_n3A_998 = arith.select %and3A_964, %max3A_997, %scan3A_960 : vector<16xf32>
        %get3A_999 = arith.index_cast %scan3A_953 : i32 to index
        %get3A_1000 = arith.constant 112 : index
        %get3A_1001 = tpu.vector_load %arg10[%get3A_999, %get3A_1000] {strides = array<i32>} : memref<128x128xf32, #tpu.memory_space<vmem>>, vector<16xf32>,
        %max3A_1002 = arith.maximumf %scan3A_961, %get3A_1001 : vector<16xf32>
        %select_n3A_1003 = arith.select %and3A_964, %max3A_1002, %scan3A_961 : vector<16xf32>
        scf.yield %select_n3A_968, %select_n3A_973, %select_n3A_978, %select_n3A_983, %select_n3A_988, %select_n3A_993, %select_n3A_998, %select_n3A_1003 : vector<16xf32>, vector<16xf32>, vector<16xf32>, vector<16xf32>, vector<16xf32>, vector<16xf32>, vector<16xf32>, vector<16xf32>
      }
      %scan3A_950 = arith.constant 128 : i32
      %add3A_951 = arith.constant 1 : i32
      %add3A_952 = arith.addi %while3A_934, %add3A_951 : i32
      scf.yield %add3A_952, %scan3A_949#0, %scan3A_949#1, %scan3A_949#2, %scan3A_949#3, %scan3A_949#4, %scan3A_949#5, %scan3A_949#6, %scan3A_949#7 : i32, vector<16xf32>, vector<16xf32>, vector<16xf32>, vector<16xf32>, vector<16xf32>, vector<16xf32>, vector<16xf32>, vector<16xf32>
    }
    %swap3A_444 = arith.constant 0 : index
    %swap3A_445 = tpu.vector_load %arg11[%swap3A_444] {strides = array<i32>} : memref<128xf32, #tpu.memory_space<vmem>>, vector<16xf32>,
    tpu.vector_store %arg11[%swap3A_444], %while3A_443#1 {strides = array<i32>} : memref<128xf32, #tpu.memory_space<vmem>>, vector<16xf32>,
    %swap3A_446 = arith.constant 16 : index
    %swap3A_447 = tpu.vector_load %arg11[%swap3A_446] {strides = array<i32>} : memref<128xf32, #tpu.memory_space<vmem>>, vector<16xf32>,
    tpu.vector_store %arg11[%swap3A_446], %while3A_443#2 {strides = array<i32>} : memref<128xf32, #tpu.memory_space<vmem>>, vector<16xf32>,
    %swap3A_448 = arith.constant 32 : index
    %swap3A_449 = tpu.vector_load %arg11[%swap3A_448] {strides = array<i32>} : memref<128xf32, #tpu.memory_space<vmem>>, vector<16xf32>,
    tpu.vector_store %arg11[%swap3A_448], %while3A_443#3 {strides = array<i32>} : memref<128xf32, #tpu.memory_space<vmem>>, vector<16xf32>,
    %swap3A_450 = arith.constant 48 : index
    %swap3A_451 = tpu.vector_load %arg11[%swap3A_450] {strides = array<i32>} : memref<128xf32, #tpu.memory_space<vmem>>, vector<16xf32>,
    tpu.vector_store %arg11[%swap3A_450], %while3A_443#4 {strides = array<i32>} : memref<128xf32, #tpu.memory_space<vmem>>, vector<16xf32>,
    %swap3A_452 = arith.constant 64 : index
    %swap3A_453 = tpu.vector_load %arg11[%swap3A_452] {strides = array<i32>} : memref<128xf32, #tpu.memory_space<vmem>>, vector<16xf32>,
    tpu.vector_store %arg11[%swap3A_452], %while3A_443#5 {strides = array<i32>} : memref<128xf32, #tpu.memory_space<vmem>>, vector<16xf32>,
    %swap3A_454 = arith.constant 80 : index
    %swap3A_455 = tpu.vector_load %arg11[%swap3A_454] {strides = array<i32>} : memref<128xf32, #tpu.memory_space<vmem>>, vector<16xf32>,
    tpu.vector_store %arg11[%swap3A_454], %while3A_443#6 {strides = array<i32>} : memref<128xf32, #tpu.memory_space<vmem>>, vector<16xf32>,
    %swap3A_456 = arith.constant 96 : index
    %swap3A_457 = tpu.vector_load %arg11[%swap3A_456] {strides = array<i32>} : memref<128xf32, #tpu.memory_space<vmem>>, vector<16xf32>,
    tpu.vector_store %arg11[%swap3A_456], %while3A_443#7 {strides = array<i32>} : memref<128xf32, #tpu.memory_space<vmem>>, vector<16xf32>,
    %swap3A_458 = arith.constant 112 : index
    %swap3A_459 = tpu.vector_load %arg11[%swap3A_458] {strides = array<i32>} : memref<128xf32, #tpu.memory_space<vmem>>, vector<16xf32>,
    tpu.vector_store %arg11[%swap3A_458], %while3A_443#8 {strides = array<i32>} : memref<128xf32, #tpu.memory_space<vmem>>, vector<16xf32>,
    "tpu.region"() ({
      %run_scoped3A = tpu.sem_alloc : memref<!tpu.dma_semaphore, #tpu.memory_space<semaphore_mem>>
      %dma_start3A = arith.constant 0 : i32
      %dma_start3A_934 = tpu.memref_slice %arg6[%add3A_226, %dma_start3A] : memref<128x128xf32, #tpu.memory_space<hbm>> -> memref<1x128xf32, #tpu.memory_space<hbm>>
      %dma_start3A_935 = tpu.memref_squeeze %dma_start3A_934 : memref<1x128xf32, #tpu.memory_space<hbm>> -> memref<128xf32, #tpu.memory_space<hbm>>
      %dma_start3A_936 = arith.constant 0 : i32
      %dma_start3A_937 = tpu.memref_slice %arg6[%add3A_226, %dma_start3A_936] : memref<128x128xf32, #tpu.memory_space<hbm>> -> memref<1x128xf32, #tpu.memory_space<hbm>>
      %dma_start3A_938 = tpu.memref_squeeze %dma_start3A_937 : memref<1x128xf32, #tpu.memory_space<hbm>> -> memref<128xf32, #tpu.memory_space<hbm>>
      tpu.enqueue_dma source(%arg11 : memref<128xf32, #tpu.memory_space<vmem>>) target(%dma_start3A_938 : memref<128xf32, #tpu.memory_space<hbm>>) target_semaphore(%run_scoped3A : memref<!tpu.dma_semaphore, #tpu.memory_space<semaphore_mem>>)
      %dma_wait3A = arith.constant 0 : i32
      %dma_wait3A_939 = tpu.memref_slice %arg6[%add3A_226, %dma_wait3A] : memref<128x128xf32, #tpu.memory_space<hbm>> -> memref<1x128xf32, #tpu.memory_space<hbm>>
      %dma_wait3A_940 = tpu.memref_squeeze %dma_wait3A_939 : memref<1x128xf32, #tpu.memory_space<hbm>> -> memref<128xf32, #tpu.memory_space<hbm>>
      %dma_wait3A_941 = arith.constant 0 : i32
      %dma_wait3A_942 = tpu.memref_slice %arg6[%add3A_226, %dma_wait3A_941] : memref<128x128xf32, #tpu.memory_space<hbm>> -> memref<1x128xf32, #tpu.memory_space<hbm>>
      %dma_wait3A_943 = tpu.memref_squeeze %dma_wait3A_942 : memref<1x128xf32, #tpu.memory_space<hbm>> -> memref<128xf32, #tpu.memory_space<hbm>>
      tpu.wait_dma2 semaphore(%run_scoped3A : memref<!tpu.dma_semaphore, #tpu.memory_space<semaphore_mem>>) src(%arg11 : memref<128xf32, #tpu.memory_space<vmem>>) dst(%dma_wait3A_943 : memref<128xf32, #tpu.memory_space<hbm>>)
      tpu.yield
    }) : () -> ()
    %mul3A_460 = arith.constant 4 : i32
    %mul3A_461 = arith.muli %add3A, %mul3A_460 : i32
    %add3A_462 = arith.constant 2 : i32
    %add3A_463 = arith.addi %mul3A_461, %add3A_462 : i32
    %jit3A_464 = arith.constant 16 : i32
    %div3A_465 = arith.divsi %add3A_463, %jit3A_464 : i32
    %sign3A_466 = arith.constant 0 : i32
    %sign3A_467 = arith.cmpi sgt, %add3A_463, %sign3A_466 : i32
    %sign3A_468 = arith.extui %sign3A_467 : i1 to i32
    %sign3A_469 = arith.constant 0 : i32
    %sign3A_470 = arith.cmpi slt, %add3A_463, %sign3A_469 : i32
    %sign3A_471 = arith.extui %sign3A_470 : i1 to i32
    %sign3A_472 = arith.subi %sign3A_468, %sign3A_471 : i32
    %sign3A_473 = arith.constant 0 : i32
    %sign3A_474 = arith.cmpi sgt, %jit3A_464, %sign3A_473 : i32
    %sign3A_475 = arith.extui %sign3A_474 : i1 to i32
    %sign3A_476 = arith.constant 0 : i32
    %sign3A_477 = arith.cmpi slt, %jit3A_464, %sign3A_476 : i32
    %sign3A_478 = arith.extui %sign3A_477 : i1 to i32
    %sign3A_479 = arith.subi %sign3A_475, %sign3A_478 : i32
    %ne3A_480 = arith.cmpi ne, %sign3A_472, %sign3A_479 : i32
    %rem3A_481 = arith.remsi %add3A_463, %jit3A_464 : i32
    %ne3A_482 = arith.constant 0 : i32
    %ne3A_483 = arith.cmpi ne, %rem3A_481, %ne3A_482 : i32
    %and3A_484 = arith.andi %ne3A_480, %ne3A_483 : i1
    %sub3A_485 = arith.constant 1 : i32
    %sub3A_486 = arith.subi %div3A_465, %sub3A_485 : i32
    %select_n3A_487 = arith.select %and3A_484, %sub3A_486, %div3A_465 : i32
    %mul3A_488 = arith.constant 16 : i32
    %mul3A_489 = arith.muli %select_n3A_487, %mul3A_488 : i32
    %get3A_490 = arith.index_cast %mul3A_489 : i32 to index
    %get3A_491 = tpu.vector_load %arg8[%get3A_490] {strides = array<i32>} : memref<144xi32, #tpu.memory_space<vmem>>, vector<16xi32>,
    %jit3A_492 = arith.constant 16 : i32
    %eq3A_493 = arith.constant 0 : i32
    %eq3A_494 = arith.cmpi eq, %jit3A_492, %eq3A_493 : i32
    %jit3A_495 = arith.constant 1 : i32
    %select_n3A_496 = arith.select %eq3A_494, %jit3A_495, %jit3A_492 : i32
    %rem3A_497 = arith.remsi %add3A_463, %select_n3A_496 : i32
    %ne3A_498 = arith.constant 0 : i32
    %ne3A_499 = arith.cmpi ne, %rem3A_497, %ne3A_498 : i32
    %lt3A_500 = arith.constant 0 : i32
    %lt3A_501 = arith.cmpi slt, %rem3A_497, %lt3A_500 : i32
    %lt3A_502 = arith.constant 0 : i32
    %lt3A_503 = arith.cmpi slt, %select_n3A_496, %lt3A_502 : i32
    %ne3A_504 = arith.xori %lt3A_501, %lt3A_503 : i1
    %and3A_505 = arith.andi %ne3A_504, %ne3A_499 : i1
    %add3A_506 = arith.addi %rem3A_497, %select_n3A_496 : i32
    %select_n3A_507 = arith.select %and3A_505, %add3A_506, %rem3A_497 : i32
    %eq3A_508 = vector.broadcast %select_n3A_507 : i32 to vector<16xi32>
    %eq3A_509 = arith.cmpi eq, %iota3A, %eq3A_508 : vector<16xi32>
    %jit3A_510 = arith.constant -1 : i32
    %broadcast_in_dim3A_511 = vector.broadcast %jit3A_510 : i32 to vector<16xi32>
    %select_n3A_512 = arith.select %eq3A_509, %get3A_491, %broadcast_in_dim3A_511 : vector<16xi1>, vector<16xi32>
    %reduce_max3A_513 = arith.constant true
    %reduce_max3A_514 = vector.broadcast %reduce_max3A_513 : i1 to vector<16xi1>
    %reduce_max3A_515 = arith.constant -2147483648 : i32
    %reduce_max3A_516 = vector.broadcast %reduce_max3A_515 : i32 to vector<16xi32>
    %reduce_max3A_517 = arith.xori %select_n3A_512, %reduce_max3A_516 : vector<16xi32>
    %reduce_max3A_518 = tpu.scan <max>, %reduce_max3A_517 masked %reduce_max3A_514 : vector<16xi32>, vector<16xi1> -> vector<16xi32>
    %reduce_max3A_519 = arith.xori %reduce_max3A_518, %reduce_max3A_516 : vector<16xi32>
    %reduce_max3A_520 = vector.extract %reduce_max3A_519[15] : i32 from vector<16xi32>
    %add3A_521 = arith.constant 1 : i32
    %add3A_522 = arith.addi %add3A_463, %add3A_521 : i32
    %jit3A_523 = arith.constant 16 : i32
    %div3A_524 = arith.divsi %add3A_522, %jit3A_523 : i32
    %sign3A_525 = arith.constant 0 : i32
    %sign3A_526 = arith.cmpi sgt, %add3A_522, %sign3A_525 : i32
    %sign3A_527 = arith.extui %sign3A_526 : i1 to i32
    %sign3A_528 = arith.constant 0 : i32
    %sign3A_529 = arith.cmpi slt, %add3A_522, %sign3A_528 : i32
    %sign3A_530 = arith.extui %sign3A_529 : i1 to i32
    %sign3A_531 = arith.subi %sign3A_527, %sign3A_530 : i32
    %sign3A_532 = arith.constant 0 : i32
    %sign3A_533 = arith.cmpi sgt, %jit3A_523, %sign3A_532 : i32
    %sign3A_534 = arith.extui %sign3A_533 : i1 to i32
    %sign3A_535 = arith.constant 0 : i32
    %sign3A_536 = arith.cmpi slt, %jit3A_523, %sign3A_535 : i32
    %sign3A_537 = arith.extui %sign3A_536 : i1 to i32
    %sign3A_538 = arith.subi %sign3A_534, %sign3A_537 : i32
    %ne3A_539 = arith.cmpi ne, %sign3A_531, %sign3A_538 : i32
    %rem3A_540 = arith.remsi %add3A_522, %jit3A_523 : i32
    %ne3A_541 = arith.constant 0 : i32
    %ne3A_542 = arith.cmpi ne, %rem3A_540, %ne3A_541 : i32
    %and3A_543 = arith.andi %ne3A_539, %ne3A_542 : i1
    %sub3A_544 = arith.constant 1 : i32
    %sub3A_545 = arith.subi %div3A_524, %sub3A_544 : i32
    %select_n3A_546 = arith.select %and3A_543, %sub3A_545, %div3A_524 : i32
    %mul3A_547 = arith.constant 16 : i32
    %mul3A_548 = arith.muli %select_n3A_546, %mul3A_547 : i32
    %get3A_549 = arith.index_cast %mul3A_548 : i32 to index
    %get3A_550 = tpu.vector_load %arg8[%get3A_549] {strides = array<i32>} : memref<144xi32, #tpu.memory_space<vmem>>, vector<16xi32>,
    %jit3A_551 = arith.constant 16 : i32
    %eq3A_552 = arith.constant 0 : i32
    %eq3A_553 = arith.cmpi eq, %jit3A_551, %eq3A_552 : i32
    %jit3A_554 = arith.constant 1 : i32
    %select_n3A_555 = arith.select %eq3A_553, %jit3A_554, %jit3A_551 : i32
    %rem3A_556 = arith.remsi %add3A_522, %select_n3A_555 : i32
    %ne3A_557 = arith.constant 0 : i32
    %ne3A_558 = arith.cmpi ne, %rem3A_556, %ne3A_557 : i32
    %lt3A_559 = arith.constant 0 : i32
    %lt3A_560 = arith.cmpi slt, %rem3A_556, %lt3A_559 : i32
    %lt3A_561 = arith.constant 0 : i32
    %lt3A_562 = arith.cmpi slt, %select_n3A_555, %lt3A_561 : i32
    %ne3A_563 = arith.xori %lt3A_560, %lt3A_562 : i1
    %and3A_564 = arith.andi %ne3A_563, %ne3A_558 : i1
    %add3A_565 = arith.addi %rem3A_556, %select_n3A_555 : i32
    %select_n3A_566 = arith.select %and3A_564, %add3A_565, %rem3A_556 : i32
    %eq3A_567 = vector.broadcast %select_n3A_566 : i32 to vector<16xi32>
    %eq3A_568 = arith.cmpi eq, %iota3A, %eq3A_567 : vector<16xi32>
    %jit3A_569 = arith.constant -1 : i32
    %broadcast_in_dim3A_570 = vector.broadcast %jit3A_569 : i32 to vector<16xi32>
    %select_n3A_571 = arith.select %eq3A_568, %get3A_550, %broadcast_in_dim3A_570 : vector<16xi1>, vector<16xi32>
    %reduce_max3A_572 = arith.constant true
    %reduce_max3A_573 = vector.broadcast %reduce_max3A_572 : i1 to vector<16xi1>
    %reduce_max3A_574 = arith.constant -2147483648 : i32
    %reduce_max3A_575 = vector.broadcast %reduce_max3A_574 : i32 to vector<16xi32>
    %reduce_max3A_576 = arith.xori %select_n3A_571, %reduce_max3A_575 : vector<16xi32>
    %reduce_max3A_577 = tpu.scan <max>, %reduce_max3A_576 masked %reduce_max3A_573 : vector<16xi32>, vector<16xi1> -> vector<16xi32>
    %reduce_max3A_578 = arith.xori %reduce_max3A_577, %reduce_max3A_575 : vector<16xi32>
    %reduce_max3A_579 = vector.extract %reduce_max3A_578[15] : i32 from vector<16xi32>
    %jit3A_580 = arith.constant 16 : i32
    %div3A_581 = arith.divsi %add3A_463, %jit3A_580 : i32
    %sign3A_582 = arith.constant 0 : i32
    %sign3A_583 = arith.cmpi sgt, %add3A_463, %sign3A_582 : i32
    %sign3A_584 = arith.extui %sign3A_583 : i1 to i32
    %sign3A_585 = arith.constant 0 : i32
    %sign3A_586 = arith.cmpi slt, %add3A_463, %sign3A_585 : i32
    %sign3A_587 = arith.extui %sign3A_586 : i1 to i32
    %sign3A_588 = arith.subi %sign3A_584, %sign3A_587 : i32
    %sign3A_589 = arith.constant 0 : i32
    %sign3A_590 = arith.cmpi sgt, %jit3A_580, %sign3A_589 : i32
    %sign3A_591 = arith.extui %sign3A_590 : i1 to i32
    %sign3A_592 = arith.constant 0 : i32
    %sign3A_593 = arith.cmpi slt, %jit3A_580, %sign3A_592 : i32
    %sign3A_594 = arith.extui %sign3A_593 : i1 to i32
    %sign3A_595 = arith.subi %sign3A_591, %sign3A_594 : i32
    %ne3A_596 = arith.cmpi ne, %sign3A_588, %sign3A_595 : i32
    %rem3A_597 = arith.remsi %add3A_463, %jit3A_580 : i32
    %ne3A_598 = arith.constant 0 : i32
    %ne3A_599 = arith.cmpi ne, %rem3A_597, %ne3A_598 : i32
    %and3A_600 = arith.andi %ne3A_596, %ne3A_599 : i1
    %sub3A_601 = arith.constant 1 : i32
    %sub3A_602 = arith.subi %div3A_581, %sub3A_601 : i32
    %select_n3A_603 = arith.select %and3A_600, %sub3A_602, %div3A_581 : i32
    %mul3A_604 = arith.constant 16 : i32
    %mul3A_605 = arith.muli %select_n3A_603, %mul3A_604 : i32
    %get3A_606 = arith.index_cast %mul3A_605 : i32 to index
    %get3A_607 = tpu.vector_load %arg9[%get3A_606] {strides = array<i32>} : memref<128xi32, #tpu.memory_space<vmem>>, vector<16xi32>,
    %jit3A_608 = arith.constant 16 : i32
    %eq3A_609 = arith.constant 0 : i32
    %eq3A_610 = arith.cmpi eq, %jit3A_608, %eq3A_609 : i32
    %jit3A_611 = arith.constant 1 : i32
    %select_n3A_612 = arith.select %eq3A_610, %jit3A_611, %jit3A_608 : i32
    %rem3A_613 = arith.remsi %add3A_463, %select_n3A_612 : i32
    %ne3A_614 = arith.constant 0 : i32
    %ne3A_615 = arith.cmpi ne, %rem3A_613, %ne3A_614 : i32
    %lt3A_616 = arith.constant 0 : i32
    %lt3A_617 = arith.cmpi slt, %rem3A_613, %lt3A_616 : i32
    %lt3A_618 = arith.constant 0 : i32
    %lt3A_619 = arith.cmpi slt, %select_n3A_612, %lt3A_618 : i32
    %ne3A_620 = arith.xori %lt3A_617, %lt3A_619 : i1
    %and3A_621 = arith.andi %ne3A_620, %ne3A_615 : i1
    %add3A_622 = arith.addi %rem3A_613, %select_n3A_612 : i32
    %select_n3A_623 = arith.select %and3A_621, %add3A_622, %rem3A_613 : i32
    %eq3A_624 = vector.broadcast %select_n3A_623 : i32 to vector<16xi32>
    %eq3A_625 = arith.cmpi eq, %iota3A, %eq3A_624 : vector<16xi32>
    %jit3A_626 = arith.constant -1 : i32
    %broadcast_in_dim3A_627 = vector.broadcast %jit3A_626 : i32 to vector<16xi32>
    %select_n3A_628 = arith.select %eq3A_625, %get3A_607, %broadcast_in_dim3A_627 : vector<16xi1>, vector<16xi32>
    %reduce_max3A_629 = arith.constant true
    %reduce_max3A_630 = vector.broadcast %reduce_max3A_629 : i1 to vector<16xi1>
    %reduce_max3A_631 = arith.constant -2147483648 : i32
    %reduce_max3A_632 = vector.broadcast %reduce_max3A_631 : i32 to vector<16xi32>
    %reduce_max3A_633 = arith.xori %select_n3A_628, %reduce_max3A_632 : vector<16xi32>
    %reduce_max3A_634 = tpu.scan <max>, %reduce_max3A_633 masked %reduce_max3A_630 : vector<16xi32>, vector<16xi1> -> vector<16xi32>
    %reduce_max3A_635 = arith.xori %reduce_max3A_634, %reduce_max3A_632 : vector<16xi32>
    %reduce_max3A_636 = vector.extract %reduce_max3A_635[15] : i32 from vector<16xi32>
    "tpu.region"() ({
      %run_scoped3A = tpu.sem_alloc : memref<!tpu.dma_semaphore, #tpu.memory_space<semaphore_mem>>
      %dma_start3A = arith.constant 0 : i32
      %dma_start3A_934 = tpu.memref_slice %arg3[%reduce_max3A_636, %dma_start3A] : memref<10240x128xf32, #tpu.memory_space<hbm>> -> memref<1x128xf32, #tpu.memory_space<hbm>>
      %dma_start3A_935 = tpu.memref_squeeze %dma_start3A_934 : memref<1x128xf32, #tpu.memory_space<hbm>> -> memref<128xf32, #tpu.memory_space<hbm>>
      %dma_start3A_936 = arith.constant 0 : i32
      %dma_start3A_937 = tpu.memref_slice %arg3[%reduce_max3A_636, %dma_start3A_936] : memref<10240x128xf32, #tpu.memory_space<hbm>> -> memref<1x128xf32, #tpu.memory_space<hbm>>
      %dma_start3A_938 = tpu.memref_squeeze %dma_start3A_937 : memref<1x128xf32, #tpu.memory_space<hbm>> -> memref<128xf32, #tpu.memory_space<hbm>>
      tpu.enqueue_dma source(%dma_start3A_938 : memref<128xf32, #tpu.memory_space<hbm>>) target(%arg12 : memref<128xf32, #tpu.memory_space<vmem>>) target_semaphore(%run_scoped3A : memref<!tpu.dma_semaphore, #tpu.memory_space<semaphore_mem>>)
      %dma_wait3A = arith.constant 0 : i32
      %dma_wait3A_939 = tpu.memref_slice %arg3[%reduce_max3A_636, %dma_wait3A] : memref<10240x128xf32, #tpu.memory_space<hbm>> -> memref<1x128xf32, #tpu.memory_space<hbm>>
      %dma_wait3A_940 = tpu.memref_squeeze %dma_wait3A_939 : memref<1x128xf32, #tpu.memory_space<hbm>> -> memref<128xf32, #tpu.memory_space<hbm>>
      %dma_wait3A_941 = arith.constant 0 : i32
      %dma_wait3A_942 = tpu.memref_slice %arg3[%reduce_max3A_636, %dma_wait3A_941] : memref<10240x128xf32, #tpu.memory_space<hbm>> -> memref<1x128xf32, #tpu.memory_space<hbm>>
      %dma_wait3A_943 = tpu.memref_squeeze %dma_wait3A_942 : memref<1x128xf32, #tpu.memory_space<hbm>> -> memref<128xf32, #tpu.memory_space<hbm>>
      tpu.wait_dma2 semaphore(%run_scoped3A : memref<!tpu.dma_semaphore, #tpu.memory_space<semaphore_mem>>) src(%dma_wait3A_943 : memref<128xf32, #tpu.memory_space<hbm>>) dst(%arg12 : memref<128xf32, #tpu.memory_space<vmem>>)
      tpu.yield
    }) : () -> ()
    "tpu.region"() ({
      %run_scoped3A = tpu.sem_alloc : memref<!tpu.dma_semaphore, #tpu.memory_space<semaphore_mem>>
      %dma_start3A = arith.constant 0 : i32
      %dma_start3A_934 = tpu.memref_slice %arg7[%add3A_463, %dma_start3A] : memref<128x128xf32, #tpu.memory_space<hbm>> -> memref<1x128xf32, #tpu.memory_space<hbm>>
      %dma_start3A_935 = tpu.memref_squeeze %dma_start3A_934 : memref<1x128xf32, #tpu.memory_space<hbm>> -> memref<128xf32, #tpu.memory_space<hbm>>
      %dma_start3A_936 = arith.constant 0 : i32
      %dma_start3A_937 = tpu.memref_slice %arg7[%add3A_463, %dma_start3A_936] : memref<128x128xf32, #tpu.memory_space<hbm>> -> memref<1x128xf32, #tpu.memory_space<hbm>>
      %dma_start3A_938 = tpu.memref_squeeze %dma_start3A_937 : memref<1x128xf32, #tpu.memory_space<hbm>> -> memref<128xf32, #tpu.memory_space<hbm>>
      tpu.enqueue_dma source(%arg12 : memref<128xf32, #tpu.memory_space<vmem>>) target(%dma_start3A_938 : memref<128xf32, #tpu.memory_space<hbm>>) target_semaphore(%run_scoped3A : memref<!tpu.dma_semaphore, #tpu.memory_space<semaphore_mem>>)
      %dma_wait3A = arith.constant 0 : i32
      %dma_wait3A_939 = tpu.memref_slice %arg7[%add3A_463, %dma_wait3A] : memref<128x128xf32, #tpu.memory_space<hbm>> -> memref<1x128xf32, #tpu.memory_space<hbm>>
      %dma_wait3A_940 = tpu.memref_squeeze %dma_wait3A_939 : memref<1x128xf32, #tpu.memory_space<hbm>> -> memref<128xf32, #tpu.memory_space<hbm>>
      %dma_wait3A_941 = arith.constant 0 : i32
      %dma_wait3A_942 = tpu.memref_slice %arg7[%add3A_463, %dma_wait3A_941] : memref<128x128xf32, #tpu.memory_space<hbm>> -> memref<1x128xf32, #tpu.memory_space<hbm>>
      %dma_wait3A_943 = tpu.memref_squeeze %dma_wait3A_942 : memref<1x128xf32, #tpu.memory_space<hbm>> -> memref<128xf32, #tpu.memory_space<hbm>>
      tpu.wait_dma2 semaphore(%run_scoped3A : memref<!tpu.dma_semaphore, #tpu.memory_space<semaphore_mem>>) src(%arg12 : memref<128xf32, #tpu.memory_space<vmem>>) dst(%dma_wait3A_943 : memref<128xf32, #tpu.memory_space<hbm>>)
      tpu.yield
    }) : () -> ()
    %jit3A_637 = arith.constant 128 : i32
    %div3A_638 = arith.divsi %reduce_max3A_520, %jit3A_637 : i32
    %sign3A_639 = arith.constant 0 : i32
    %sign3A_640 = arith.cmpi sgt, %reduce_max3A_520, %sign3A_639 : i32
    %sign3A_641 = arith.extui %sign3A_640 : i1 to i32
    %sign3A_642 = arith.constant 0 : i32
    %sign3A_643 = arith.cmpi slt, %reduce_max3A_520, %sign3A_642 : i32
    %sign3A_644 = arith.extui %sign3A_643 : i1 to i32
    %sign3A_645 = arith.subi %sign3A_641, %sign3A_644 : i32
    %sign3A_646 = arith.constant 0 : i32
    %sign3A_647 = arith.cmpi sgt, %jit3A_637, %sign3A_646 : i32
    %sign3A_648 = arith.extui %sign3A_647 : i1 to i32
    %sign3A_649 = arith.constant 0 : i32
    %sign3A_650 = arith.cmpi slt, %jit3A_637, %sign3A_649 : i32
    %sign3A_651 = arith.extui %sign3A_650 : i1 to i32
    %sign3A_652 = arith.subi %sign3A_648, %sign3A_651 : i32
    %ne3A_653 = arith.cmpi ne, %sign3A_645, %sign3A_652 : i32
    %rem3A_654 = arith.remsi %reduce_max3A_520, %jit3A_637 : i32
    %ne3A_655 = arith.constant 0 : i32
    %ne3A_656 = arith.cmpi ne, %rem3A_654, %ne3A_655 : i32
    %and3A_657 = arith.andi %ne3A_653, %ne3A_656 : i1
    %sub3A_658 = arith.constant 1 : i32
    %sub3A_659 = arith.subi %div3A_638, %sub3A_658 : i32
    %select_n3A_660 = arith.select %and3A_657, %sub3A_659, %div3A_638 : i32
    %mul3A_661 = arith.constant 128 : i32
    %mul3A_662 = arith.muli %select_n3A_660, %mul3A_661 : i32
    %broadcast_in_dim3A_663 = arith.constant 0xFF800000 : f32
    %broadcast_in_dim3A_664 = vector.broadcast %broadcast_in_dim3A_663 : f32 to vector<16xf32>
    %broadcast_in_dim3A_665 = arith.constant 0xFF800000 : f32
    %broadcast_in_dim3A_666 = vector.broadcast %broadcast_in_dim3A_665 : f32 to vector<16xf32>
    %broadcast_in_dim3A_667 = arith.constant 0xFF800000 : f32
    %broadcast_in_dim3A_668 = vector.broadcast %broadcast_in_dim3A_667 : f32 to vector<16xf32>
    %broadcast_in_dim3A_669 = arith.constant 0xFF800000 : f32
    %broadcast_in_dim3A_670 = vector.broadcast %broadcast_in_dim3A_669 : f32 to vector<16xf32>
    %broadcast_in_dim3A_671 = arith.constant 0xFF800000 : f32
    %broadcast_in_dim3A_672 = vector.broadcast %broadcast_in_dim3A_671 : f32 to vector<16xf32>
    %broadcast_in_dim3A_673 = arith.constant 0xFF800000 : f32
    %broadcast_in_dim3A_674 = vector.broadcast %broadcast_in_dim3A_673 : f32 to vector<16xf32>
    %broadcast_in_dim3A_675 = arith.constant 0xFF800000 : f32
    %broadcast_in_dim3A_676 = vector.broadcast %broadcast_in_dim3A_675 : f32 to vector<16xf32>
    %broadcast_in_dim3A_677 = arith.constant 0xFF800000 : f32
    %broadcast_in_dim3A_678 = vector.broadcast %broadcast_in_dim3A_677 : f32 to vector<16xf32>
    %while3A_679 = arith.constant 0 : i32
    %while3A_680:9 = scf.while (%while3A_934 = %while3A_679, %while3A_935 = %broadcast_in_dim3A_664, %while3A_936 = %broadcast_in_dim3A_666, %while3A_937 = %broadcast_in_dim3A_668, %while3A_938 = %broadcast_in_dim3A_670, %while3A_939 = %broadcast_in_dim3A_672, %while3A_940 = %broadcast_in_dim3A_674, %while3A_941 = %broadcast_in_dim3A_676, %while3A_942 = %broadcast_in_dim3A_678) : (i32, vector<16xf32>, vector<16xf32>, vector<16xf32>, vector<16xf32>, vector<16xf32>, vector<16xf32>, vector<16xf32>, vector<16xf32>) -> (i32, vector<16xf32>, vector<16xf32>, vector<16xf32>, vector<16xf32>, vector<16xf32>, vector<16xf32>, vector<16xf32>, vector<16xf32>) {
      %mul3A_943 = arith.constant 128 : i32
      %mul3A_944 = arith.muli %while3A_934, %mul3A_943 : i32
      %add3A_945 = arith.addi %mul3A_662, %mul3A_944 : i32
      %lt3A_946 = arith.cmpi slt, %add3A_945, %reduce_max3A_579 : i32
      scf.condition(%lt3A_946) %while3A_934, %while3A_935, %while3A_936, %while3A_937, %while3A_938, %while3A_939, %while3A_940, %while3A_941, %while3A_942 : i32, vector<16xf32>, vector<16xf32>, vector<16xf32>, vector<16xf32>, vector<16xf32>, vector<16xf32>, vector<16xf32>, vector<16xf32>
    } do {
    ^bb0(%while3A_934: i32, %while3A_935: vector<16xf32>, %while3A_936: vector<16xf32>, %while3A_937: vector<16xf32>, %while3A_938: vector<16xf32>, %while3A_939: vector<16xf32>, %while3A_940: vector<16xf32>, %while3A_941: vector<16xf32>, %while3A_942: vector<16xf32>):
      %mul3A_943 = arith.constant 128 : i32
      %mul3A_944 = arith.muli %while3A_934, %mul3A_943 : i32
      %add3A_945 = arith.addi %mul3A_662, %mul3A_944 : i32
      "tpu.region"() ({
        %run_scoped3A = tpu.sem_alloc : memref<!tpu.dma_semaphore, #tpu.memory_space<semaphore_mem>>
        %dma_start3A = arith.constant 0 : i32
        %dma_start3A_953 = tpu.memref_slice %arg2[%add3A_945, %dma_start3A] : memref<10240x128xf32, #tpu.memory_space<hbm>> -> memref<128x128xf32, #tpu.memory_space<hbm>>
        %dma_start3A_954 = arith.constant 0 : i32
        %dma_start3A_955 = tpu.memref_slice %arg2[%add3A_945, %dma_start3A_954] : memref<10240x128xf32, #tpu.memory_space<hbm>> -> memref<128x128xf32, #tpu.memory_space<hbm>>
        tpu.enqueue_dma source(%dma_start3A_955 : memref<128x128xf32, #tpu.memory_space<hbm>>) target(%arg10 : memref<128x128xf32, #tpu.memory_space<vmem>>) target_semaphore(%run_scoped3A : memref<!tpu.dma_semaphore, #tpu.memory_space<semaphore_mem>>)
        %dma_wait3A = arith.constant 0 : i32
        %dma_wait3A_956 = tpu.memref_slice %arg2[%add3A_945, %dma_wait3A] : memref<10240x128xf32, #tpu.memory_space<hbm>> -> memref<128x128xf32, #tpu.memory_space<hbm>>
        %dma_wait3A_957 = arith.constant 0 : i32
        %dma_wait3A_958 = tpu.memref_slice %arg2[%add3A_945, %dma_wait3A_957] : memref<10240x128xf32, #tpu.memory_space<hbm>> -> memref<128x128xf32, #tpu.memory_space<hbm>>
        tpu.wait_dma2 semaphore(%run_scoped3A : memref<!tpu.dma_semaphore, #tpu.memory_space<semaphore_mem>>) src(%dma_wait3A_958 : memref<128x128xf32, #tpu.memory_space<hbm>>) dst(%arg10 : memref<128x128xf32, #tpu.memory_space<vmem>>)
        tpu.yield
      }) : () -> ()
      %scan3A = arith.constant 0 : i32
      %scan3A_946 = arith.constant 128 : i32
      %scan3A_947 = arith.addi %scan3A, %scan3A_946 : i32
      %scan3A_948 = arith.constant 1 : i32
      %scan3A_949:8 = scf.for %scan3A_953 = %scan3A to %scan3A_947 step %scan3A_948 iter_args(%scan3A_954 = %while3A_935, %scan3A_955 = %while3A_936, %scan3A_956 = %while3A_937, %scan3A_957 = %while3A_938, %scan3A_958 = %while3A_939, %scan3A_959 = %while3A_940, %scan3A_960 = %while3A_941, %scan3A_961 = %while3A_942) -> (vector<16xf32>, vector<16xf32>, vector<16xf32>, vector<16xf32>, vector<16xf32>, vector<16xf32>, vector<16xf32>, vector<16xf32>)  : i32 {
        %add3A_962 = arith.addi %add3A_945, %scan3A_953 : i32
        %ge3A = arith.cmpi sge, %add3A_962, %reduce_max3A_520 : i32
        %lt3A_963 = arith.cmpi slt, %add3A_962, %reduce_max3A_579 : i32
        %and3A_964 = arith.andi %ge3A, %lt3A_963 : i1
        %get3A_965 = arith.index_cast %scan3A_953 : i32 to index
        %get3A_966 = arith.constant 0 : index
        %get3A_967 = tpu.vector_load %arg10[%get3A_965, %get3A_966] {strides = array<i32>} : memref<128x128xf32, #tpu.memory_space<vmem>>, vector<16xf32>,
        %max3A = arith.maximumf %scan3A_954, %get3A_967 : vector<16xf32>
        %select_n3A_968 = arith.select %and3A_964, %max3A, %scan3A_954 : vector<16xf32>
        %get3A_969 = arith.index_cast %scan3A_953 : i32 to index
        %get3A_970 = arith.constant 16 : index
        %get3A_971 = tpu.vector_load %arg10[%get3A_969, %get3A_970] {strides = array<i32>} : memref<128x128xf32, #tpu.memory_space<vmem>>, vector<16xf32>,
        %max3A_972 = arith.maximumf %scan3A_955, %get3A_971 : vector<16xf32>
        %select_n3A_973 = arith.select %and3A_964, %max3A_972, %scan3A_955 : vector<16xf32>
        %get3A_974 = arith.index_cast %scan3A_953 : i32 to index
        %get3A_975 = arith.constant 32 : index
        %get3A_976 = tpu.vector_load %arg10[%get3A_974, %get3A_975] {strides = array<i32>} : memref<128x128xf32, #tpu.memory_space<vmem>>, vector<16xf32>,
        %max3A_977 = arith.maximumf %scan3A_956, %get3A_976 : vector<16xf32>
        %select_n3A_978 = arith.select %and3A_964, %max3A_977, %scan3A_956 : vector<16xf32>
        %get3A_979 = arith.index_cast %scan3A_953 : i32 to index
        %get3A_980 = arith.constant 48 : index
        %get3A_981 = tpu.vector_load %arg10[%get3A_979, %get3A_980] {strides = array<i32>} : memref<128x128xf32, #tpu.memory_space<vmem>>, vector<16xf32>,
        %max3A_982 = arith.maximumf %scan3A_957, %get3A_981 : vector<16xf32>
        %select_n3A_983 = arith.select %and3A_964, %max3A_982, %scan3A_957 : vector<16xf32>
        %get3A_984 = arith.index_cast %scan3A_953 : i32 to index
        %get3A_985 = arith.constant 64 : index
        %get3A_986 = tpu.vector_load %arg10[%get3A_984, %get3A_985] {strides = array<i32>} : memref<128x128xf32, #tpu.memory_space<vmem>>, vector<16xf32>,
        %max3A_987 = arith.maximumf %scan3A_958, %get3A_986 : vector<16xf32>
        %select_n3A_988 = arith.select %and3A_964, %max3A_987, %scan3A_958 : vector<16xf32>
        %get3A_989 = arith.index_cast %scan3A_953 : i32 to index
        %get3A_990 = arith.constant 80 : index
        %get3A_991 = tpu.vector_load %arg10[%get3A_989, %get3A_990] {strides = array<i32>} : memref<128x128xf32, #tpu.memory_space<vmem>>, vector<16xf32>,
        %max3A_992 = arith.maximumf %scan3A_959, %get3A_991 : vector<16xf32>
        %select_n3A_993 = arith.select %and3A_964, %max3A_992, %scan3A_959 : vector<16xf32>
        %get3A_994 = arith.index_cast %scan3A_953 : i32 to index
        %get3A_995 = arith.constant 96 : index
        %get3A_996 = tpu.vector_load %arg10[%get3A_994, %get3A_995] {strides = array<i32>} : memref<128x128xf32, #tpu.memory_space<vmem>>, vector<16xf32>,
        %max3A_997 = arith.maximumf %scan3A_960, %get3A_996 : vector<16xf32>
        %select_n3A_998 = arith.select %and3A_964, %max3A_997, %scan3A_960 : vector<16xf32>
        %get3A_999 = arith.index_cast %scan3A_953 : i32 to index
        %get3A_1000 = arith.constant 112 : index
        %get3A_1001 = tpu.vector_load %arg10[%get3A_999, %get3A_1000] {strides = array<i32>} : memref<128x128xf32, #tpu.memory_space<vmem>>, vector<16xf32>,
        %max3A_1002 = arith.maximumf %scan3A_961, %get3A_1001 : vector<16xf32>
        %select_n3A_1003 = arith.select %and3A_964, %max3A_1002, %scan3A_961 : vector<16xf32>
        scf.yield %select_n3A_968, %select_n3A_973, %select_n3A_978, %select_n3A_983, %select_n3A_988, %select_n3A_993, %select_n3A_998, %select_n3A_1003 : vector<16xf32>, vector<16xf32>, vector<16xf32>, vector<16xf32>, vector<16xf32>, vector<16xf32>, vector<16xf32>, vector<16xf32>
      }
      %scan3A_950 = arith.constant 128 : i32
      %add3A_951 = arith.constant 1 : i32
      %add3A_952 = arith.addi %while3A_934, %add3A_951 : i32
      scf.yield %add3A_952, %scan3A_949#0, %scan3A_949#1, %scan3A_949#2, %scan3A_949#3, %scan3A_949#4, %scan3A_949#5, %scan3A_949#6, %scan3A_949#7 : i32, vector<16xf32>, vector<16xf32>, vector<16xf32>, vector<16xf32>, vector<16xf32>, vector<16xf32>, vector<16xf32>, vector<16xf32>
    }
    %swap3A_681 = arith.constant 0 : index
    %swap3A_682 = tpu.vector_load %arg11[%swap3A_681] {strides = array<i32>} : memref<128xf32, #tpu.memory_space<vmem>>, vector<16xf32>,
    tpu.vector_store %arg11[%swap3A_681], %while3A_680#1 {strides = array<i32>} : memref<128xf32, #tpu.memory_space<vmem>>, vector<16xf32>,
    %swap3A_683 = arith.constant 16 : index
    %swap3A_684 = tpu.vector_load %arg11[%swap3A_683] {strides = array<i32>} : memref<128xf32, #tpu.memory_space<vmem>>, vector<16xf32>,
    tpu.vector_store %arg11[%swap3A_683], %while3A_680#2 {strides = array<i32>} : memref<128xf32, #tpu.memory_space<vmem>>, vector<16xf32>,
    %swap3A_685 = arith.constant 32 : index
    %swap3A_686 = tpu.vector_load %arg11[%swap3A_685] {strides = array<i32>} : memref<128xf32, #tpu.memory_space<vmem>>, vector<16xf32>,
    tpu.vector_store %arg11[%swap3A_685], %while3A_680#3 {strides = array<i32>} : memref<128xf32, #tpu.memory_space<vmem>>, vector<16xf32>,
    %swap3A_687 = arith.constant 48 : index
    %swap3A_688 = tpu.vector_load %arg11[%swap3A_687] {strides = array<i32>} : memref<128xf32, #tpu.memory_space<vmem>>, vector<16xf32>,
    tpu.vector_store %arg11[%swap3A_687], %while3A_680#4 {strides = array<i32>} : memref<128xf32, #tpu.memory_space<vmem>>, vector<16xf32>,
    %swap3A_689 = arith.constant 64 : index
    %swap3A_690 = tpu.vector_load %arg11[%swap3A_689] {strides = array<i32>} : memref<128xf32, #tpu.memory_space<vmem>>, vector<16xf32>,
    tpu.vector_store %arg11[%swap3A_689], %while3A_680#5 {strides = array<i32>} : memref<128xf32, #tpu.memory_space<vmem>>, vector<16xf32>,
    %swap3A_691 = arith.constant 80 : index
    %swap3A_692 = tpu.vector_load %arg11[%swap3A_691] {strides = array<i32>} : memref<128xf32, #tpu.memory_space<vmem>>, vector<16xf32>,
    tpu.vector_store %arg11[%swap3A_691], %while3A_680#6 {strides = array<i32>} : memref<128xf32, #tpu.memory_space<vmem>>, vector<16xf32>,
    %swap3A_693 = arith.constant 96 : index
    %swap3A_694 = tpu.vector_load %arg11[%swap3A_693] {strides = array<i32>} : memref<128xf32, #tpu.memory_space<vmem>>, vector<16xf32>,
    tpu.vector_store %arg11[%swap3A_693], %while3A_680#7 {strides = array<i32>} : memref<128xf32, #tpu.memory_space<vmem>>, vector<16xf32>,
    %swap3A_695 = arith.constant 112 : index
    %swap3A_696 = tpu.vector_load %arg11[%swap3A_695] {strides = array<i32>} : memref<128xf32, #tpu.memory_space<vmem>>, vector<16xf32>,
    tpu.vector_store %arg11[%swap3A_695], %while3A_680#8 {strides = array<i32>} : memref<128xf32, #tpu.memory_space<vmem>>, vector<16xf32>,
    "tpu.region"() ({
      %run_scoped3A = tpu.sem_alloc : memref<!tpu.dma_semaphore, #tpu.memory_space<semaphore_mem>>
      %dma_start3A = arith.constant 0 : i32
      %dma_start3A_934 = tpu.memref_slice %arg6[%add3A_463, %dma_start3A] : memref<128x128xf32, #tpu.memory_space<hbm>> -> memref<1x128xf32, #tpu.memory_space<hbm>>
      %dma_start3A_935 = tpu.memref_squeeze %dma_start3A_934 : memref<1x128xf32, #tpu.memory_space<hbm>> -> memref<128xf32, #tpu.memory_space<hbm>>
      %dma_start3A_936 = arith.constant 0 : i32
      %dma_start3A_937 = tpu.memref_slice %arg6[%add3A_463, %dma_start3A_936] : memref<128x128xf32, #tpu.memory_space<hbm>> -> memref<1x128xf32, #tpu.memory_space<hbm>>
      %dma_start3A_938 = tpu.memref_squeeze %dma_start3A_937 : memref<1x128xf32, #tpu.memory_space<hbm>> -> memref<128xf32, #tpu.memory_space<hbm>>
      tpu.enqueue_dma source(%arg11 : memref<128xf32, #tpu.memory_space<vmem>>) target(%dma_start3A_938 : memref<128xf32, #tpu.memory_space<hbm>>) target_semaphore(%run_scoped3A : memref<!tpu.dma_semaphore, #tpu.memory_space<semaphore_mem>>)
      %dma_wait3A = arith.constant 0 : i32
      %dma_wait3A_939 = tpu.memref_slice %arg6[%add3A_463, %dma_wait3A] : memref<128x128xf32, #tpu.memory_space<hbm>> -> memref<1x128xf32, #tpu.memory_space<hbm>>
      %dma_wait3A_940 = tpu.memref_squeeze %dma_wait3A_939 : memref<1x128xf32, #tpu.memory_space<hbm>> -> memref<128xf32, #tpu.memory_space<hbm>>
      %dma_wait3A_941 = arith.constant 0 : i32
      %dma_wait3A_942 = tpu.memref_slice %arg6[%add3A_463, %dma_wait3A_941] : memref<128x128xf32, #tpu.memory_space<hbm>> -> memref<1x128xf32, #tpu.memory_space<hbm>>
      %dma_wait3A_943 = tpu.memref_squeeze %dma_wait3A_942 : memref<1x128xf32, #tpu.memory_space<hbm>> -> memref<128xf32, #tpu.memory_space<hbm>>
      tpu.wait_dma2 semaphore(%run_scoped3A : memref<!tpu.dma_semaphore, #tpu.memory_space<semaphore_mem>>) src(%arg11 : memref<128xf32, #tpu.memory_space<vmem>>) dst(%dma_wait3A_943 : memref<128xf32, #tpu.memory_space<hbm>>)
      tpu.yield
    }) : () -> ()
    %mul3A_697 = arith.constant 4 : i32
    %mul3A_698 = arith.muli %add3A, %mul3A_697 : i32
    %add3A_699 = arith.constant 3 : i32
    %add3A_700 = arith.addi %mul3A_698, %add3A_699 : i32
    %jit3A_701 = arith.constant 16 : i32
    %div3A_702 = arith.divsi %add3A_700, %jit3A_701 : i32
    %sign3A_703 = arith.constant 0 : i32
    %sign3A_704 = arith.cmpi sgt, %add3A_700, %sign3A_703 : i32
    %sign3A_705 = arith.extui %sign3A_704 : i1 to i32
    %sign3A_706 = arith.constant 0 : i32
    %sign3A_707 = arith.cmpi slt, %add3A_700, %sign3A_706 : i32
    %sign3A_708 = arith.extui %sign3A_707 : i1 to i32
    %sign3A_709 = arith.subi %sign3A_705, %sign3A_708 : i32
    %sign3A_710 = arith.constant 0 : i32
    %sign3A_711 = arith.cmpi sgt, %jit3A_701, %sign3A_710 : i32
    %sign3A_712 = arith.extui %sign3A_711 : i1 to i32
    %sign3A_713 = arith.constant 0 : i32
    %sign3A_714 = arith.cmpi slt, %jit3A_701, %sign3A_713 : i32
    %sign3A_715 = arith.extui %sign3A_714 : i1 to i32
    %sign3A_716 = arith.subi %sign3A_712, %sign3A_715 : i32
    %ne3A_717 = arith.cmpi ne, %sign3A_709, %sign3A_716 : i32
    %rem3A_718 = arith.remsi %add3A_700, %jit3A_701 : i32
    %ne3A_719 = arith.constant 0 : i32
    %ne3A_720 = arith.cmpi ne, %rem3A_718, %ne3A_719 : i32
    %and3A_721 = arith.andi %ne3A_717, %ne3A_720 : i1
    %sub3A_722 = arith.constant 1 : i32
    %sub3A_723 = arith.subi %div3A_702, %sub3A_722 : i32
    %select_n3A_724 = arith.select %and3A_721, %sub3A_723, %div3A_702 : i32
    %mul3A_725 = arith.constant 16 : i32
    %mul3A_726 = arith.muli %select_n3A_724, %mul3A_725 : i32
    %get3A_727 = arith.index_cast %mul3A_726 : i32 to index
    %get3A_728 = tpu.vector_load %arg8[%get3A_727] {strides = array<i32>} : memref<144xi32, #tpu.memory_space<vmem>>, vector<16xi32>,
    %jit3A_729 = arith.constant 16 : i32
    %eq3A_730 = arith.constant 0 : i32
    %eq3A_731 = arith.cmpi eq, %jit3A_729, %eq3A_730 : i32
    %jit3A_732 = arith.constant 1 : i32
    %select_n3A_733 = arith.select %eq3A_731, %jit3A_732, %jit3A_729 : i32
    %rem3A_734 = arith.remsi %add3A_700, %select_n3A_733 : i32
    %ne3A_735 = arith.constant 0 : i32
    %ne3A_736 = arith.cmpi ne, %rem3A_734, %ne3A_735 : i32
    %lt3A_737 = arith.constant 0 : i32
    %lt3A_738 = arith.cmpi slt, %rem3A_734, %lt3A_737 : i32
    %lt3A_739 = arith.constant 0 : i32
    %lt3A_740 = arith.cmpi slt, %select_n3A_733, %lt3A_739 : i32
    %ne3A_741 = arith.xori %lt3A_738, %lt3A_740 : i1
    %and3A_742 = arith.andi %ne3A_741, %ne3A_736 : i1
    %add3A_743 = arith.addi %rem3A_734, %select_n3A_733 : i32
    %select_n3A_744 = arith.select %and3A_742, %add3A_743, %rem3A_734 : i32
    %eq3A_745 = vector.broadcast %select_n3A_744 : i32 to vector<16xi32>
    %eq3A_746 = arith.cmpi eq, %iota3A, %eq3A_745 : vector<16xi32>
    %jit3A_747 = arith.constant -1 : i32
    %broadcast_in_dim3A_748 = vector.broadcast %jit3A_747 : i32 to vector<16xi32>
    %select_n3A_749 = arith.select %eq3A_746, %get3A_728, %broadcast_in_dim3A_748 : vector<16xi1>, vector<16xi32>
    %reduce_max3A_750 = arith.constant true
    %reduce_max3A_751 = vector.broadcast %reduce_max3A_750 : i1 to vector<16xi1>
    %reduce_max3A_752 = arith.constant -2147483648 : i32
    %reduce_max3A_753 = vector.broadcast %reduce_max3A_752 : i32 to vector<16xi32>
    %reduce_max3A_754 = arith.xori %select_n3A_749, %reduce_max3A_753 : vector<16xi32>
    %reduce_max3A_755 = tpu.scan <max>, %reduce_max3A_754 masked %reduce_max3A_751 : vector<16xi32>, vector<16xi1> -> vector<16xi32>
    %reduce_max3A_756 = arith.xori %reduce_max3A_755, %reduce_max3A_753 : vector<16xi32>
    %reduce_max3A_757 = vector.extract %reduce_max3A_756[15] : i32 from vector<16xi32>
    %add3A_758 = arith.constant 1 : i32
    %add3A_759 = arith.addi %add3A_700, %add3A_758 : i32
    %jit3A_760 = arith.constant 16 : i32
    %div3A_761 = arith.divsi %add3A_759, %jit3A_760 : i32
    %sign3A_762 = arith.constant 0 : i32
    %sign3A_763 = arith.cmpi sgt, %add3A_759, %sign3A_762 : i32
    %sign3A_764 = arith.extui %sign3A_763 : i1 to i32
    %sign3A_765 = arith.constant 0 : i32
    %sign3A_766 = arith.cmpi slt, %add3A_759, %sign3A_765 : i32
    %sign3A_767 = arith.extui %sign3A_766 : i1 to i32
    %sign3A_768 = arith.subi %sign3A_764, %sign3A_767 : i32
    %sign3A_769 = arith.constant 0 : i32
    %sign3A_770 = arith.cmpi sgt, %jit3A_760, %sign3A_769 : i32
    %sign3A_771 = arith.extui %sign3A_770 : i1 to i32
    %sign3A_772 = arith.constant 0 : i32
    %sign3A_773 = arith.cmpi slt, %jit3A_760, %sign3A_772 : i32
    %sign3A_774 = arith.extui %sign3A_773 : i1 to i32
    %sign3A_775 = arith.subi %sign3A_771, %sign3A_774 : i32
    %ne3A_776 = arith.cmpi ne, %sign3A_768, %sign3A_775 : i32
    %rem3A_777 = arith.remsi %add3A_759, %jit3A_760 : i32
    %ne3A_778 = arith.constant 0 : i32
    %ne3A_779 = arith.cmpi ne, %rem3A_777, %ne3A_778 : i32
    %and3A_780 = arith.andi %ne3A_776, %ne3A_779 : i1
    %sub3A_781 = arith.constant 1 : i32
    %sub3A_782 = arith.subi %div3A_761, %sub3A_781 : i32
    %select_n3A_783 = arith.select %and3A_780, %sub3A_782, %div3A_761 : i32
    %mul3A_784 = arith.constant 16 : i32
    %mul3A_785 = arith.muli %select_n3A_783, %mul3A_784 : i32
    %get3A_786 = arith.index_cast %mul3A_785 : i32 to index
    %get3A_787 = tpu.vector_load %arg8[%get3A_786] {strides = array<i32>} : memref<144xi32, #tpu.memory_space<vmem>>, vector<16xi32>,
    %jit3A_788 = arith.constant 16 : i32
    %eq3A_789 = arith.constant 0 : i32
    %eq3A_790 = arith.cmpi eq, %jit3A_788, %eq3A_789 : i32
    %jit3A_791 = arith.constant 1 : i32
    %select_n3A_792 = arith.select %eq3A_790, %jit3A_791, %jit3A_788 : i32
    %rem3A_793 = arith.remsi %add3A_759, %select_n3A_792 : i32
    %ne3A_794 = arith.constant 0 : i32
    %ne3A_795 = arith.cmpi ne, %rem3A_793, %ne3A_794 : i32
    %lt3A_796 = arith.constant 0 : i32
    %lt3A_797 = arith.cmpi slt, %rem3A_793, %lt3A_796 : i32
    %lt3A_798 = arith.constant 0 : i32
    %lt3A_799 = arith.cmpi slt, %select_n3A_792, %lt3A_798 : i32
    %ne3A_800 = arith.xori %lt3A_797, %lt3A_799 : i1
    %and3A_801 = arith.andi %ne3A_800, %ne3A_795 : i1
    %add3A_802 = arith.addi %rem3A_793, %select_n3A_792 : i32
    %select_n3A_803 = arith.select %and3A_801, %add3A_802, %rem3A_793 : i32
    %eq3A_804 = vector.broadcast %select_n3A_803 : i32 to vector<16xi32>
    %eq3A_805 = arith.cmpi eq, %iota3A, %eq3A_804 : vector<16xi32>
    %jit3A_806 = arith.constant -1 : i32
    %broadcast_in_dim3A_807 = vector.broadcast %jit3A_806 : i32 to vector<16xi32>
    %select_n3A_808 = arith.select %eq3A_805, %get3A_787, %broadcast_in_dim3A_807 : vector<16xi1>, vector<16xi32>
    %reduce_max3A_809 = arith.constant true
    %reduce_max3A_810 = vector.broadcast %reduce_max3A_809 : i1 to vector<16xi1>
    %reduce_max3A_811 = arith.constant -2147483648 : i32
    %reduce_max3A_812 = vector.broadcast %reduce_max3A_811 : i32 to vector<16xi32>
    %reduce_max3A_813 = arith.xori %select_n3A_808, %reduce_max3A_812 : vector<16xi32>
    %reduce_max3A_814 = tpu.scan <max>, %reduce_max3A_813 masked %reduce_max3A_810 : vector<16xi32>, vector<16xi1> -> vector<16xi32>
    %reduce_max3A_815 = arith.xori %reduce_max3A_814, %reduce_max3A_812 : vector<16xi32>
    %reduce_max3A_816 = vector.extract %reduce_max3A_815[15] : i32 from vector<16xi32>
    %jit3A_817 = arith.constant 16 : i32
    %div3A_818 = arith.divsi %add3A_700, %jit3A_817 : i32
    %sign3A_819 = arith.constant 0 : i32
    %sign3A_820 = arith.cmpi sgt, %add3A_700, %sign3A_819 : i32
    %sign3A_821 = arith.extui %sign3A_820 : i1 to i32
    %sign3A_822 = arith.constant 0 : i32
    %sign3A_823 = arith.cmpi slt, %add3A_700, %sign3A_822 : i32
    %sign3A_824 = arith.extui %sign3A_823 : i1 to i32
    %sign3A_825 = arith.subi %sign3A_821, %sign3A_824 : i32
    %sign3A_826 = arith.constant 0 : i32
    %sign3A_827 = arith.cmpi sgt, %jit3A_817, %sign3A_826 : i32
    %sign3A_828 = arith.extui %sign3A_827 : i1 to i32
    %sign3A_829 = arith.constant 0 : i32
    %sign3A_830 = arith.cmpi slt, %jit3A_817, %sign3A_829 : i32
    %sign3A_831 = arith.extui %sign3A_830 : i1 to i32
    %sign3A_832 = arith.subi %sign3A_828, %sign3A_831 : i32
    %ne3A_833 = arith.cmpi ne, %sign3A_825, %sign3A_832 : i32
    %rem3A_834 = arith.remsi %add3A_700, %jit3A_817 : i32
    %ne3A_835 = arith.constant 0 : i32
    %ne3A_836 = arith.cmpi ne, %rem3A_834, %ne3A_835 : i32
    %and3A_837 = arith.andi %ne3A_833, %ne3A_836 : i1
    %sub3A_838 = arith.constant 1 : i32
    %sub3A_839 = arith.subi %div3A_818, %sub3A_838 : i32
    %select_n3A_840 = arith.select %and3A_837, %sub3A_839, %div3A_818 : i32
    %mul3A_841 = arith.constant 16 : i32
    %mul3A_842 = arith.muli %select_n3A_840, %mul3A_841 : i32
    %get3A_843 = arith.index_cast %mul3A_842 : i32 to index
    %get3A_844 = tpu.vector_load %arg9[%get3A_843] {strides = array<i32>} : memref<128xi32, #tpu.memory_space<vmem>>, vector<16xi32>,
    %jit3A_845 = arith.constant 16 : i32
    %eq3A_846 = arith.constant 0 : i32
    %eq3A_847 = arith.cmpi eq, %jit3A_845, %eq3A_846 : i32
    %jit3A_848 = arith.constant 1 : i32
    %select_n3A_849 = arith.select %eq3A_847, %jit3A_848, %jit3A_845 : i32
    %rem3A_850 = arith.remsi %add3A_700, %select_n3A_849 : i32
    %ne3A_851 = arith.constant 0 : i32
    %ne3A_852 = arith.cmpi ne, %rem3A_850, %ne3A_851 : i32
    %lt3A_853 = arith.constant 0 : i32
    %lt3A_854 = arith.cmpi slt, %rem3A_850, %lt3A_853 : i32
    %lt3A_855 = arith.constant 0 : i32
    %lt3A_856 = arith.cmpi slt, %select_n3A_849, %lt3A_855 : i32
    %ne3A_857 = arith.xori %lt3A_854, %lt3A_856 : i1
    %and3A_858 = arith.andi %ne3A_857, %ne3A_852 : i1
    %add3A_859 = arith.addi %rem3A_850, %select_n3A_849 : i32
    %select_n3A_860 = arith.select %and3A_858, %add3A_859, %rem3A_850 : i32
    %eq3A_861 = vector.broadcast %select_n3A_860 : i32 to vector<16xi32>
    %eq3A_862 = arith.cmpi eq, %iota3A, %eq3A_861 : vector<16xi32>
    %jit3A_863 = arith.constant -1 : i32
    %broadcast_in_dim3A_864 = vector.broadcast %jit3A_863 : i32 to vector<16xi32>
    %select_n3A_865 = arith.select %eq3A_862, %get3A_844, %broadcast_in_dim3A_864 : vector<16xi1>, vector<16xi32>
    %reduce_max3A_866 = arith.constant true
    %reduce_max3A_867 = vector.broadcast %reduce_max3A_866 : i1 to vector<16xi1>
    %reduce_max3A_868 = arith.constant -2147483648 : i32
    %reduce_max3A_869 = vector.broadcast %reduce_max3A_868 : i32 to vector<16xi32>
    %reduce_max3A_870 = arith.xori %select_n3A_865, %reduce_max3A_869 : vector<16xi32>
    %reduce_max3A_871 = tpu.scan <max>, %reduce_max3A_870 masked %reduce_max3A_867 : vector<16xi32>, vector<16xi1> -> vector<16xi32>
    %reduce_max3A_872 = arith.xori %reduce_max3A_871, %reduce_max3A_869 : vector<16xi32>
    %reduce_max3A_873 = vector.extract %reduce_max3A_872[15] : i32 from vector<16xi32>
    "tpu.region"() ({
      %run_scoped3A = tpu.sem_alloc : memref<!tpu.dma_semaphore, #tpu.memory_space<semaphore_mem>>
      %dma_start3A = arith.constant 0 : i32
      %dma_start3A_934 = tpu.memref_slice %arg3[%reduce_max3A_873, %dma_start3A] : memref<10240x128xf32, #tpu.memory_space<hbm>> -> memref<1x128xf32, #tpu.memory_space<hbm>>
      %dma_start3A_935 = tpu.memref_squeeze %dma_start3A_934 : memref<1x128xf32, #tpu.memory_space<hbm>> -> memref<128xf32, #tpu.memory_space<hbm>>
      %dma_start3A_936 = arith.constant 0 : i32
      %dma_start3A_937 = tpu.memref_slice %arg3[%reduce_max3A_873, %dma_start3A_936] : memref<10240x128xf32, #tpu.memory_space<hbm>> -> memref<1x128xf32, #tpu.memory_space<hbm>>
      %dma_start3A_938 = tpu.memref_squeeze %dma_start3A_937 : memref<1x128xf32, #tpu.memory_space<hbm>> -> memref<128xf32, #tpu.memory_space<hbm>>
      tpu.enqueue_dma source(%dma_start3A_938 : memref<128xf32, #tpu.memory_space<hbm>>) target(%arg12 : memref<128xf32, #tpu.memory_space<vmem>>) target_semaphore(%run_scoped3A : memref<!tpu.dma_semaphore, #tpu.memory_space<semaphore_mem>>)
      %dma_wait3A = arith.constant 0 : i32
      %dma_wait3A_939 = tpu.memref_slice %arg3[%reduce_max3A_873, %dma_wait3A] : memref<10240x128xf32, #tpu.memory_space<hbm>> -> memref<1x128xf32, #tpu.memory_space<hbm>>
      %dma_wait3A_940 = tpu.memref_squeeze %dma_wait3A_939 : memref<1x128xf32, #tpu.memory_space<hbm>> -> memref<128xf32, #tpu.memory_space<hbm>>
      %dma_wait3A_941 = arith.constant 0 : i32
      %dma_wait3A_942 = tpu.memref_slice %arg3[%reduce_max3A_873, %dma_wait3A_941] : memref<10240x128xf32, #tpu.memory_space<hbm>> -> memref<1x128xf32, #tpu.memory_space<hbm>>
      %dma_wait3A_943 = tpu.memref_squeeze %dma_wait3A_942 : memref<1x128xf32, #tpu.memory_space<hbm>> -> memref<128xf32, #tpu.memory_space<hbm>>
      tpu.wait_dma2 semaphore(%run_scoped3A : memref<!tpu.dma_semaphore, #tpu.memory_space<semaphore_mem>>) src(%dma_wait3A_943 : memref<128xf32, #tpu.memory_space<hbm>>) dst(%arg12 : memref<128xf32, #tpu.memory_space<vmem>>)
      tpu.yield
    }) : () -> ()
    "tpu.region"() ({
      %run_scoped3A = tpu.sem_alloc : memref<!tpu.dma_semaphore, #tpu.memory_space<semaphore_mem>>
      %dma_start3A = arith.constant 0 : i32
      %dma_start3A_934 = tpu.memref_slice %arg7[%add3A_700, %dma_start3A] : memref<128x128xf32, #tpu.memory_space<hbm>> -> memref<1x128xf32, #tpu.memory_space<hbm>>
      %dma_start3A_935 = tpu.memref_squeeze %dma_start3A_934 : memref<1x128xf32, #tpu.memory_space<hbm>> -> memref<128xf32, #tpu.memory_space<hbm>>
      %dma_start3A_936 = arith.constant 0 : i32
      %dma_start3A_937 = tpu.memref_slice %arg7[%add3A_700, %dma_start3A_936] : memref<128x128xf32, #tpu.memory_space<hbm>> -> memref<1x128xf32, #tpu.memory_space<hbm>>
      %dma_start3A_938 = tpu.memref_squeeze %dma_start3A_937 : memref<1x128xf32, #tpu.memory_space<hbm>> -> memref<128xf32, #tpu.memory_space<hbm>>
      tpu.enqueue_dma source(%arg12 : memref<128xf32, #tpu.memory_space<vmem>>) target(%dma_start3A_938 : memref<128xf32, #tpu.memory_space<hbm>>) target_semaphore(%run_scoped3A : memref<!tpu.dma_semaphore, #tpu.memory_space<semaphore_mem>>)
      %dma_wait3A = arith.constant 0 : i32
      %dma_wait3A_939 = tpu.memref_slice %arg7[%add3A_700, %dma_wait3A] : memref<128x128xf32, #tpu.memory_space<hbm>> -> memref<1x128xf32, #tpu.memory_space<hbm>>
      %dma_wait3A_940 = tpu.memref_squeeze %dma_wait3A_939 : memref<1x128xf32, #tpu.memory_space<hbm>> -> memref<128xf32, #tpu.memory_space<hbm>>
      %dma_wait3A_941 = arith.constant 0 : i32
      %dma_wait3A_942 = tpu.memref_slice %arg7[%add3A_700, %dma_wait3A_941] : memref<128x128xf32, #tpu.memory_space<hbm>> -> memref<1x128xf32, #tpu.memory_space<hbm>>
      %dma_wait3A_943 = tpu.memref_squeeze %dma_wait3A_942 : memref<1x128xf32, #tpu.memory_space<hbm>> -> memref<128xf32, #tpu.memory_space<hbm>>
      tpu.wait_dma2 semaphore(%run_scoped3A : memref<!tpu.dma_semaphore, #tpu.memory_space<semaphore_mem>>) src(%arg12 : memref<128xf32, #tpu.memory_space<vmem>>) dst(%dma_wait3A_943 : memref<128xf32, #tpu.memory_space<hbm>>)
      tpu.yield
    }) : () -> ()
    %jit3A_874 = arith.constant 128 : i32
    %div3A_875 = arith.divsi %reduce_max3A_757, %jit3A_874 : i32
    %sign3A_876 = arith.constant 0 : i32
    %sign3A_877 = arith.cmpi sgt, %reduce_max3A_757, %sign3A_876 : i32
    %sign3A_878 = arith.extui %sign3A_877 : i1 to i32
    %sign3A_879 = arith.constant 0 : i32
    %sign3A_880 = arith.cmpi slt, %reduce_max3A_757, %sign3A_879 : i32
    %sign3A_881 = arith.extui %sign3A_880 : i1 to i32
    %sign3A_882 = arith.subi %sign3A_878, %sign3A_881 : i32
    %sign3A_883 = arith.constant 0 : i32
    %sign3A_884 = arith.cmpi sgt, %jit3A_874, %sign3A_883 : i32
    %sign3A_885 = arith.extui %sign3A_884 : i1 to i32
    %sign3A_886 = arith.constant 0 : i32
    %sign3A_887 = arith.cmpi slt, %jit3A_874, %sign3A_886 : i32
    %sign3A_888 = arith.extui %sign3A_887 : i1 to i32
    %sign3A_889 = arith.subi %sign3A_885, %sign3A_888 : i32
    %ne3A_890 = arith.cmpi ne, %sign3A_882, %sign3A_889 : i32
    %rem3A_891 = arith.remsi %reduce_max3A_757, %jit3A_874 : i32
    %ne3A_892 = arith.constant 0 : i32
    %ne3A_893 = arith.cmpi ne, %rem3A_891, %ne3A_892 : i32
    %and3A_894 = arith.andi %ne3A_890, %ne3A_893 : i1
    %sub3A_895 = arith.constant 1 : i32
    %sub3A_896 = arith.subi %div3A_875, %sub3A_895 : i32
    %select_n3A_897 = arith.select %and3A_894, %sub3A_896, %div3A_875 : i32
    %mul3A_898 = arith.constant 128 : i32
    %mul3A_899 = arith.muli %select_n3A_897, %mul3A_898 : i32
    %broadcast_in_dim3A_900 = arith.constant 0xFF800000 : f32
    %broadcast_in_dim3A_901 = vector.broadcast %broadcast_in_dim3A_900 : f32 to vector<16xf32>
    %broadcast_in_dim3A_902 = arith.constant 0xFF800000 : f32
    %broadcast_in_dim3A_903 = vector.broadcast %broadcast_in_dim3A_902 : f32 to vector<16xf32>
    %broadcast_in_dim3A_904 = arith.constant 0xFF800000 : f32
    %broadcast_in_dim3A_905 = vector.broadcast %broadcast_in_dim3A_904 : f32 to vector<16xf32>
    %broadcast_in_dim3A_906 = arith.constant 0xFF800000 : f32
    %broadcast_in_dim3A_907 = vector.broadcast %broadcast_in_dim3A_906 : f32 to vector<16xf32>
    %broadcast_in_dim3A_908 = arith.constant 0xFF800000 : f32
    %broadcast_in_dim3A_909 = vector.broadcast %broadcast_in_dim3A_908 : f32 to vector<16xf32>
    %broadcast_in_dim3A_910 = arith.constant 0xFF800000 : f32
    %broadcast_in_dim3A_911 = vector.broadcast %broadcast_in_dim3A_910 : f32 to vector<16xf32>
    %broadcast_in_dim3A_912 = arith.constant 0xFF800000 : f32
    %broadcast_in_dim3A_913 = vector.broadcast %broadcast_in_dim3A_912 : f32 to vector<16xf32>
    %broadcast_in_dim3A_914 = arith.constant 0xFF800000 : f32
    %broadcast_in_dim3A_915 = vector.broadcast %broadcast_in_dim3A_914 : f32 to vector<16xf32>
    %while3A_916 = arith.constant 0 : i32
    %while3A_917:9 = scf.while (%while3A_934 = %while3A_916, %while3A_935 = %broadcast_in_dim3A_901, %while3A_936 = %broadcast_in_dim3A_903, %while3A_937 = %broadcast_in_dim3A_905, %while3A_938 = %broadcast_in_dim3A_907, %while3A_939 = %broadcast_in_dim3A_909, %while3A_940 = %broadcast_in_dim3A_911, %while3A_941 = %broadcast_in_dim3A_913, %while3A_942 = %broadcast_in_dim3A_915) : (i32, vector<16xf32>, vector<16xf32>, vector<16xf32>, vector<16xf32>, vector<16xf32>, vector<16xf32>, vector<16xf32>, vector<16xf32>) -> (i32, vector<16xf32>, vector<16xf32>, vector<16xf32>, vector<16xf32>, vector<16xf32>, vector<16xf32>, vector<16xf32>, vector<16xf32>) {
      %mul3A_943 = arith.constant 128 : i32
      %mul3A_944 = arith.muli %while3A_934, %mul3A_943 : i32
      %add3A_945 = arith.addi %mul3A_899, %mul3A_944 : i32
      %lt3A_946 = arith.cmpi slt, %add3A_945, %reduce_max3A_816 : i32
      scf.condition(%lt3A_946) %while3A_934, %while3A_935, %while3A_936, %while3A_937, %while3A_938, %while3A_939, %while3A_940, %while3A_941, %while3A_942 : i32, vector<16xf32>, vector<16xf32>, vector<16xf32>, vector<16xf32>, vector<16xf32>, vector<16xf32>, vector<16xf32>, vector<16xf32>
    } do {
    ^bb0(%while3A_934: i32, %while3A_935: vector<16xf32>, %while3A_936: vector<16xf32>, %while3A_937: vector<16xf32>, %while3A_938: vector<16xf32>, %while3A_939: vector<16xf32>, %while3A_940: vector<16xf32>, %while3A_941: vector<16xf32>, %while3A_942: vector<16xf32>):
      %mul3A_943 = arith.constant 128 : i32
      %mul3A_944 = arith.muli %while3A_934, %mul3A_943 : i32
      %add3A_945 = arith.addi %mul3A_899, %mul3A_944 : i32
      "tpu.region"() ({
        %run_scoped3A = tpu.sem_alloc : memref<!tpu.dma_semaphore, #tpu.memory_space<semaphore_mem>>
        %dma_start3A = arith.constant 0 : i32
        %dma_start3A_953 = tpu.memref_slice %arg2[%add3A_945, %dma_start3A] : memref<10240x128xf32, #tpu.memory_space<hbm>> -> memref<128x128xf32, #tpu.memory_space<hbm>>
        %dma_start3A_954 = arith.constant 0 : i32
        %dma_start3A_955 = tpu.memref_slice %arg2[%add3A_945, %dma_start3A_954] : memref<10240x128xf32, #tpu.memory_space<hbm>> -> memref<128x128xf32, #tpu.memory_space<hbm>>
        tpu.enqueue_dma source(%dma_start3A_955 : memref<128x128xf32, #tpu.memory_space<hbm>>) target(%arg10 : memref<128x128xf32, #tpu.memory_space<vmem>>) target_semaphore(%run_scoped3A : memref<!tpu.dma_semaphore, #tpu.memory_space<semaphore_mem>>)
        %dma_wait3A = arith.constant 0 : i32
        %dma_wait3A_956 = tpu.memref_slice %arg2[%add3A_945, %dma_wait3A] : memref<10240x128xf32, #tpu.memory_space<hbm>> -> memref<128x128xf32, #tpu.memory_space<hbm>>
        %dma_wait3A_957 = arith.constant 0 : i32
        %dma_wait3A_958 = tpu.memref_slice %arg2[%add3A_945, %dma_wait3A_957] : memref<10240x128xf32, #tpu.memory_space<hbm>> -> memref<128x128xf32, #tpu.memory_space<hbm>>
        tpu.wait_dma2 semaphore(%run_scoped3A : memref<!tpu.dma_semaphore, #tpu.memory_space<semaphore_mem>>) src(%dma_wait3A_958 : memref<128x128xf32, #tpu.memory_space<hbm>>) dst(%arg10 : memref<128x128xf32, #tpu.memory_space<vmem>>)
        tpu.yield
      }) : () -> ()
      %scan3A = arith.constant 0 : i32
      %scan3A_946 = arith.constant 128 : i32
      %scan3A_947 = arith.addi %scan3A, %scan3A_946 : i32
      %scan3A_948 = arith.constant 1 : i32
      %scan3A_949:8 = scf.for %scan3A_953 = %scan3A to %scan3A_947 step %scan3A_948 iter_args(%scan3A_954 = %while3A_935, %scan3A_955 = %while3A_936, %scan3A_956 = %while3A_937, %scan3A_957 = %while3A_938, %scan3A_958 = %while3A_939, %scan3A_959 = %while3A_940, %scan3A_960 = %while3A_941, %scan3A_961 = %while3A_942) -> (vector<16xf32>, vector<16xf32>, vector<16xf32>, vector<16xf32>, vector<16xf32>, vector<16xf32>, vector<16xf32>, vector<16xf32>)  : i32 {
        %add3A_962 = arith.addi %add3A_945, %scan3A_953 : i32
        %ge3A = arith.cmpi sge, %add3A_962, %reduce_max3A_757 : i32
        %lt3A_963 = arith.cmpi slt, %add3A_962, %reduce_max3A_816 : i32
        %and3A_964 = arith.andi %ge3A, %lt3A_963 : i1
        %get3A_965 = arith.index_cast %scan3A_953 : i32 to index
        %get3A_966 = arith.constant 0 : index
        %get3A_967 = tpu.vector_load %arg10[%get3A_965, %get3A_966] {strides = array<i32>} : memref<128x128xf32, #tpu.memory_space<vmem>>, vector<16xf32>,
        %max3A = arith.maximumf %scan3A_954, %get3A_967 : vector<16xf32>
        %select_n3A_968 = arith.select %and3A_964, %max3A, %scan3A_954 : vector<16xf32>
        %get3A_969 = arith.index_cast %scan3A_953 : i32 to index
        %get3A_970 = arith.constant 16 : index
        %get3A_971 = tpu.vector_load %arg10[%get3A_969, %get3A_970] {strides = array<i32>} : memref<128x128xf32, #tpu.memory_space<vmem>>, vector<16xf32>,
        %max3A_972 = arith.maximumf %scan3A_955, %get3A_971 : vector<16xf32>
        %select_n3A_973 = arith.select %and3A_964, %max3A_972, %scan3A_955 : vector<16xf32>
        %get3A_974 = arith.index_cast %scan3A_953 : i32 to index
        %get3A_975 = arith.constant 32 : index
        %get3A_976 = tpu.vector_load %arg10[%get3A_974, %get3A_975] {strides = array<i32>} : memref<128x128xf32, #tpu.memory_space<vmem>>, vector<16xf32>,
        %max3A_977 = arith.maximumf %scan3A_956, %get3A_976 : vector<16xf32>
        %select_n3A_978 = arith.select %and3A_964, %max3A_977, %scan3A_956 : vector<16xf32>
        %get3A_979 = arith.index_cast %scan3A_953 : i32 to index
        %get3A_980 = arith.constant 48 : index
        %get3A_981 = tpu.vector_load %arg10[%get3A_979, %get3A_980] {strides = array<i32>} : memref<128x128xf32, #tpu.memory_space<vmem>>, vector<16xf32>,
        %max3A_982 = arith.maximumf %scan3A_957, %get3A_981 : vector<16xf32>
        %select_n3A_983 = arith.select %and3A_964, %max3A_982, %scan3A_957 : vector<16xf32>
        %get3A_984 = arith.index_cast %scan3A_953 : i32 to index
        %get3A_985 = arith.constant 64 : index
        %get3A_986 = tpu.vector_load %arg10[%get3A_984, %get3A_985] {strides = array<i32>} : memref<128x128xf32, #tpu.memory_space<vmem>>, vector<16xf32>,
        %max3A_987 = arith.maximumf %scan3A_958, %get3A_986 : vector<16xf32>
        %select_n3A_988 = arith.select %and3A_964, %max3A_987, %scan3A_958 : vector<16xf32>
        %get3A_989 = arith.index_cast %scan3A_953 : i32 to index
        %get3A_990 = arith.constant 80 : index
        %get3A_991 = tpu.vector_load %arg10[%get3A_989, %get3A_990] {strides = array<i32>} : memref<128x128xf32, #tpu.memory_space<vmem>>, vector<16xf32>,
        %max3A_992 = arith.maximumf %scan3A_959, %get3A_991 : vector<16xf32>
        %select_n3A_993 = arith.select %and3A_964, %max3A_992, %scan3A_959 : vector<16xf32>
        %get3A_994 = arith.index_cast %scan3A_953 : i32 to index
        %get3A_995 = arith.constant 96 : index
        %get3A_996 = tpu.vector_load %arg10[%get3A_994, %get3A_995] {strides = array<i32>} : memref<128x128xf32, #tpu.memory_space<vmem>>, vector<16xf32>,
        %max3A_997 = arith.maximumf %scan3A_960, %get3A_996 : vector<16xf32>
        %select_n3A_998 = arith.select %and3A_964, %max3A_997, %scan3A_960 : vector<16xf32>
        %get3A_999 = arith.index_cast %scan3A_953 : i32 to index
        %get3A_1000 = arith.constant 112 : index
        %get3A_1001 = tpu.vector_load %arg10[%get3A_999, %get3A_1000] {strides = array<i32>} : memref<128x128xf32, #tpu.memory_space<vmem>>, vector<16xf32>,
        %max3A_1002 = arith.maximumf %scan3A_961, %get3A_1001 : vector<16xf32>
        %select_n3A_1003 = arith.select %and3A_964, %max3A_1002, %scan3A_961 : vector<16xf32>
        scf.yield %select_n3A_968, %select_n3A_973, %select_n3A_978, %select_n3A_983, %select_n3A_988, %select_n3A_993, %select_n3A_998, %select_n3A_1003 : vector<16xf32>, vector<16xf32>, vector<16xf32>, vector<16xf32>, vector<16xf32>, vector<16xf32>, vector<16xf32>, vector<16xf32>
      }
      %scan3A_950 = arith.constant 128 : i32
      %add3A_951 = arith.constant 1 : i32
      %add3A_952 = arith.addi %while3A_934, %add3A_951 : i32
      scf.yield %add3A_952, %scan3A_949#0, %scan3A_949#1, %scan3A_949#2, %scan3A_949#3, %scan3A_949#4, %scan3A_949#5, %scan3A_949#6, %scan3A_949#7 : i32, vector<16xf32>, vector<16xf32>, vector<16xf32>, vector<16xf32>, vector<16xf32>, vector<16xf32>, vector<16xf32>, vector<16xf32>
    }
    %swap3A_918 = arith.constant 0 : index
    %swap3A_919 = tpu.vector_load %arg11[%swap3A_918] {strides = array<i32>} : memref<128xf32, #tpu.memory_space<vmem>>, vector<16xf32>,
    tpu.vector_store %arg11[%swap3A_918], %while3A_917#1 {strides = array<i32>} : memref<128xf32, #tpu.memory_space<vmem>>, vector<16xf32>,
    %swap3A_920 = arith.constant 16 : index
    %swap3A_921 = tpu.vector_load %arg11[%swap3A_920] {strides = array<i32>} : memref<128xf32, #tpu.memory_space<vmem>>, vector<16xf32>,
    tpu.vector_store %arg11[%swap3A_920], %while3A_917#2 {strides = array<i32>} : memref<128xf32, #tpu.memory_space<vmem>>, vector<16xf32>,
    %swap3A_922 = arith.constant 32 : index
    %swap3A_923 = tpu.vector_load %arg11[%swap3A_922] {strides = array<i32>} : memref<128xf32, #tpu.memory_space<vmem>>, vector<16xf32>,
    tpu.vector_store %arg11[%swap3A_922], %while3A_917#3 {strides = array<i32>} : memref<128xf32, #tpu.memory_space<vmem>>, vector<16xf32>,
    %swap3A_924 = arith.constant 48 : index
    %swap3A_925 = tpu.vector_load %arg11[%swap3A_924] {strides = array<i32>} : memref<128xf32, #tpu.memory_space<vmem>>, vector<16xf32>,
    tpu.vector_store %arg11[%swap3A_924], %while3A_917#4 {strides = array<i32>} : memref<128xf32, #tpu.memory_space<vmem>>, vector<16xf32>,
    %swap3A_926 = arith.constant 64 : index
    %swap3A_927 = tpu.vector_load %arg11[%swap3A_926] {strides = array<i32>} : memref<128xf32, #tpu.memory_space<vmem>>, vector<16xf32>,
    tpu.vector_store %arg11[%swap3A_926], %while3A_917#5 {strides = array<i32>} : memref<128xf32, #tpu.memory_space<vmem>>, vector<16xf32>,
    %swap3A_928 = arith.constant 80 : index
    %swap3A_929 = tpu.vector_load %arg11[%swap3A_928] {strides = array<i32>} : memref<128xf32, #tpu.memory_space<vmem>>, vector<16xf32>,
    tpu.vector_store %arg11[%swap3A_928], %while3A_917#6 {strides = array<i32>} : memref<128xf32, #tpu.memory_space<vmem>>, vector<16xf32>,
    %swap3A_930 = arith.constant 96 : index
    %swap3A_931 = tpu.vector_load %arg11[%swap3A_930] {strides = array<i32>} : memref<128xf32, #tpu.memory_space<vmem>>, vector<16xf32>,
    tpu.vector_store %arg11[%swap3A_930], %while3A_917#7 {strides = array<i32>} : memref<128xf32, #tpu.memory_space<vmem>>, vector<16xf32>,
    %swap3A_932 = arith.constant 112 : index
    %swap3A_933 = tpu.vector_load %arg11[%swap3A_932] {strides = array<i32>} : memref<128xf32, #tpu.memory_space<vmem>>, vector<16xf32>,
    tpu.vector_store %arg11[%swap3A_932], %while3A_917#8 {strides = array<i32>} : memref<128xf32, #tpu.memory_space<vmem>>, vector<16xf32>,
    "tpu.region"() ({
      %run_scoped3A = tpu.sem_alloc : memref<!tpu.dma_semaphore, #tpu.memory_space<semaphore_mem>>
      %dma_start3A = arith.constant 0 : i32
      %dma_start3A_934 = tpu.memref_slice %arg6[%add3A_700, %dma_start3A] : memref<128x128xf32, #tpu.memory_space<hbm>> -> memref<1x128xf32, #tpu.memory_space<hbm>>
      %dma_start3A_935 = tpu.memref_squeeze %dma_start3A_934 : memref<1x128xf32, #tpu.memory_space<hbm>> -> memref<128xf32, #tpu.memory_space<hbm>>
      %dma_start3A_936 = arith.constant 0 : i32
      %dma_start3A_937 = tpu.memref_slice %arg6[%add3A_700, %dma_start3A_936] : memref<128x128xf32, #tpu.memory_space<hbm>> -> memref<1x128xf32, #tpu.memory_space<hbm>>
      %dma_start3A_938 = tpu.memref_squeeze %dma_start3A_937 : memref<1x128xf32, #tpu.memory_space<hbm>> -> memref<128xf32, #tpu.memory_space<hbm>>
      tpu.enqueue_dma source(%arg11 : memref<128xf32, #tpu.memory_space<vmem>>) target(%dma_start3A_938 : memref<128xf32, #tpu.memory_space<hbm>>) target_semaphore(%run_scoped3A : memref<!tpu.dma_semaphore, #tpu.memory_space<semaphore_mem>>)
      %dma_wait3A = arith.constant 0 : i32
      %dma_wait3A_939 = tpu.memref_slice %arg6[%add3A_700, %dma_wait3A] : memref<128x128xf32, #tpu.memory_space<hbm>> -> memref<1x128xf32, #tpu.memory_space<hbm>>
      %dma_wait3A_940 = tpu.memref_squeeze %dma_wait3A_939 : memref<1x128xf32, #tpu.memory_space<hbm>> -> memref<128xf32, #tpu.memory_space<hbm>>
      %dma_wait3A_941 = arith.constant 0 : i32
      %dma_wait3A_942 = tpu.memref_slice %arg6[%add3A_700, %dma_wait3A_941] : memref<128x128xf32, #tpu.memory_space<hbm>> -> memref<1x128xf32, #tpu.memory_space<hbm>>
      %dma_wait3A_943 = tpu.memref_squeeze %dma_wait3A_942 : memref<1x128xf32, #tpu.memory_space<hbm>> -> memref<128xf32, #tpu.memory_space<hbm>>
      tpu.wait_dma2 semaphore(%run_scoped3A : memref<!tpu.dma_semaphore, #tpu.memory_space<semaphore_mem>>) src(%arg11 : memref<128xf32, #tpu.memory_space<vmem>>) dst(%dma_wait3A_943 : memref<128xf32, #tpu.memory_space<hbm>>)
      tpu.yield
    }) : () -> ()
    return
  }
}

module attributes {stable_mosaic.version = 14 : i64} {
  func.func @_h2_body(%arg0: i32, %arg1: memref<512x128xf32, #tpu.memory_space<vmem>>, %arg2: memref<128x128xf32, #tpu.memory_space<vmem>>, %arg3: memref<32x512xf32, #tpu.memory_space<vmem>>, %arg4: memref<10240x1xi32, #tpu.memory_space<vmem>>, %arg5: memref<512x128xf32, #tpu.memory_space<vmem>>, %arg6: memref<8x128xi32, #tpu.memory_space<vmem>>) attributes {dimension_semantics = [#tpu.dimension_semantics<arbitrary>], iteration_bounds = array<i64: 20>, scalar_prefetch = 0 : i64, scratch_operands = 0 : i64, tpu.core_type = #tpu.core_type<tc>, window_params = [{transform_indices = @transform_0, window_bounds = array<i64: 512, 128>}, {pipeline_mode = #tpu.pipeline_mode<synchronous>, transform_indices = @transform_1, window_bounds = array<i64: 128, 128>}, {transform_indices = @transform_2, window_bounds = array<i64: 32, 512>}, {pipeline_mode = #tpu.pipeline_mode<synchronous>, transform_indices = @transform_3, window_bounds = array<i64: 10240, 1>}, {transform_indices = @transform_4, window_bounds = array<i64: 512, 128>}, {pipeline_mode = #tpu.pipeline_mode<synchronous>, transform_indices = @transform_5, window_bounds = array<i64: 8, 128>}]} {
    %broadcast_in_dim3A = arith.constant 1.000000e+00 : f32
    %broadcast_in_dim3A_0 = vector.broadcast %broadcast_in_dim3A : f32 to vector<32x1xf32>
    %get3A = arith.constant 0 : index
    %get3A_1 = arith.constant 0 : index
    %get3A_2 = vector.load %arg3[%get3A, %get3A_1] : memref<32x512xf32, #tpu.memory_space<vmem>>, vector<32x512xf32>
    %dot_general3A = arith.constant dense<0.000000e+00> : vector<512x1xf32>
    %dot_general3A_3 = tpu.matmul %get3A_2, %broadcast_in_dim3A_0, %dot_general3A {dimension_numbers = #tpu.dot_dimension_numbers<[0], [0], [1], [1], [0, 1, 1, 1], [], []>, transpose_lhs_hint = false} : vector<32x512xf32>, vector<32x1xf32>, vector<512x1xf32> -> vector<512x1xf32>
    %add3A = arith.constant 1.000000e+00 : f32
    %add3A_4 = vector.broadcast %add3A : f32 to vector<512x1xf32>
    %add3A_5 = arith.addf %dot_general3A_3, %add3A_4 : vector<512x1xf32>
    %rsqrt3A = math.rsqrt %add3A_5 : vector<512x1xf32>
    %get3A_6 = arith.constant 0 : index
    %get3A_7 = arith.constant 0 : index
    %get3A_8 = vector.load %arg1[%get3A_6, %get3A_7] : memref<512x128xf32, #tpu.memory_space<vmem>>, vector<512x128xf32>
    %get3A_9 = arith.constant 0 : index
    %get3A_10 = arith.constant 0 : index
    %get3A_11 = vector.load %arg2[%get3A_9, %get3A_10] : memref<128x128xf32, #tpu.memory_space<vmem>>, vector<128x128xf32>
    %dot_general3A_12 = arith.constant dense<0.000000e+00> : vector<512x128xf32>
    %dot_general3A_13 = tpu.matmul %get3A_8, %get3A_11, %dot_general3A_12 {dimension_numbers = #tpu.dot_dimension_numbers<[1], [0], [0], [1], [0, 0, 1, 1], [], []>, transpose_lhs_hint = false} : vector<512x128xf32>, vector<128x128xf32>, vector<512x128xf32> -> vector<512x128xf32>
    %mul3A = vector.broadcast %rsqrt3A : vector<512x1xf32> to vector<512x128xf32>
    %mul3A_14 = arith.mulf %dot_general3A_13, %mul3A : vector<512x128xf32>
    %swap3A = arith.constant 0 : index
    %swap3A_15 = arith.constant 0 : index
    %swap3A_16 = vector.load %arg5[%swap3A, %swap3A_15] : memref<512x128xf32, #tpu.memory_space<vmem>>, vector<512x128xf32>
    tpu.vector_store %arg5[%swap3A, %swap3A_15], %mul3A_14 {strides = array<i32>} : memref<512x128xf32, #tpu.memory_space<vmem>>, vector<512x128xf32>,
    %eq3A = arith.constant 0 : i32
    %eq3A_17 = arith.cmpi eq, %arg0, %eq3A : i32
    %convert_element_type3A = arith.extui %eq3A_17 : i1 to i32
    %cond3A = arith.constant 0 : i32
    %cond3A_18 = arith.cmpi ne, %convert_element_type3A, %cond3A : i32
    scf.if %cond3A_18 {
      %get3A_19 = arith.constant 0 : index
      %get3A_20 = arith.constant 0 : index
      %get3A_21 = vector.load %arg4[%get3A_19, %get3A_20] : memref<10240x1xi32, #tpu.memory_space<vmem>>, vector<10240x1xi32>
      %iota3A = tpu.iota {dimensions = array<i32: 1>} : vector<1x128xi32>
      %eq3A_22 = vector.broadcast %get3A_21 : vector<10240x1xi32> to vector<10240x128xi32>
      %eq3A_23 = vector.broadcast %iota3A : vector<1x128xi32> to vector<10240x128xi32>
      %eq3A_24 = arith.cmpi eq, %eq3A_22, %eq3A_23 : vector<10240x128xi32>
      %convert_element_type3A_25 = arith.extui %eq3A_24 : vector<10240x128xi1> to vector<10240x128xi32>
      %convert_element_type3A_26 = arith.sitofp %convert_element_type3A_25 : vector<10240x128xi32> to vector<10240x128xf32>
      %reduce_sum3A = arith.constant dense<0.000000e+00> : vector<128xf32>
      %reduce_sum3A_27 = vector.multi_reduction <add>, %convert_element_type3A_26, %reduce_sum3A [0] : vector<10240x128xf32> to vector<128xf32>
      %iota3A_28 = tpu.iota {dimensions = array<i32: 0>} : vector<128x128xi32>
      %iota3A_29 = tpu.iota {dimensions = array<i32: 1>} : vector<128x128xi32>
      %lt3A = arith.cmpi slt, %iota3A_28, %iota3A_29 : vector<128x128xi32>
      %convert_element_type3A_30 = arith.extui %lt3A : vector<128x128xi1> to vector<128x128xi32>
      %convert_element_type3A_31 = arith.sitofp %convert_element_type3A_30 : vector<128x128xi32> to vector<128x128xf32>
      %dot_general3A_32 = arith.constant dense<0.000000e+00> : vector<128xf32>
      %dot_general3A_33 = tpu.matmul %reduce_sum3A_27, %convert_element_type3A_31, %dot_general3A_32 {dimension_numbers = #tpu.dot_dimension_numbers<[0], [0], [], [1], [1, 1], [], []>, transpose_lhs_hint = false} : vector<128xf32>, vector<128x128xf32>, vector<128xf32> -> vector<128xf32>
      %convert_element_type3A_34 = arith.fptosi %dot_general3A_33 : vector<128xf32> to vector<128xi32>
      %min3A = arith.constant 9999 : i32
      %min3A_35 = vector.broadcast %min3A : i32 to vector<128xi32>
      %min3A_36 = arith.minsi %convert_element_type3A_34, %min3A_35 : vector<128xi32>
      %broadcast_in_dim3A_37 = arith.constant 10000 : i32
      %broadcast_in_dim3A_38 = vector.broadcast %broadcast_in_dim3A_37 : i32 to vector<6x128xi32>
      %broadcast_in_dim3A_39 = vector.shape_cast %convert_element_type3A_34 : vector<128xi32> to vector<1x128xi32>
      %broadcast_in_dim3A_40 = vector.shape_cast %min3A_36 : vector<128xi32> to vector<1x128xi32>
      %concatenate3A = tpu.concatenate %broadcast_in_dim3A_39, %broadcast_in_dim3A_40, %broadcast_in_dim3A_38 in 0 : vector<1x128xi32>, vector<1x128xi32>, vector<6x128xi32> -> vector<8x128xi32>
      %swap3A_41 = arith.constant 0 : index
      %swap3A_42 = arith.constant 0 : index
      %swap3A_43 = vector.load %arg6[%swap3A_41, %swap3A_42] : memref<8x128xi32, #tpu.memory_space<vmem>>, vector<8x128xi32>
      tpu.vector_store %arg6[%swap3A_41, %swap3A_42], %concatenate3A {strides = array<i32>} : memref<8x128xi32, #tpu.memory_space<vmem>>, vector<8x128xi32>,
    } else {
    }
    return
  }
  func.func @transform_0(%arg0: i32) -> (i32, i32) {
    %c0_i32 = arith.constant 0 : i32
    %c0_i32_0 = arith.constant 0 : i32
    return %arg0, %c0_i32 : i32, i32
  }
  func.func @transform_1(%arg0: i32) -> (i32, i32) {
    %c0_i32 = arith.constant 0 : i32
    %c0_i32_0 = arith.constant 0 : i32
    %c0_i32_1 = arith.constant 0 : i32
    return %c0_i32, %c0_i32_0 : i32, i32
  }
  func.func @transform_2(%arg0: i32) -> (i32, i32) {
    %c0_i32 = arith.constant 0 : i32
    %c0_i32_0 = arith.constant 0 : i32
    return %c0_i32, %arg0 : i32, i32
  }
  func.func @transform_3(%arg0: i32) -> (i32, i32) {
    %c0_i32 = arith.constant 0 : i32
    %c0_i32_0 = arith.constant 0 : i32
    %c0_i32_1 = arith.constant 0 : i32
    return %c0_i32, %c0_i32_0 : i32, i32
  }
  func.func @transform_4(%arg0: i32) -> (i32, i32) {
    %c0_i32 = arith.constant 0 : i32
    %c0_i32_0 = arith.constant 0 : i32
    return %arg0, %c0_i32 : i32, i32
  }
  func.func @transform_5(%arg0: i32) -> (i32, i32) {
    %c0_i32 = arith.constant 0 : i32
    %c0_i32_0 = arith.constant 0 : i32
    %c0_i32_1 = arith.constant 0 : i32
    return %c0_i32, %c0_i32_0 : i32, i32
  }
}

module attributes {stable_mosaic.version = 14 : i64} {
  func.func @_x1_body(%arg0: i32, %arg1: memref<512x128xf32, #tpu.memory_space<vmem>>, %arg2: memref<512x128xf32, #tpu.memory_space<vmem>>, %arg3: memref<512x128xf32, #tpu.memory_space<vmem>>, %arg4: memref<32x512xf32, #tpu.memory_space<vmem>>, %arg5: memref<1x128xf32, #tpu.memory_space<vmem>>, %arg6: memref<512x128xf32, #tpu.memory_space<vmem>>) attributes {dimension_semantics = [#tpu.dimension_semantics<arbitrary>], iteration_bounds = array<i64: 20>, scalar_prefetch = 0 : i64, scratch_operands = 0 : i64, tpu.core_type = #tpu.core_type<tc>, window_params = [{transform_indices = @transform_0, window_bounds = array<i64: 512, 128>}, {transform_indices = @transform_1, window_bounds = array<i64: 512, 128>}, {transform_indices = @transform_2, window_bounds = array<i64: 512, 128>}, {transform_indices = @transform_3, window_bounds = array<i64: 32, 512>}, {pipeline_mode = #tpu.pipeline_mode<synchronous>, transform_indices = @transform_4, window_bounds = array<i64: 1, 128>}, {transform_indices = @transform_5, window_bounds = array<i64: 512, 128>}]} {
    %broadcast_in_dim3A = arith.constant 1.000000e+00 : f32
    %broadcast_in_dim3A_0 = vector.broadcast %broadcast_in_dim3A : f32 to vector<32x1xf32>
    %get3A = arith.constant 0 : index
    %get3A_1 = arith.constant 0 : index
    %get3A_2 = vector.load %arg4[%get3A, %get3A_1] : memref<32x512xf32, #tpu.memory_space<vmem>>, vector<32x512xf32>
    %dot_general3A = arith.constant dense<0.000000e+00> : vector<512x1xf32>
    %dot_general3A_3 = tpu.matmul %get3A_2, %broadcast_in_dim3A_0, %dot_general3A {dimension_numbers = #tpu.dot_dimension_numbers<[0], [0], [1], [1], [0, 1, 1, 1], [], []>, transpose_lhs_hint = false} : vector<32x512xf32>, vector<32x1xf32>, vector<512x1xf32> -> vector<512x1xf32>
    %add3A = arith.constant 1.000000e+00 : f32
    %add3A_4 = vector.broadcast %add3A : f32 to vector<512x1xf32>
    %add3A_5 = arith.addf %dot_general3A_3, %add3A_4 : vector<512x1xf32>
    %rsqrt3A = math.rsqrt %add3A_5 : vector<512x1xf32>
    %get3A_6 = arith.constant 0 : index
    %get3A_7 = arith.constant 0 : index
    %get3A_8 = vector.load %arg1[%get3A_6, %get3A_7] : memref<512x128xf32, #tpu.memory_space<vmem>>, vector<512x128xf32>
    %get3A_9 = arith.constant 0 : index
    %get3A_10 = arith.constant 0 : index
    %get3A_11 = vector.load %arg2[%get3A_9, %get3A_10] : memref<512x128xf32, #tpu.memory_space<vmem>>, vector<512x128xf32>
    %add3A_12 = arith.addf %get3A_8, %get3A_11 : vector<512x128xf32>
    %get3A_13 = arith.constant 0 : index
    %get3A_14 = arith.constant 0 : index
    %get3A_15 = vector.load %arg3[%get3A_13, %get3A_14] : memref<512x128xf32, #tpu.memory_space<vmem>>, vector<512x128xf32>
    %add3A_16 = arith.addf %add3A_12, %get3A_15 : vector<512x128xf32>
    %mul3A = vector.broadcast %rsqrt3A : vector<512x1xf32> to vector<512x128xf32>
    %mul3A_17 = arith.mulf %mul3A, %add3A_16 : vector<512x128xf32>
    %get3A_18 = arith.constant 0 : index
    %get3A_19 = arith.constant 0 : index
    %get3A_20 = vector.load %arg5[%get3A_18, %get3A_19] : memref<1x128xf32, #tpu.memory_space<vmem>>, vector<1x128xf32>
    %add3A_21 = vector.broadcast %get3A_20 : vector<1x128xf32> to vector<512x128xf32>
    %add3A_22 = arith.addf %mul3A_17, %add3A_21 : vector<512x128xf32>
    %max3A = arith.constant 0.000000e+00 : f32
    %max3A_23 = vector.broadcast %max3A : f32 to vector<512x128xf32>
    %max3A_24 = arith.maximumf %add3A_22, %max3A_23 : vector<512x128xf32>
    %swap3A = arith.constant 0 : index
    %swap3A_25 = arith.constant 0 : index
    %swap3A_26 = vector.load %arg6[%swap3A, %swap3A_25] : memref<512x128xf32, #tpu.memory_space<vmem>>, vector<512x128xf32>
    tpu.vector_store %arg6[%swap3A, %swap3A_25], %max3A_24 {strides = array<i32>} : memref<512x128xf32, #tpu.memory_space<vmem>>, vector<512x128xf32>,
    return
  }
  func.func @transform_0(%arg0: i32) -> (i32, i32) {
    %c0_i32 = arith.constant 0 : i32
    %c0_i32_0 = arith.constant 0 : i32
    return %arg0, %c0_i32 : i32, i32
  }
  func.func @transform_1(%arg0: i32) -> (i32, i32) {
    %c0_i32 = arith.constant 0 : i32
    %c0_i32_0 = arith.constant 0 : i32
    return %arg0, %c0_i32 : i32, i32
  }
  func.func @transform_2(%arg0: i32) -> (i32, i32) {
    %c0_i32 = arith.constant 0 : i32
    %c0_i32_0 = arith.constant 0 : i32
    return %arg0, %c0_i32 : i32, i32
  }
  func.func @transform_3(%arg0: i32) -> (i32, i32) {
    %c0_i32 = arith.constant 0 : i32
    %c0_i32_0 = arith.constant 0 : i32
    return %c0_i32, %arg0 : i32, i32
  }
  func.func @transform_4(%arg0: i32) -> (i32, i32) {
    %c0_i32 = arith.constant 0 : i32
    %c0_i32_0 = arith.constant 0 : i32
    %c0_i32_1 = arith.constant 0 : i32
    return %c0_i32, %c0_i32_0 : i32, i32
  }
  func.func @transform_5(%arg0: i32) -> (i32, i32) {
    %c0_i32 = arith.constant 0 : i32
    %c0_i32_0 = arith.constant 0 : i32
    return %arg0, %c0_i32 : i32, i32
  }
}

module attributes {stable_mosaic.version = 14 : i64} {
  func.func @_head_body(%arg0: memref<128x128xf32, #tpu.memory_space<vmem>>, %arg1: memref<128x128xf32, #tpu.memory_space<vmem>>, %arg2: memref<128x128xf32, #tpu.memory_space<vmem>>, %arg3: memref<1x128xf32, #tpu.memory_space<vmem>>, %arg4: memref<128x128xf32, #tpu.memory_space<vmem>>, %arg5: memref<128x128xf32, #tpu.memory_space<vmem>>, %arg6: memref<1x128xf32, #tpu.memory_space<vmem>>, %arg7: memref<128x128xf32, #tpu.memory_space<vmem>>, %arg8: memref<1x128xf32, #tpu.memory_space<vmem>>, %arg9: memref<128x128xf32, #tpu.memory_space<vmem>>) attributes {dimension_semantics = [], scalar_prefetch = 0 : i64, scratch_operands = 0 : i64, tpu.core_type = #tpu.core_type<tc>} {
    %get3A = arith.constant 0 : index
    %get3A_0 = arith.constant 0 : index
    %get3A_1 = vector.load %arg1[%get3A, %get3A_0] : memref<128x128xf32, #tpu.memory_space<vmem>>, vector<128x128xf32>
    %get3A_2 = arith.constant 0 : index
    %get3A_3 = arith.constant 0 : index
    %get3A_4 = vector.load %arg2[%get3A_2, %get3A_3] : memref<128x128xf32, #tpu.memory_space<vmem>>, vector<128x128xf32>
    %dot_general3A = arith.constant dense<0.000000e+00> : vector<128x128xf32>
    %dot_general3A_5 = tpu.matmul %get3A_1, %get3A_4, %dot_general3A {dimension_numbers = #tpu.dot_dimension_numbers<[1], [0], [0], [1], [0, 0, 1, 1], [], []>, transpose_lhs_hint = false} : vector<128x128xf32>, vector<128x128xf32>, vector<128x128xf32> -> vector<128x128xf32>
    %get3A_6 = arith.constant 0 : index
    %get3A_7 = arith.constant 0 : index
    %get3A_8 = vector.load %arg3[%get3A_6, %get3A_7] : memref<1x128xf32, #tpu.memory_space<vmem>>, vector<1x128xf32>
    %add3A = vector.broadcast %get3A_8 : vector<1x128xf32> to vector<128x128xf32>
    %add3A_9 = arith.addf %dot_general3A_5, %add3A : vector<128x128xf32>
    %max3A = arith.constant 0.000000e+00 : f32
    %max3A_10 = vector.broadcast %max3A : f32 to vector<128x128xf32>
    %max3A_11 = arith.maximumf %add3A_9, %max3A_10 : vector<128x128xf32>
    %get3A_12 = arith.constant 0 : index
    %get3A_13 = arith.constant 0 : index
    %get3A_14 = vector.load %arg0[%get3A_12, %get3A_13] : memref<128x128xf32, #tpu.memory_space<vmem>>, vector<128x128xf32>
    %get3A_15 = arith.constant 0 : index
    %get3A_16 = arith.constant 0 : index
    %get3A_17 = vector.load %arg4[%get3A_15, %get3A_16] : memref<128x128xf32, #tpu.memory_space<vmem>>, vector<128x128xf32>
    %dot_general3A_18 = arith.constant dense<0.000000e+00> : vector<128x128xf32>
    %dot_general3A_19 = tpu.matmul %get3A_14, %get3A_17, %dot_general3A_18 {dimension_numbers = #tpu.dot_dimension_numbers<[1], [0], [0], [1], [0, 0, 1, 1], [], []>, transpose_lhs_hint = false} : vector<128x128xf32>, vector<128x128xf32>, vector<128x128xf32> -> vector<128x128xf32>
    %get3A_20 = arith.constant 0 : index
    %get3A_21 = arith.constant 0 : index
    %get3A_22 = vector.load %arg5[%get3A_20, %get3A_21] : memref<128x128xf32, #tpu.memory_space<vmem>>, vector<128x128xf32>
    %dot_general3A_23 = arith.constant dense<0.000000e+00> : vector<128x128xf32>
    %dot_general3A_24 = tpu.matmul %max3A_11, %get3A_22, %dot_general3A_23 {dimension_numbers = #tpu.dot_dimension_numbers<[1], [0], [0], [1], [0, 0, 1, 1], [], []>, transpose_lhs_hint = false} : vector<128x128xf32>, vector<128x128xf32>, vector<128x128xf32> -> vector<128x128xf32>
    %add3A_25 = arith.addf %dot_general3A_19, %dot_general3A_24 : vector<128x128xf32>
    %get3A_26 = arith.constant 0 : index
    %get3A_27 = arith.constant 0 : index
    %get3A_28 = vector.load %arg6[%get3A_26, %get3A_27] : memref<1x128xf32, #tpu.memory_space<vmem>>, vector<1x128xf32>
    %add3A_29 = vector.broadcast %get3A_28 : vector<1x128xf32> to vector<128x128xf32>
    %add3A_30 = arith.addf %add3A_25, %add3A_29 : vector<128x128xf32>
    %max3A_31 = arith.constant 0.000000e+00 : f32
    %max3A_32 = vector.broadcast %max3A_31 : f32 to vector<128x128xf32>
    %max3A_33 = arith.maximumf %add3A_30, %max3A_32 : vector<128x128xf32>
    %get3A_34 = arith.constant 0 : index
    %get3A_35 = arith.constant 0 : index
    %get3A_36 = vector.load %arg7[%get3A_34, %get3A_35] : memref<128x128xf32, #tpu.memory_space<vmem>>, vector<128x128xf32>
    %dot_general3A_37 = arith.constant dense<0.000000e+00> : vector<128x128xf32>
    %dot_general3A_38 = tpu.matmul %max3A_33, %get3A_36, %dot_general3A_37 {dimension_numbers = #tpu.dot_dimension_numbers<[1], [0], [0], [1], [0, 0, 1, 1], [], []>, transpose_lhs_hint = false} : vector<128x128xf32>, vector<128x128xf32>, vector<128x128xf32> -> vector<128x128xf32>
    %get3A_39 = arith.constant 0 : index
    %get3A_40 = arith.constant 0 : index
    %get3A_41 = vector.load %arg8[%get3A_39, %get3A_40] : memref<1x128xf32, #tpu.memory_space<vmem>>, vector<1x128xf32>
    %add3A_42 = vector.broadcast %get3A_41 : vector<1x128xf32> to vector<128x128xf32>
    %add3A_43 = arith.addf %dot_general3A_38, %add3A_42 : vector<128x128xf32>
    %iota3A = tpu.iota {dimensions = array<i32: 1>} : vector<128x128xi32>
    %lt3A = arith.constant 2 : i32
    %lt3A_44 = vector.broadcast %lt3A : i32 to vector<128x128xi32>
    %lt3A_45 = arith.cmpi slt, %iota3A, %lt3A_44 : vector<128x128xi32>
    %jit3A = arith.constant -1.000000e+30 : f32
    %broadcast_in_dim3A = vector.broadcast %jit3A : f32 to vector<128x128xf32>
    %select_n3A = arith.select %lt3A_45, %add3A_43, %broadcast_in_dim3A : vector<128x128xi1>, vector<128x128xf32>
    %reduce_max3A = arith.constant dense<0xFF800000> : vector<128xf32>
    %reduce_max3A_46 = vector.multi_reduction <maximumf>, %select_n3A, %reduce_max3A [1] : vector<128x128xf32> to vector<128xf32>
    %broadcast_in_dim3A_47 = vector.shape_cast %reduce_max3A_46 : vector<128xf32> to vector<128x1xf32>
    %sub3A = vector.broadcast %broadcast_in_dim3A_47 : vector<128x1xf32> to vector<128x128xf32>
    %sub3A_48 = arith.subf %select_n3A, %sub3A : vector<128x128xf32>
    %exp3A = math.exp %sub3A_48 : vector<128x128xf32>
    %reduce_sum3A = arith.constant dense<0.000000e+00> : vector<128xf32>
    %reduce_sum3A_49 = vector.multi_reduction <add>, %exp3A, %reduce_sum3A [1] : vector<128x128xf32> to vector<128xf32>
    %broadcast_in_dim3A_50 = vector.shape_cast %reduce_sum3A_49 : vector<128xf32> to vector<128x1xf32>
    %log3A = math.log %broadcast_in_dim3A_50 : vector<128x1xf32>
    %sub3A_51 = vector.broadcast %log3A : vector<128x1xf32> to vector<128x128xf32>
    %sub3A_52 = arith.subf %sub3A_48, %sub3A_51 : vector<128x128xf32>
    %swap3A = arith.constant 0 : index
    %swap3A_53 = arith.constant 0 : index
    %swap3A_54 = vector.load %arg9[%swap3A, %swap3A_53] : memref<128x128xf32, #tpu.memory_space<vmem>>, vector<128x128xf32>
    tpu.vector_store %arg9[%swap3A, %swap3A_53], %sub3A_52 {strides = array<i32>} : memref<128x128xf32, #tpu.memory_space<vmem>>, vector<128x128xf32>,
    return
  }
}

</mosaic_0001>

<sc_bundles>
// kernel: kernel.11.cloned.1.call-start
scs
__scs_entry_jumppad:
0x0: {  	(pc) =	sbr.rel $0x88, $3  }
0x1: {  	(tag) =	ssettag $0x0;
	lr =	simm.s32 $0x1  }
0x2: {  	[smem:$0x3F96] =	sst lr;
	_ =	strace $0xD0000000  }
0x3: {  	_ = 	snop  }
0x4: {  	_ = 	snop  }
0x5: {  	_ = 	snop  }
0x6: {  	_ = 	snop  }
0x7: {  	_ = 	snop  }
__scs_overlays_trampoline_lowered:
0x8: {  	[smem:$0x3FA5] =	sst s0  }
0x9: {  	[smem:$0x3FA6] =	sst s1  }
0xa: {  	[smem:$0x3FA7] =	sst s2  }
0xb: {  	[smem:$0x3FA8] =	sst s3  }
0xc: {  	[smem:$0x3FA9] =	sst s4  }
0xd: {  	[smem:$0x3FAA] =	sst s5  }
0xe: {  	[smem:$0x3FAB] =	sst s6  }
0xf: {  	[smem:$0x3FAC] =	sst s7  }
0x10: {  	[smem:$0x3FAD] =	sst s8  }
0x11: {  	[smem:$0x3FAE] =	sst s9;
	s0 =	simm.s32 @!p0 $0x0  }
0x12: {  	s1 =	sld [smem:$0x3F94];
	s0 =	simm.s32 @p0 $0x1  }
0x13: {  	[smem:$0x3FAF] =	sst s0;
	s0 =	simm.s32 @!p1 $0x0  }
0x14: {  	s2 =	sld [smem:$0x3F93];
	s0 =	simm.s32 @p1 $0x1  }
0x15: {  	[smem:$0x3FB0] =	sst s0;
	s0 =	simm.s32 @!p2 $0x0  }
0x16: {  	s3 =	sld [smem:$0x3FDB];
	s0 =	simm.s32 @p2 $0x1  }
0x17: {  	s4 =	simm.s32 $0x1BF5;
	[smem:$0x3FB2] =	sst s0  }
0x18: {  	s0 =	sld [smem:$0x3F95];
	_ =	swait.ge [sflag:s4], $0x0  }
0x19: {  	s7 =	sld [smem:$0x3F96]  }
0x1a: {  	s8 =	sadd.s32 $0xFFFFE003, lr  }
0x1b: {  	s9 =	sadd.s32 $0xFFFFFEF7, lr;
	s5 =	simm.s32 $0xFFFFFFFF;
	p2 =	slt.u32 s8, $0xFFFFF086  }
0x1c: {  	p1 =	slt.u32 s9, $0xF7A;
	s5 =	simm.s32 @!p2 $0x0  }
0x1d: {  	s5 =	simm.s32 @p1 $0x1;
	p0 =	seq.s32 s7, s2  }
0x1e: {  	s7 =	smul.u32 @!p0 $0xF7A, s2;
	p2 =	seq.s32 @!p0 s5, $0x0  }
0x1f: {  	s9 =	smul.u32 $0xF7A, s1;
	s8 =	simm.s32 @!p0 $0x1BF5;
	p2 =	por !p2, p0  }
0x20: {  	[sflag:s8] =	ssyncset.s32 @!p0 $0xFFFFF086;
	s6 =	sadd.s32 @!p0 s3, s7;
	s7 =	simm.s32 @!p0 $0x108  }
0x21: {  	s3 =	sadd.s32 s3, s9;
	s6 =	sadd.s32 @!p0 $0x88, s6;
	s7 =	simm.s32 @p2 $0x1082  }
0x22: {  	[simem:s7], [sflag:s8] =	dma.local @!p0 [hbm:s6], $0xF7A  }
0x23: {  	s9 =	sor.u32 $0xD0000000, s2;
	s6 =	simm.s32 $0x108;
	_ =	swait.ge @!p0 [sflag:s8], $0x0  }
0x24: {  	s3 =	sadd.s32 $0x88, s3;
	s6 =	simm.s32 @!p1 $0x1082;
	[sflag:s4] =	ssyncset.s32 $0xFFFFF086  }
0x25: {  	[simem:s6], [sflag:s4] =	dma.local [hbm:s3], $0xF7A  }
0x26: {  	[smem:$0x3F96] =	sst s1;
	(tag) =	ssettag s2;
	_ =	strace s9  }
0x27: {  	s1 =	sld [smem:$0x3FA6]  }
0x28: {  	s2 =	sld [smem:$0x3FA7]  }
0x29: {  	s4 =	sld [smem:$0x3FA9]  }
0x2a: {  	p0 =	seq.s32 s5, $0x0;
	s5 =	sld [smem:$0x3FAA]  }
0x2b: {  	s6 =	sld [smem:$0x3FAB]  }
0x2c: {  	s7 =	sld [smem:$0x3FAC]  }
0x2d: {  	s3 =	simm.s32 $0x108;
	s8 =	sld [smem:$0x3FAD]  }
0x2e: {  	s3 =	simm.s32 @!p0 $0x1082;
	s9 =	sld [smem:$0x3FAE]  }
0x2f: {  	lr =	sadd.s32 s0, s3;
	s0 =	sld [smem:$0x3FA5]  }
0x30: {  	s3 =	sld [smem:$0x3FA8]  }
0x31: {  	[smem:$0x3FB1] =	sst s10  }
0x32: {  	s10 =	sld [smem:$0x3FAF];
	_ =	sdelay $0x3  }
0x33: {  	p0 =	seq.s32 s10, $0x1;
	s10 =	sld [smem:$0x3FB1];
	_ =	sdelay $0x3  }
0x34: {  	[smem:$0x3FB1] =	sst s10  }
0x35: {  	s10 =	sld [smem:$0x3FB0];
	_ =	sdelay $0x3  }
0x36: {  	p1 =	seq.s32 s10, $0x1;
	s10 =	sld [smem:$0x3FB1];
	_ =	sdelay $0x3  }
0x37: {  	[smem:$0x3FB1] =	sst s10  }
0x38: {  	s10 =	sld [smem:$0x3FB2]  }
0x39: {  	_ = 	snop;
	(pc) =	sbr.ind lr, $3  }
0x3a: {  	_ = 	snop  }
0x3b: {  	_ = 	snop  }
0x3c: {  	p2 =	seq.s32 s10, $0x1;
	s10 =	sld [smem:$0x3FB1]  }
0x3d: {  	_ =	shalt  }
0x3e: {  	_ =	shalt  }
0x3f: {  	_ =	shalt  }
0x40: {  	_ =	shalt  }
0x41: {  	_ =	shalt  }
0x42: {  	_ =	shalt  }
0x43: {  	_ =	shalt  }
0x44: {  	_ =	shalt  }
0x45: {  	_ =	shalt  }
0x46: {  	_ =	shalt  }
0x47: {  	_ =	shalt  }
0x48: {  	_ =	shalt  }
0x49: {  	_ =	shalt  }
0x4a: {  	_ =	shalt  }
0x4b: {  	_ =	shalt  }
0x4c: {  	_ =	shalt  }
0x4d: {  	_ =	shalt  }
0x4e: {  	_ =	shalt  }
0x4f: {  	_ =	shalt  }
0x50: {  	_ =	shalt  }
0x51: {  	_ =	shalt  }
0x52: {  	_ =	shalt  }
0x53: {  	_ =	shalt  }
0x54: {  	_ =	shalt  }
0x55: {  	_ =	shalt  }
0x56: {  	_ =	shalt  }
0x57: {  	_ =	shalt  }
0x58: {  	_ =	shalt  }
0x59: {  	_ =	shalt  }
0x5a: {  	_ =	shalt  }
0x5b: {  	_ =	shalt  }
0x5c: {  	_ =	shalt  }
0x5d: {  	_ =	shalt  }
0x5e: {  	_ =	shalt  }
0x5f: {  	_ =	shalt  }
0x60: {  	_ =	shalt  }
0x61: {  	_ =	shalt  }
0x62: {  	_ =	shalt  }
0x63: {  	_ =	shalt  }
0x64: {  	_ =	shalt  }
0x65: {  	_ =	shalt  }
0x66: {  	_ =	shalt  }
0x67: {  	_ =	shalt  }
0x68: {  	_ =	shalt  }
0x69: {  	_ =	shalt  }
0x6a: {  	_ =	shalt  }
0x6b: {  	_ =	shalt  }
0x6c: {  	_ =	shalt  }
0x6d: {  	_ =	shalt  }
0x6e: {  	_ =	shalt  }
0x6f: {  	_ =	shalt  }
0x70: {  	_ =	shalt  }
0x71: {  	_ =	shalt  }
0x72: {  	_ =	shalt  }
0x73: {  	_ =	shalt  }
0x74: {  	_ =	shalt  }
0x75: {  	_ =	shalt  }
0x76: {  	_ =	shalt  }
0x77: {  	_ =	shalt  }
0x78: {  	_ =	shalt  }
0x79: {  	_ =	shalt  }
0x7a: {  	_ =	shalt  }
0x7b: {  	_ =	shalt  }
0x7c: {  	_ =	shalt  }
0x7d: {  	_ =	shalt  }
0x7e: {  	_ =	shalt  }
0x7f: {  	_ =	shalt  }
0x80: {  	_ =	shalt  }
0x81: {  	_ =	shalt  }
0x82: {  	_ =	shalt  }
0x83: {  	_ =	shalt  }
0x84: {  	_ =	shalt  }
0x85: {  	_ =	shalt  }
0x86: {  	_ =	shalt  }
0x87: {  	_ =	shalt  }
.Lfunc_end0:
.L_simem_size_0:
called_computation.1_lowered:
.L_overlay_start_0:
0x88: {  	s2 =	sld [smem:$0x3FD9]  }
0x89: {  	s3 =	sld [smem:$0x3FFE];
	_ =	sdelay $0x1  }
0x8a: {  	s1 =	srdreg.scid  }
0x8b: {  	s0 =	sand.u32 $0x1, s1  }
0x8c: {  	s16 =	sshll.u32 s0, $0xA;
	s2 =	sadd.s32 s3, s2  }
0x8d: {  	s2 =	sadd.s32 s2, s16  }
0x8e: {  	[smem:$0x3FBD] =	sst s2  }
0x8f: {  	_ = 	snop  }
0x90: {  	(tm) =	ssettm $0x1  }
0x91: {  	s17 =	sld [smem:$0x3FFB];
	_ =	sdelay $0x3  }
0x92: {  	_ =	strace s17  }
0x93: {  	s2 =	sld [smem:$0x3FFC];
	_ =	sdelay $0x3  }
0x94: {  	_ =	strace s2  }
0x95: {  	s2 =	sld [smem:$0x3FFD];
	_ =	sdelay $0x3  }
0x96: {  	_ =	strace s2  }
0x97: {  	_ =	strace $0x8FFFFFFF  }
0x98: {  	s18 =	sld [smem:$0x3FDB];
	_ =	sdelay $0x1  }
0x99: {  	s19 =	simm.s32 $_scs_section_size  }
0x9a: {  	s4 =	simm.s32 $_size__tile_overlayer_lowered;
	s5 =	simm.s32 $_tile_overlayer_lowered  }
0x9b: {  	s22 =	simm.s32 $0x1BFF;
	s21 =	sshll.u32 s5, $0x1;
	s2 =	sadd.s32 s19, s18  }
0x9c: {  	s6 =	simm.s32 $0x0;
	s20 =	sshll.u32 s4, $0x1;
	s4 =	sadd.s32 s21, s2  }
0x9d: {  	[timem:s6], [sflag:s22] =	dma.local [hbm:s4], s20  }
0x9e: {  	_ =	swait.ge [sflag:s22], s20  }
0x9f: {  	s3 =	ssub.s32 $0x0, s20;
	[sflag:s22] =	ssyncset.done $0x0  }
0xa0: {  	[sflag:s22] =	ssyncadd.s32 s3;
	_ =	sdelay $0x1  }
0xa1: {  	s23 =	simm.s32 $0x1B8B  }
0xa2: {  	_ =	swait.ge [sflag:s23], $0x1  }
0xa3: {  	[sflag:s23] =	ssyncset.done $0x0  }
0xa4: {  	s25 =	simm.s32 $0x1B8E;
	s24 =	sld [smem:$0x3FFE];
	[sflag:s23] =	ssyncadd.s32 $0xFFFFFFFF  }
0xa5: {  	s26 =	simm.s32 $execute0_lowered;
	[smem:$0x3FD2] =	sst s25  }
0xa6: {  	s4 =	sshll.u32 s26, $0x1;
	_ =	strace $0x80000049;
	[dreg:$0x1] =	wrdreg $0xFFFFFFFF  }
0xa7: {  	s28 =	simm.s32 $_size_execute0_lowered;
	s2 =	sadd.s32 s2, s4;
	[dreg:$0x0] =	wrdreg $0x0  }
0xa8: {  	s4 =	sshll.u32 s28, $0x1;
	[dreg:$0x2] =	wrdreg s2  }
0xa9: {  	[dreg:$0x3] =	wrdreg s4  }
0xaa: {  	[dreg:$0x4] =	wrdreg $0xC0  }
0xab: {  	_ =	task [dreg:s6], $0x5FFFF  }
0xac: {  	[dreg:$0x1] =	wrdreg $0xFFFFFFFF  }
0xad: {  	[dreg:$0x0] =	wrdreg $0x60  }
0xae: {  	[dreg:$0x2] =	wrdreg s24  }
0xaf: {  	[dreg:$0x3] =	wrdreg $0xA9000  }
0xb0: {  	[dreg:$0x4] =	wrdreg $0x9  }
0xb1: {  	_ =	task.clear_ibuf [dreg:s6], $0x5FFFF;
	_ =	strace $0x90000049  }
0xb2: {  	s29 =	simm.s32 $0x9;
	_ =	strace $0x8000004B  }
0xb3: {  	_ =	swait.ge [sflag:s29], $0x1  }
0xb4: {  	[sflag:s29] =	ssyncadd.s32 $0xFFFFFFFF  }
0xb5: {  	_ =	strace $0x9000004B  }
0xb6: {  	_ =	sfence  }
0xb7: {  	s30 =	sld [smem:$0x0];
	_ =	sdelay $0x2  }
0xb8: {  	s31 =	sshll.u32 s1, $0xD;
	s1 =	sshrl.u32 s1, $0x2  }
0xb9: {  	s3 =	sand.u32 $0x4000, s31;
	s1 =	sadd.s32 s1, s30  }
0xba: {  	s0 =	sor.u32 s3, s0;
	s1 =	sshll.u32 s1, $0x11  }
0xbb: {  	s0 =	sor.u32 s1, s0  }
0xbc: {  	s0 =	sadd.s32 $0x8F2B, s0  }
0xbd: {  	[sflag:s0] =	ssyncadd.remote.s32 $0x1  }
0xbe: {  	_ =	sfence.sel $0xFFFF  }
0xbf: {  	[dreg:$0x0] =	wrdreg $0xFFFFFFFF;
	(pc) =	sbr.abs _section_cstart, $3  }
0xc0: {  	[dreg:$0x1] =	wrdreg $0xFFFFFFFF  }
0xc1: {  	_ =	task.clear_ibuf [dreg:s6], $0x2FFFF;
	_ =	strace $0x9FFFFFFF  }
0xc2: {  	(tm) =	ssettm $0x7FFFFFFF  }
0xc3: {  	_ =	shalt  }
tec
execute0_lowered:
.L_overlay_start_1:
0x0: {  	(tag) =	ssettag $0x1  }
0x1: {  	s9 =	rddreg [dreg:$0x0]  }
0x2: {  	s2 =	rddreg [dreg:$0x1]  }
0x3: {  	s4 =	srdreg.scid;
	s1 =	stileid.u32;
	s3 =	simm.s32 $0x0  }
0x4: {  	s8 =	sand.u32 $0x1, s4;
	s21 =	sshll.u32 s1, $0x1;
	[smem:$0x7FF] =	sst s3  }
0x5: {  	s4 =	sadd.s32 $0x54200, s9;
	s10 =	smul.u32 $0x50000, s1;
	s11 =	sadd.s32 $0x22400, s9  }
0x6: {  	s23 =	sshll.u32 s1, $0x6;
	s24 =	sshrl.u32 s1, $0x2;
	s20 =	sshll.u32 s1, $0x8  }
0x7: {  	s29 =	smul.u32 $0x2800, s1;
	s7 =	sor.u32 s8, s21;
	_ =	strace $0x8000004A  }
0x8: {  	s6 =	ssub.s32 $0x2, s8;
	s21 =	sshll.u32 s8, $0x7;
	p0 =	seq.s32 s8, $0x1  }
0x9: {  	s5 =	smul.u32 $0x500, s7;
	s13 =	sshrl.u32 s6, $0x1;
	s22 =	sshrl.u32 s10, $0x2  }
0xa: {  	s10 =	smul.u32 $0x13C00, s24;
	s7 =	sshll.u32 s7, $0x7;
	s26 =	sor.u32 s21, s20  }
0xb: {  	s20 =	simm.s32 $0xA4200;
	s21 =	simm.s32 $0x2900;
	s24 =	simm.s32 $0x2  }
0xc: {  	s13 =	ssub.s32 s6, s13;
	s14 =	sadd.s32 s22, s2;
	s6 =	sor.u32 $0x1C03, s23  }
0xd: {  	s7 =	sand.u32 $0x380, s7;
	s28 =	sand.u32 $0x380, s26;
	s20 =	simm.s32 @!p0 $0x7C200  }
0xe: {  	s22 =	simm.s32 $0x6900;
	s23 =	simm.s32 $0x1;
	s26 =	simm.s32 $0x0  }
0xf: {  	s12 =	sadd.s32 s5, s9;
	s5 =	sadd.s32 $0x4600, s9;
	s15 =	sadd.s32 $0x4000, s14  }
0x10: {  	s16 =	sadd.s32 $0x8000, s14;
	s17 =	sadd.s32 $0xC000, s14;
	s18 =	sadd.s32 $0x10000, s14  }
0x11: {  	s7 =	sor.u32 s7, s10;
	s10 =	sor.u32 s28, s10;
	s30 =	sadd.s32 s20, s9  }
0x12: {  	s9 =	smax.u32 s13, $0x1;
	s13 =	simm.s32 $0x3;
	s20 =	simm.s32 $0x400  }
0x13: {  	s19 =	sadd.s32 $0x13800, s7;
	s7 =	sadd.s32 $0x18400, s12;
	s31 =	sshrl.u32 s10, $0x3  }
0x14: {  	s10 =	sadd.s32 s30, s29;
	s12 =	sshrl.u32 s14, $0x3;
	s14 =	sshrl.u32 s15, $0x3  }
0x15: {  	s15 =	sshrl.u32 s16, $0x3;
	s16 =	sshrl.u32 s17, $0x3;
	s17 =	sshrl.u32 s18, $0x3  }
0x16: {  	s18 =	simm.s32 $0x100;
	s25 =	sshrl.u32 s19, $0x3;
	s19 =	simm.s32 $0x80  }
0x17: {  	s8 =	sadd.s32 s11, s25;
	s11 =	sadd.s32 s31, s11;
	s25 =	simm.s32 $0x2800  }
.LBB2_1:
0x18: {  	[spmem:s12], [sflag:s6] =	dma.local [hbm:s5], $0x800  }
0x19: {  	_ =	swait.ge [sflag:s13], $0x800  }
0x1a: {  	[sflag:s13] =	ssyncset.done $0x0  }
0x1b: {  	[sflag:s13] =	ssyncadd.s32 $0xFFFFF800  }
0x1c: {  	[spmem:s14], [sflag:s6] =	dma.local [hbm:s5], $0x800  }
0x1d: {  	_ =	swait.ge [sflag:s13], $0x800  }
0x1e: {  	[sflag:s13] =	ssyncset.done $0x0  }
0x1f: {  	[sflag:s13] =	ssyncadd.s32 $0xFFFFF800  }
0x20: {  	[spmem:s15], [sflag:s6] =	dma.local [hbm:s5], $0x800  }
0x21: {  	_ =	swait.ge [sflag:s13], $0x800  }
0x22: {  	[sflag:s13] =	ssyncset.done $0x0  }
0x23: {  	[sflag:s13] =	ssyncadd.s32 $0xFFFFF800  }
0x24: {  	[spmem:s16], [sflag:s6] =	dma.local [hbm:s5], $0x800  }
0x25: {  	_ =	swait.ge [sflag:s13], $0x800  }
0x26: {  	[sflag:s13] =	ssyncset.done $0x0  }
0x27: {  	[sflag:s13] =	ssyncadd.s32 $0xFFFFF800  }
0x28: {  	[spmem:s17], [sflag:s6] =	dma.local [hbm:s5], $0x800  }
0x29: {  	_ =	swait.ge [sflag:s13], $0x800  }
0x2a: {  	[sflag:s13] =	ssyncset.done $0x0  }
0x2b: {  	[sflag:s13] =	ssyncadd.s32 $0xFFFFF800  }
0x2c: {  	[tilespmem:s18], [sflag:$0x3] =	stream.linear.gather [hbm4b:s7+s3], $0x2780, $0x38;
	[tilespmem:$0x1E900] =	vst v63  }
0x2d: {  	_ =	swait.ge [sflag:s13], $0x2780  }
0x2e: {  	[sflag:s13] =	ssyncset.done $0x0  }
0x2f: {  	[sflag:s13] =	ssyncadd.s32 $0xFFFFD880  }
0x30: {  	s28 =	sadd.s32 $0x0, s11;
	[bflag:$0x0] =	sbarrier.arrive $0xFFFF  }
0x31: {  	[tilespmem:s3], [sflag:$0x3] =	stream.strided.gather [hbm4b:s28+s19], $0x100, s20, s19, $0x38;
	[tilespmem:$0x1E900] =	vst v63  }
0x32: {  	_ =	swait.ge [sflag:s13], $0x100  }
0x33: {  	[sflag:s13] =	ssyncset.done $0x0  }
0x34: {  	[sflag:s13] =	ssyncadd.s32 $0xFFFFFF00  }
0x35: {  	[tilespmem:s21], [sflag:$0x1] =	stream.indirect.gather [hbm4b:s4+s19], $0x80, s3, s19, $0xb8;
	[tilespmem:$0x1E900] =	vst v63  }
0x36: {  	_ = 	snop  }
0x37: {  	[tilespmem:s22], [sflag:$0x2] =	stream.indirect.gather [hbm4b:s4+s19], $0x80, s19, s19, $0xb8;
	[tilespmem:$0x1E900] =	vst v63  }
0x38: {  	_ =	swait.ge [sflag:s23], $0x4000  }
0x39: {  	[sflag:s23] =	ssyncset.done $0x0  }
0x3a: {  	s28 =	simm.s32 $0x100;
	[sflag:s23] =	ssyncadd.s32 $0xFFFFC000  }
0x3b: {  	[spmem:s2] =	stream.indirect.scatter.add.f32 [tilespmem:s21], [sflag:$0x3], $0x80, s28, s19, $0xb8;
	[tilespmem:$0x1E900] =	vst v63  }
0x3c: {  	_ =	swait.ge [sflag:s13], $0x4000  }
0x3d: {  	[sflag:s13] =	ssyncset.done $0x0  }
0x3e: {  	[sflag:s13] =	ssyncadd.s32 $0xFFFFC000  }
0x3f: {  	_ =	swait.ge [sflag:s24], $0x4000  }
0x40: {  	[sflag:s24] =	ssyncset.done $0x0  }
0x41: {  	s28 =	simm.s32 $0x180;
	[sflag:s24] =	ssyncadd.s32 $0xFFFFC000  }
0x42: {  	[spmem:s2] =	stream.indirect.scatter.add.f32 [tilespmem:s22], [sflag:$0x3], $0x80, s28, s19, $0xb8;
	[tilespmem:$0x1E900] =	vst v63  }
0x43: {  	s29 =	simm.s32 $0x100;
	_ =	swait.ge [sflag:s13], $0x4000  }
0x44: {  	s30 =	simm.s32 $0x200;
	s28 =	simm.s32 $0x280;
	[sflag:s13] =	ssyncset.done $0x0  }
.LBB2_2:
0x45: {  	s31 =	sadd.s32 s29, s11  }
0x46: {  	[sflag:s13] =	ssyncadd.s32 $0xFFFFC000;
	s29 =	smov.u32 s30;
	s0 =	sadd.s32 $0x100, s30  }
0x47: {  	[tilespmem:s3], [sflag:$0x3] =	stream.strided.gather [hbm4b:s31+s19], $0x100, s20, s19, $0x38;
	[tilespmem:$0x1E900] =	vst v63  }
0x48: {  	p0 =	sne.s32 s30, $0x2600;
	_ =	swait.ge [sflag:s13], $0x100  }
0x49: {  	[sflag:s13] =	ssyncset.done $0x0  }
0x4a: {  	[sflag:s13] =	ssyncadd.s32 $0xFFFFFF00  }
0x4b: {  	[tilespmem:s21], [sflag:$0x1] =	stream.indirect.gather [hbm4b:s4+s19], $0x80, s3, s19, $0xb8;
	[tilespmem:$0x1E900] =	vst v63  }
0x4c: {  	_ = 	snop  }
0x4d: {  	[tilespmem:s22], [sflag:$0x2] =	stream.indirect.gather [hbm4b:s4+s19], $0x80, s19, s19, $0xb8;
	[tilespmem:$0x1E900] =	vst v63  }
0x4e: {  	_ =	swait.ge [sflag:s23], $0x4000  }
0x4f: {  	[sflag:s23] =	ssyncset.done $0x0  }
0x50: {  	s30 =	sadd.s32 $0xFFFFFF80, s28;
	[sflag:s23] =	ssyncadd.s32 $0xFFFFC000  }
0x51: {  	[spmem:s2] =	stream.indirect.scatter.add.f32 [tilespmem:s21], [sflag:$0x3], $0x80, s30, s19, $0xb8;
	[tilespmem:$0x1E900] =	vst v63  }
0x52: {  	_ =	swait.ge [sflag:s13], $0x4000  }
0x53: {  	[sflag:s13] =	ssyncset.done $0x0  }
0x54: {  	[sflag:s13] =	ssyncadd.s32 $0xFFFFC000  }
0x55: {  	_ =	swait.ge [sflag:s24], $0x4000  }
.Ltmp0:
0x56: {  	[sflag:s24] =	ssyncset.done $0x0;
	(pc) =	sbr.rel @p0 .LBB2_2-.Ltmp0, $4  }
0x57: {  	[sflag:s24] =	ssyncadd.s32 $0xFFFFC000  }
0x58: {  	[spmem:s2] =	stream.indirect.scatter.add.f32 [tilespmem:s22], [sflag:$0x3], $0x80, s28, s19, $0xb8;
	[tilespmem:$0x1E900] =	vst v63  }
0x59: {  	_ =	swait.ge [sflag:s13], $0x4000  }
0x5a: {  	s30 =	smov.u32 s0;
	s28 =	sadd.s32 $0x100, s28;
	[sflag:s13] =	ssyncset.done $0x0  }
0x5b: {  	s0 =	sadd.s32 s29, s11;
	[sflag:s13] =	ssyncadd.s32 $0xFFFFC000  }
0x5c: {  	[tilespmem:s3], [sflag:$0x3] =	stream.strided.gather [hbm4b:s0+s19], $0x100, s20, s19, $0x38;
	[tilespmem:$0x1E900] =	vst v63  }
0x5d: {  	_ =	swait.ge [sflag:s13], $0x100  }
0x5e: {  	[sflag:s13] =	ssyncset.done $0x0  }
0x5f: {  	[sflag:s13] =	ssyncadd.s32 $0xFFFFFF00  }
0x60: {  	[tilespmem:s21], [sflag:$0x1] =	stream.indirect.gather [hbm4b:s4+s19], $0x80, s3, s19, $0xb8;
	[tilespmem:$0x1E900] =	vst v63  }
0x61: {  	_ = 	snop  }
0x62: {  	[tilespmem:s22], [sflag:$0x2] =	stream.indirect.gather [hbm4b:s4+s19], $0x80, s19, s19, $0xb8;
	[tilespmem:$0x1E900] =	vst v63  }
0x63: {  	_ =	swait.ge [sflag:s23], $0x4000  }
0x64: {  	[sflag:s23] =	ssyncset.done $0x0  }
0x65: {  	s31 =	sadd.s32 $0xFFFFFF80, s28;
	[sflag:s23] =	ssyncadd.s32 $0xFFFFC000  }
0x66: {  	[spmem:s2] =	stream.indirect.scatter.add.f32 [tilespmem:s21], [sflag:$0x3], $0x80, s31, s19, $0xb8;
	[tilespmem:$0x1E900] =	vst v63  }
0x67: {  	_ =	swait.ge [sflag:s13], $0x4000  }
0x68: {  	[sflag:s13] =	ssyncset.done $0x0  }
0x69: {  	[sflag:s13] =	ssyncadd.s32 $0xFFFFC000  }
0x6a: {  	_ =	swait.ge [sflag:s24], $0x4000  }
0x6b: {  	[sflag:s24] =	ssyncset.done $0x0  }
0x6c: {  	[sflag:s24] =	ssyncadd.s32 $0xFFFFC000  }
0x6d: {  	[spmem:s2] =	stream.indirect.scatter.add.f32 [tilespmem:s22], [sflag:$0x3], $0x80, s28, s19, $0xb8;
	[tilespmem:$0x1E900] =	vst v63  }
0x6e: {  	_ =	swait.ge [sflag:s13], $0x4000  }
0x6f: {  	[sflag:s13] =	ssyncset.done $0x0  }
0x70: {  	[sflag:s13] =	ssyncadd.s32 $0xFFFFC000  }
0x71: {  	[tilespmem:s3], [sflag:$0x3] =	stream.linear.gather [hbm4b:s8+s3], $0x80, $0x38;
	[tilespmem:$0x1E900] =	vst v63  }
0x72: {  	_ =	swait.ge [sflag:s13], $0x80  }
0x73: {  	[sflag:s13] =	ssyncset.done $0x0  }
0x74: {  	[sflag:s13] =	ssyncadd.s32 $0xFFFFFF80  }
0x75: {  	[tilespmem:s21], [sflag:$0x1] =	stream.indirect.gather [hbm4b:s4+s19], $0x80, s3, s19, $0xb8;
	[tilespmem:$0x1E900] =	vst v63  }
0x76: {  	_ =	swait.ge [sflag:s23], $0x4000  }
0x77: {  	[sflag:s23] =	ssyncset.done $0x0  }
0x78: {  	[sflag:s23] =	ssyncadd.s32 $0xFFFFC000  }
0x79: {  	[spmem:s2] =	stream.indirect.scatter.add.f32 [tilespmem:s21], [sflag:$0x3], $0x80, s25, s19, $0xb8;
	[tilespmem:$0x1E900] =	vst v63  }
0x7a: {  	_ =	swait.ge [sflag:s13], $0x4000  }
0x7b: {  	s26 =	sadd.s32 $0x1, s26;
	[sflag:s13] =	ssyncset.done $0x0  }
0x7c: {  	p0 =	sne.s32 s26, s9;
	[sflag:s13] =	ssyncadd.s32 $0xFFFFC000  }
.Ltmp1:
0x7d: {  	[bflag:$0x0] =	sbarrier.arrive $0xFFFF;
	(pc) =	sbr.rel @p0 .LBB2_1-.Ltmp1, $4  }
0x7e: {  	[hbm:s10], [sflag:s6] =	dma.local [spmem:s12], $0x2800  }
0x7f: {  	_ =	swait.ge [sflag:s13], $0x2800  }
0x80: {  	[sflag:s13] =	ssyncset.done $0x0  }
0x81: {  	[sflag:s13] =	ssyncadd.s32 $0xFFFFD800  }
0x82: {  	_ =	sfence.sel $0x180000  }
0x83: {  	[bflag:$0x0] =	sbarrier.arrive $0xFFFF  }
0x84: {  	_ =	strace $0x9000004A  }
0x85: {  	[bflag:$0x2] =	sbarrier.arrive $0xFFFF  }
0x86: {  	p0 =	sne.s32 s1, $0x0;
	s0 =	rddreg [dreg:$0x2]  }
0x87: {  	s0 =	sadd.s32 @!p0 $0x100000, s0  }
0x88: {  	[sflag:s0] =	ssyncadd.tile.s32 @!p0 $0x1;
	_ =	shalt  }
.Lfunc_end2:
_tile_overlayer_lowered:
.L_overlay_start_2:
0x89: {  	(tag) =	ssettag $0x2  }
0x8a: {  	s0 =	rddreg [dreg:$0x0];
	s2 =	stileid.u32  }
0x8b: {  	s1 =	rddreg [dreg:$0x1];
	p0 =	sne.s32 s2, $0x0  }
0x8c: {  	s3 =	rddreg [dreg:$0x2];
	[bflag:$0x3] =	sbarrier.arrive $0xFFFF;
	s2 =	simm.s32 @!p0 $0x1C03  }
0x8d: {  	[timem:s3], [sflag:s2] =	dma.local @!p0 [hbm:s0], s1  }
0x8e: {  	s0 =	simm.s32 @!p0 $0x3  }
0x8f: {  	_ =	swait.ge @!p0 [sflag:s0], s1  }
0x90: {  	s1 =	ssub.s32 @!p0 $0x0, s1;
	[sflag:s0] =	ssyncset.done @!p0 $0x0  }
0x91: {  	[sflag:s0] =	ssyncadd.s32 @!p0 s1  }
0x92: {  	[bflag:$0x3] =	sbarrier.arrive $0xFFFF  }
0x93: {  	_ =	shalt  }

// kernel: kernel.14.cloned.1.call-start
scs
__scs_entry_jumppad:
0x0: {  	(pc) =	sbr.rel $0x88, $3  }
0x1: {  	(tag) =	ssettag $0x0;
	lr =	simm.s32 $0x1  }
0x2: {  	[smem:$0x3F96] =	sst lr;
	_ =	strace $0xD0000000  }
0x3: {  	_ = 	snop  }
0x4: {  	_ = 	snop  }
0x5: {  	_ = 	snop  }
0x6: {  	_ = 	snop  }
0x7: {  	_ = 	snop  }
__scs_overlays_trampoline_lowered:
0x8: {  	[smem:$0x3FA5] =	sst s0  }
0x9: {  	[smem:$0x3FA6] =	sst s1  }
0xa: {  	[smem:$0x3FA7] =	sst s2  }
0xb: {  	[smem:$0x3FA8] =	sst s3  }
0xc: {  	[smem:$0x3FA9] =	sst s4  }
0xd: {  	[smem:$0x3FAA] =	sst s5  }
0xe: {  	[smem:$0x3FAB] =	sst s6  }
0xf: {  	[smem:$0x3FAC] =	sst s7  }
0x10: {  	[smem:$0x3FAD] =	sst s8  }
0x11: {  	[smem:$0x3FAE] =	sst s9;
	s0 =	simm.s32 @!p0 $0x0  }
0x12: {  	s1 =	sld [smem:$0x3F94];
	s0 =	simm.s32 @p0 $0x1  }
0x13: {  	[smem:$0x3FAF] =	sst s0;
	s0 =	simm.s32 @!p1 $0x0  }
0x14: {  	s2 =	sld [smem:$0x3F93];
	s0 =	simm.s32 @p1 $0x1  }
0x15: {  	[smem:$0x3FB0] =	sst s0;
	s0 =	simm.s32 @!p2 $0x0  }
0x16: {  	s3 =	sld [smem:$0x3FDB];
	s0 =	simm.s32 @p2 $0x1  }
0x17: {  	s4 =	simm.s32 $0x1BF5;
	[smem:$0x3FB2] =	sst s0  }
0x18: {  	s0 =	sld [smem:$0x3F95];
	_ =	swait.ge [sflag:s4], $0x0  }
0x19: {  	s7 =	sld [smem:$0x3F96]  }
0x1a: {  	s8 =	sadd.s32 $0xFFFFE003, lr  }
0x1b: {  	s9 =	sadd.s32 $0xFFFFFEF7, lr;
	s5 =	simm.s32 $0xFFFFFFFF;
	p2 =	slt.u32 s8, $0xFFFFF086  }
0x1c: {  	p1 =	slt.u32 s9, $0xF7A;
	s5 =	simm.s32 @!p2 $0x0  }
0x1d: {  	s5 =	simm.s32 @p1 $0x1;
	p0 =	seq.s32 s7, s2  }
0x1e: {  	s7 =	smul.u32 @!p0 $0xF7A, s2;
	p2 =	seq.s32 @!p0 s5, $0x0  }
0x1f: {  	s9 =	smul.u32 $0xF7A, s1;
	s8 =	simm.s32 @!p0 $0x1BF5;
	p2 =	por !p2, p0  }
0x20: {  	[sflag:s8] =	ssyncset.s32 @!p0 $0xFFFFF086;
	s6 =	sadd.s32 @!p0 s3, s7;
	s7 =	simm.s32 @!p0 $0x108  }
0x21: {  	s3 =	sadd.s32 s3, s9;
	s6 =	sadd.s32 @!p0 $0x88, s6;
	s7 =	simm.s32 @p2 $0x1082  }
0x22: {  	[simem:s7], [sflag:s8] =	dma.local @!p0 [hbm:s6], $0xF7A  }
0x23: {  	s9 =	sor.u32 $0xD0000000, s2;
	s6 =	simm.s32 $0x108;
	_ =	swait.ge @!p0 [sflag:s8], $0x0  }
0x24: {  	s3 =	sadd.s32 $0x88, s3;
	s6 =	simm.s32 @!p1 $0x1082;
	[sflag:s4] =	ssyncset.s32 $0xFFFFF086  }
0x25: {  	[simem:s6], [sflag:s4] =	dma.local [hbm:s3], $0xF7A  }
0x26: {  	[smem:$0x3F96] =	sst s1;
	(tag) =	ssettag s2;
	_ =	strace s9  }
0x27: {  	s1 =	sld [smem:$0x3FA6]  }
0x28: {  	s2 =	sld [smem:$0x3FA7]  }
0x29: {  	s4 =	sld [smem:$0x3FA9]  }
0x2a: {  	p0 =	seq.s32 s5, $0x0;
	s5 =	sld [smem:$0x3FAA]  }
0x2b: {  	s6 =	sld [smem:$0x3FAB]  }
0x2c: {  	s7 =	sld [smem:$0x3FAC]  }
0x2d: {  	s3 =	simm.s32 $0x108;
	s8 =	sld [smem:$0x3FAD]  }
0x2e: {  	s3 =	simm.s32 @!p0 $0x1082;
	s9 =	sld [smem:$0x3FAE]  }
0x2f: {  	lr =	sadd.s32 s0, s3;
	s0 =	sld [smem:$0x3FA5]  }
0x30: {  	s3 =	sld [smem:$0x3FA8]  }
0x31: {  	[smem:$0x3FB1] =	sst s10  }
0x32: {  	s10 =	sld [smem:$0x3FAF];
	_ =	sdelay $0x3  }
0x33: {  	p0 =	seq.s32 s10, $0x1;
	s10 =	sld [smem:$0x3FB1];
	_ =	sdelay $0x3  }
0x34: {  	[smem:$0x3FB1] =	sst s10  }
0x35: {  	s10 =	sld [smem:$0x3FB0];
	_ =	sdelay $0x3  }
0x36: {  	p1 =	seq.s32 s10, $0x1;
	s10 =	sld [smem:$0x3FB1];
	_ =	sdelay $0x3  }
0x37: {  	[smem:$0x3FB1] =	sst s10  }
0x38: {  	s10 =	sld [smem:$0x3FB2]  }
0x39: {  	_ = 	snop;
	(pc) =	sbr.ind lr, $3  }
0x3a: {  	_ = 	snop  }
0x3b: {  	_ = 	snop  }
0x3c: {  	p2 =	seq.s32 s10, $0x1;
	s10 =	sld [smem:$0x3FB1]  }
0x3d: {  	_ =	shalt  }
0x3e: {  	_ =	shalt  }
0x3f: {  	_ =	shalt  }
0x40: {  	_ =	shalt  }
0x41: {  	_ =	shalt  }
0x42: {  	_ =	shalt  }
0x43: {  	_ =	shalt  }
0x44: {  	_ =	shalt  }
0x45: {  	_ =	shalt  }
0x46: {  	_ =	shalt  }
0x47: {  	_ =	shalt  }
0x48: {  	_ =	shalt  }
0x49: {  	_ =	shalt  }
0x4a: {  	_ =	shalt  }
0x4b: {  	_ =	shalt  }
0x4c: {  	_ =	shalt  }
0x4d: {  	_ =	shalt  }
0x4e: {  	_ =	shalt  }
0x4f: {  	_ =	shalt  }
0x50: {  	_ =	shalt  }
0x51: {  	_ =	shalt  }
0x52: {  	_ =	shalt  }
0x53: {  	_ =	shalt  }
0x54: {  	_ =	shalt  }
0x55: {  	_ =	shalt  }
0x56: {  	_ =	shalt  }
0x57: {  	_ =	shalt  }
0x58: {  	_ =	shalt  }
0x59: {  	_ =	shalt  }
0x5a: {  	_ =	shalt  }
0x5b: {  	_ =	shalt  }
0x5c: {  	_ =	shalt  }
0x5d: {  	_ =	shalt  }
0x5e: {  	_ =	shalt  }
0x5f: {  	_ =	shalt  }
0x60: {  	_ =	shalt  }
0x61: {  	_ =	shalt  }
0x62: {  	_ =	shalt  }
0x63: {  	_ =	shalt  }
0x64: {  	_ =	shalt  }
0x65: {  	_ =	shalt  }
0x66: {  	_ =	shalt  }
0x67: {  	_ =	shalt  }
0x68: {  	_ =	shalt  }
0x69: {  	_ =	shalt  }
0x6a: {  	_ =	shalt  }
0x6b: {  	_ =	shalt  }
0x6c: {  	_ =	shalt  }
0x6d: {  	_ =	shalt  }
0x6e: {  	_ =	shalt  }
0x6f: {  	_ =	shalt  }
0x70: {  	_ =	shalt  }
0x71: {  	_ =	shalt  }
0x72: {  	_ =	shalt  }
0x73: {  	_ =	shalt  }
0x74: {  	_ =	shalt  }
0x75: {  	_ =	shalt  }
0x76: {  	_ =	shalt  }
0x77: {  	_ =	shalt  }
0x78: {  	_ =	shalt  }
0x79: {  	_ =	shalt  }
0x7a: {  	_ =	shalt  }
0x7b: {  	_ =	shalt  }
0x7c: {  	_ =	shalt  }
0x7d: {  	_ =	shalt  }
0x7e: {  	_ =	shalt  }
0x7f: {  	_ =	shalt  }
0x80: {  	_ =	shalt  }
0x81: {  	_ =	shalt  }
0x82: {  	_ =	shalt  }
0x83: {  	_ =	shalt  }
0x84: {  	_ =	shalt  }
0x85: {  	_ =	shalt  }
0x86: {  	_ =	shalt  }
0x87: {  	_ =	shalt  }
.Lfunc_end0:
.L_simem_size_0:
called_computation.2_lowered:
.L_overlay_start_0:
0x88: {  	s2 =	sld [smem:$0x3FD9]  }
0x89: {  	s3 =	sld [smem:$0x3FFE];
	_ =	sdelay $0x1  }
0x8a: {  	s1 =	srdreg.scid  }
0x8b: {  	s0 =	sand.u32 $0x1, s1  }
0x8c: {  	s17 =	sshll.u32 s0, $0xA;
	s2 =	sadd.s32 s3, s2  }
0x8d: {  	s2 =	sadd.s32 s2, s17  }
0x8e: {  	[smem:$0x3FBD] =	sst s2  }
0x8f: {  	_ = 	snop  }
0x90: {  	s2 =	sld [smem:$0x3FD0];
	(tm) =	ssettm $0x1  }
0x91: {  	s18 =	sld [smem:$0x3FFB];
	_ =	sdelay $0x3  }
0x92: {  	_ =	strace s18  }
0x93: {  	s3 =	sld [smem:$0x3FFC];
	_ =	sdelay $0x3  }
0x94: {  	_ =	strace s3  }
0x95: {  	s3 =	sld [smem:$0x3FFD];
	_ =	sdelay $0x3  }
0x96: {  	_ =	strace s3  }
0x97: {  	_ =	strace $0x8FFFFFFF  }
0x98: {  	s19 =	sld [smem:$0x3FDB];
	_ =	sdelay $0x1  }
0x99: {  	s4 =	simm.s32 $_scs_section_size  }
0x9a: {  	s5 =	simm.s32 $_size__tile_overlayer_lowered;
	s6 =	simm.s32 $_tile_overlayer_lowered  }
0x9b: {  	s22 =	simm.s32 $0x1BFF;
	s21 =	sshll.u32 s6, $0x1;
	s3 =	sadd.s32 s4, s19  }
0x9c: {  	s7 =	simm.s32 $0x0;
	s20 =	sshll.u32 s5, $0x1;
	s5 =	sadd.s32 s21, s3  }
0x9d: {  	[timem:s7], [sflag:s22] =	dma.local [hbm:s5], s20  }
0x9e: {  	_ =	swait.ge [sflag:s22], s20  }
0x9f: {  	s4 =	ssub.s32 $0x0, s20;
	[sflag:s22] =	ssyncset.done $0x0  }
0xa0: {  	[sflag:s22] =	ssyncadd.s32 s4;
	_ =	sdelay $0x1  }
0xa1: {  	s23 =	simm.s32 $0x1B8B  }
0xa2: {  	_ =	swait.ge [sflag:s23], $0x1  }
0xa3: {  	[sflag:s23] =	ssyncset.done $0x0  }
0xa4: {  	s25 =	simm.s32 $0x1B8E;
	s24 =	sld [smem:$0x3FFE];
	[sflag:s23] =	ssyncadd.s32 $0xFFFFFFFF  }
0xa5: {  	s26 =	simm.s32 $execute0_lowered;
	[smem:$0x3FD2] =	sst s25  }
0xa6: {  	s5 =	sshll.u32 s26, $0x1;
	_ =	strace $0x8000004C;
	[dreg:$0x1] =	wrdreg $0xFFFFFFFF  }
0xa7: {  	s28 =	simm.s32 $_size_execute0_lowered;
	s3 =	sadd.s32 s3, s5;
	[dreg:$0x0] =	wrdreg $0x0  }
0xa8: {  	s5 =	sshll.u32 s28, $0x1;
	[dreg:$0x2] =	wrdreg s3  }
0xa9: {  	[dreg:$0x3] =	wrdreg s5  }
0xaa: {  	[dreg:$0x4] =	wrdreg $0xC0  }
0xab: {  	_ =	task [dreg:s7], $0x5FFFF  }
0xac: {  	[dreg:$0x1] =	wrdreg $0xFFFFFFFF  }
0xad: {  	[dreg:$0x0] =	wrdreg $0x60  }
0xae: {  	[dreg:$0x2] =	wrdreg s24  }
0xaf: {  	[dreg:$0x3] =	wrdreg s2  }
0xb0: {  	[dreg:$0x4] =	wrdreg $0x9  }
0xb1: {  	_ =	task.clear_ibuf [dreg:s7], $0x5FFFF;
	_ =	strace $0x9000004C  }
0xb2: {  	s29 =	simm.s32 $0x9;
	_ =	strace $0x8000004E  }
0xb3: {  	_ =	swait.ge [sflag:s29], $0x1  }
0xb4: {  	[sflag:s29] =	ssyncadd.s32 $0xFFFFFFFF  }
0xb5: {  	_ =	strace $0x9000004E  }
0xb6: {  	_ =	sfence  }
0xb7: {  	s30 =	sld [smem:$0x0];
	_ =	sdelay $0x2  }
0xb8: {  	s31 =	sshll.u32 s1, $0xD;
	s1 =	sshrl.u32 s1, $0x2  }
0xb9: {  	s3 =	sand.u32 $0x4000, s31;
	s1 =	sadd.s32 s1, s30  }
0xba: {  	s0 =	sor.u32 s3, s0;
	s1 =	sshll.u32 s1, $0x11  }
0xbb: {  	s0 =	sor.u32 s1, s0  }
0xbc: {  	s0 =	sadd.s32 $0x8F2B, s0  }
0xbd: {  	[sflag:s0] =	ssyncadd.remote.s32 $0x1  }
0xbe: {  	_ =	sfence.sel $0xFFFF  }
0xbf: {  	[dreg:$0x0] =	wrdreg $0xFFFFFFFF;
	(pc) =	sbr.abs _section_cstart, $3  }
0xc0: {  	[dreg:$0x1] =	wrdreg $0xFFFFFFFF  }
0xc1: {  	_ =	task.clear_ibuf [dreg:s7], $0x2FFFF;
	_ =	strace $0x9FFFFFFF  }
0xc2: {  	(tm) =	ssettm $0x7FFFFFFF  }
0xc3: {  	_ =	shalt  }
tec
execute0_lowered:
.L_overlay_start_1:
0x0: {  	(tag) =	ssettag $0x1  }
0x1: {  	s0 =	rddreg [dreg:$0x0]  }
0x2: {  	s1 =	rddreg [dreg:$0x1];
	s2 =	simm.s32 $0x0;
	s5 =	srdreg.scid  }
0x3: {  	s20 =	stileid.u32;
	[smem:$0x7FF] =	sst s2;
	s3 =	sadd.s32 $0x54200, s0  }
0x4: {  	s4 =	sadd.s32 $0x2C200, s0;
	s7 =	sand.u32 $0x1, s5;
	s6 =	sadd.s32 $0x4E00, s0  }
0x5: {  	s15 =	sadd.s32 $0x4600, s0;
	s0 =	sadd.s32 $0x5000, s0;
	s21 =	sshll.u32 s20, $0x3  }
0x6: {  	s14 =	sshll.u32 s20, $0xA;
	_ =	strace $0x8000004D;
	s8 =	ssub.s32 $0x2, s7  }
0x7: {  	s22 =	sshll.u32 s7, $0x2;
	s23 =	sshll.u32 s7, $0x9;
	s9 =	sshrl.u32 s8, $0x1  }
0x8: {  	s7 =	sand.u32 $0x70, s21;
	s13 =	sor.u32 s22, s21;
	s16 =	ssub.s32 s8, s9  }
0x9: {  	s24 =	sor.u32 $0x1, s13;
	s9 =	sor.u32 s23, s14;
	s17 =	sand.u32 $0xC, s13  }
0xa: {  	s11 =	sor.u32 $0x2, s13;
	s20 =	sor.u32 $0x3, s13;
	s23 =	sadd.s32 $0x4, s13  }
0xb: {  	s9 =	sshrl.u32 s9, $0x3;
	s10 =	sshll.u32 s24, $0x7;
	s18 =	sand.u32 $0xD, s24  }
0xc: {  	s19 =	sand.u32 $0xE, s11;
	s11 =	sshll.u32 s11, $0x7;
	s26 =	sshll.u32 s20, $0x7  }
0xd: {  	s20 =	sand.u32 $0xF, s20;
	s28 =	sshll.u32 s23, $0x2;
	s30 =	sand.u32 $0xC, s23  }
0xe: {  	v0 =	vmov s17;
	s16 =	smax.u32 s16, $0x1;
	s17 =	simm.s32 $0x1;
	s23 =	simm.s32 $0x0  }
0xf: {  	s8 =	sadd.s32 s0, s9;
	s10 =	sand.u32 $0x280, s10;
	s9 =	sadd.s32 s15, s9  }
0x10: {  	s21 =	sand.u32 $0x300, s11;
	v1 =	vmov s18;
	s31 =	sand.u32 $0x3C0, s28;
	s18 =	simm.s32 $0x100  }
0x11: {  	v2 =	vmov s19;
	v3 =	vmov s20;
	s19 =	simm.s32 $0x4200;
	s20 =	simm.s32 $0x180;
	s10 =	sor.u32 s14, s10  }
.Ltmp0:
0x12: {  	s25 =	sor.u32 s14, s21;
	s21 =	sand.u32 $0x380, s26;
	(pc) =	sbr.rel .LBB2_1-.Ltmp0, $4  }
0x13: {  	s12 =	sshrl.u32 s10, $0x3;
	s22 =	sshrl.u32 s25, $0x3;
	s14 =	sor.u32 s14, s21  }
0x14: {  	v4 =	vlaneseq.u32;
	s21 =	simm.s32 $0x4180;
	s10 =	sadd.s32 s0, s12;
	s11 =	sadd.s32 s15, s12  }
0x15: {  	v5 =	vmov s30;
	vm1 =	veq.s32 v0, v4;
	vm0 =	veq.s32 v1, v4;
	s12 =	sadd.s32 s0, s22;
	s13 =	sadd.s32 s15, s22;
	s29 =	sshrl.u32 s14, $0x3  }
0x16: {  	vm2 =	veq.s32 v2, v4;
	vm3 =	veq.s32 v3, v4;
	vm4 =	veq.s32 v5, v4;
	s22 =	sshrl.u32 s31, $0x2;
	s14 =	sadd.s32 s0, s29;
	s15 =	sadd.s32 s15, s29  }
.LBB2_21:
0x17: {  	[tilespmem:$0x4180] =	vst v0  }
0x18: {  	[tilespmem:$0x4190] =	vst v6  }
0x19: {  	[tilespmem:$0x41A0] =	vst v7  }
0x1a: {  	[tilespmem:$0x41B0] =	vst v5  }
0x1b: {  	[tilespmem:$0x41C0] =	vst v3  }
0x1c: {  	[tilespmem:$0x41D0] =	vst v4;
	s23 =	sadd.s32 $0x1, s23  }
0x1d: {  	[tilespmem:$0x41E0] =	vst v2;
	p0 =	sne.s32 s23, s16  }
.Ltmp1:
0x1e: {  	[tilespmem:$0x41F0] =	vst v1;
	(pc) =	sbr.rel @!p0 .LBB2_22-.Ltmp1, $4  }
0x1f: {  	[hbm4b:s15+s2] =	stream.linear.scatter [tilespmem:s21], [sflag:$0x1], $0x80, $0x38;
	[tilespmem:$0x4280] =	vst v63  }
0x20: {  	_ =	swait.ge [sflag:s17], $0x80  }
0x21: {  	[sflag:s17] =	ssyncset.done $0x0  }
0x22: {  	[sflag:s17] =	ssyncadd.s32 $0xFFFFFF80  }
.LBB2_1:
0x23: {  	[tilespmem:s2], [sflag:$0x1] =	stream.linear.gather [hbm4b:s1+s2], $0x100, $0x38;
	[tilespmem:$0x4280] =	vst v63  }
0x24: {  	_ =	swait.ge [sflag:s17], $0x100  }
0x25: {  	[sflag:s17] =	ssyncset.done $0x0  }
0x26: {  	[sflag:s17] =	ssyncadd.s32 $0xFFFFFF00  }
0x27: {  	[tilespmem:s18], [sflag:$0x1] =	stream.linear.gather [hbm4b:s6+s2], $0x80, $0x38;
	[tilespmem:$0x4280] =	vst v63  }
0x28: {  	_ =	swait.ge [sflag:s17], $0x80  }
0x29: {  	[sflag:s17] =	ssyncset.done $0x0  }
0x2a: {  	[sflag:s17] =	ssyncadd.s32 $0xFFFFFF80  }
0x2b: {  	v0 =	vld [tilespmem:s7+$0x0];
	_ =	sdelay $0x1  }
0x2c: {  	v1 =	vld [tilespmem:s7+$0x100];
	_ =	sdelay $0x2  }
0x2d: {  	v0 =	vxor.u32 $0x80000000, v0  }
0x2e: {  	v2 =	vnsel vm1, $0x7FFFFFFF, v0  }
0x2f: {  	v1 =	vxor.u32 $0x80000000, v1;
	v0 =	vnsel vm0, $0x7FFFFFFF, v0;
	(xrf0) =	vmax.scan.msk.u32 $0xffff, v2  }
0x30: {  	(xrf0) =	vmax.scan.msk.u32 $0xffff, v0;
	v0 =	vnsel vm1, $0x7FFFFFFF, v1  }
0x31: {  	(xrf0) =	vmax.scan.msk.u32 $0xffff, v0;
	_ =	sdelay $0x3  }
0x32: {  	v0, _, _ =	vpop (xrf0)  }
0x33: {  	v1, _, _ =	vpop (xrf0);
	(v2sf) =	vpush v0, $0xF  }
0x34: {  	(v2sf) =	vpush v1, $0xF;
	v0, _, _ =	vpop (xrf0)  }
0x35: {  	(v2sf) =	vpush v0, $0xF;
	_ =	sdelay $0xc  }
0x36: {  	s0 =	spop (v2sf)  }
0x37: {  	s26 =	spop (v2sf)  }
0x38: {  	s24 =	spop (v2sf)  }
0x39: {  	s24 =	sshll.u32 s24, $0x4  }
0x3a: {  	s24 =	sand.u32 $0x1FFFFFF0, s24  }
0x3b: {  	s24 =	sadd.s32 s4, s24  }
0x3c: {  	[tilespmem:s19], [sflag:$0x1] =	stream.linear.gather [hbm4b:s24+s2], $0x80, $0x38;
	[tilespmem:$0x4280] =	vst v63  }
0x3d: {  	s24 =	sxor.u32 $0x80000000, s0  }
0x3e: {  	p1 =	sgt.s32 s0, $0xFFFFFFFF;
	s0 =	sand.u32 $0x7F, s0;
	p0 =	slt.s32 s24, $0x1  }
0x3f: {  	s25 =	sshra.s32 s24, $0x1F;
	p6 =	sne.s32 s0, $0x0;
	p0 =	por p1, p0  }
0x40: {  	s31 =	sshrl.u32 s25, $0x19;
	p0 =	por !p6, !p0  }
0x41: {  	s25 =	simm.s32 $0x1;
	s0 =	sadd.s32 s31, s24;
	p0 =	por !p0, !p0  }
0x42: {  	s0 =	sshra.s32 s0, $0x7;
	s25 =	simm.s32 @!p0 $0x0  }
0x43: {  	s25 =	ssub.s32 s0, s25  }
0x44: {  	s26 =	sxor.u32 $0x80000000, s26;
	_ =	swait.ge [sflag:s17], $0x80;
	s28 =	sshll.u32 s25, $0x7  }
0x45: {  	[sflag:s17] =	ssyncset.done $0x0;
	p1 =	sge.s32 s28, s26  }
.Ltmp2:
0x46: {  	[sflag:s17] =	ssyncadd.s32 $0xFFFFFF80;
	(pc) =	sbr.rel @p1 .LBB2_6-.Ltmp2, $4  }
0x47: {  	[hbm4b:s8+s2] =	stream.linear.scatter [tilespmem:s19], [sflag:$0x1], $0x80, $0x38;
	[tilespmem:$0x4280] =	vst v63  }
0x48: {  	v7 =	vimm.f32 $-Inf;
	v6 =	vimm.f32 $-Inf;
	v8 =	vimm.f32 $-Inf;
	_ =	swait.ge [sflag:s17], $0x80  }
0x49: {  	v5 =	vimm.f32 $-Inf;
	v3 =	vimm.f32 $-Inf;
	v4 =	vimm.f32 $-Inf;
	[sflag:s17] =	ssyncset.done $0x0  }
0x4a: {  	v2 =	vimm.f32 $-Inf;
	v1 =	vimm.f32 $-Inf;
	v0 =	vimm.f32 $-Inf;
	[sflag:s17] =	ssyncadd.s32 $0xFFFFFF80  }
0x4b: {  	s28 =	simm.s32 $0xFFFFFFFF  }
0x4c: {  	v1 =	vimm.f32 $-Inf;
	v2 =	vimm.f32 $-Inf;
	s28 =	simm.s32 @!p0 $0x0  }
0x4d: {  	s0 =	sshll.u32 s0, $0x7;
	v4 =	vimm.f32 $-Inf;
	v3 =	vimm.f32 $-Inf;
	v5 =	vimm.f32 $-Inf;
	s28 =	sshll.u32 s28, $0x7  }
0x4e: {  	s29 =	simm.s32 $0x0;
	v8 =	vimm.f32 $-Inf;
	v6 =	vimm.f32 $-Inf;
	v7 =	vimm.f32 $-Inf;
	s30 =	simm.s32 $0x0;
	s28 =	sadd.s32 s28, s0  }
.LBB2_3:
0x4f: {  	s0 =	sadd.s32 s25, s30  }
0x50: {  	s0 =	sshll.u32 s0, $0xB  }
0x51: {  	s0 =	sand.u32 $0x1FFFF800, s0  }
0x52: {  	s0 =	sadd.s32 s3, s0  }
0x53: {  	[tilespmem:s20], [sflag:$0x1] =	stream.linear.gather [hbm4b:s0+s29], $0x4000, $0x38;
	[tilespmem:$0x4280] =	vst v63  }
0x54: {  	_ =	swait.ge [sflag:s17], $0x4000  }
0x55: {  	[sflag:s17] =	ssyncset.done $0x0  }
0x56: {  	s5 =	simm.s32 $0x1C0;
	[sflag:s17] =	ssyncadd.s32 $0xFFFFC000  }
0x57: {  	v12 =	vld [tilespmem:s5+$0xFFFFFFC0]  }
0x58: {  	v13 =	vld [tilespmem:s5+$0xFFFFFFD0]  }
0x59: {  	v9 =	vld [tilespmem:s5+$0xFFFFFFE0]  }
0x5a: {  	v11 =	vld [tilespmem:s5+$0xFFFFFFF0]  }
0x5b: {  	v14 =	vld [tilespmem:s5+$0x0]  }
0x5c: {  	s31 =	sadd.s32 $0x0, s28;
	v10 =	vld [tilespmem:s5+$0x10]  }
0x5d: {  	p0 =	sge.s32 s31, s24;
	p1 =	slt.s32 s31, s26;
	v15 =	vld [tilespmem:s5+$0x20]  }
0x5e: {  	s31 =	simm.s32 $0x240;
	p1 =	por !p0, !p1;
	s0 =	simm.s32 $0x1;
	v16 =	vld [tilespmem:s5+$0x30]  }
.LBB2_4:
0x5f: {  	p0 =	sne.s32 s0, $0x7F;
	p1 =	por !p1, !p1;
	v17 =	vmax.f32 v7, v12;
	v12 =	vld [tilespmem:s31+$0xFFFFFFC0];
	v18 =	vmax.f32 v6, v13  }
0x60: {  	v13 =	vld [tilespmem:s31+$0xFFFFFFD0];
	v7 =	vpsel p1, v17, v7;
	v6 =	vpsel p1, v18, v6  }
0x61: {  	v17 =	vmax.f32 v8, v9;
	v18 =	vmax.f32 v5, v11;
	v14 =	vmax.f32 v3, v14;
	v9 =	vld [tilespmem:s31+$0xFFFFFFE0]  }
.Ltmp3:
0x62: {  	v8 =	vpsel p1, v17, v8;
	v5 =	vpsel p1, v18, v5;
	v3 =	vpsel p1, v14, v3;
	v11 =	vld [tilespmem:s31+$0xFFFFFFF0];
	(pc) =	sbr.rel @p0 .LBB2_4-.Ltmp3, $4  }
0x63: {  	v17 =	vmax.f32 v4, v10;
	v15 =	vmax.f32 v2, v15;
	v14 =	vld [tilespmem:s31+$0x0];
	v16 =	vmax.f32 v1, v16  }
0x64: {  	s5 =	sadd.s32 s0, s28;
	v4 =	vpsel p1, v17, v4;
	v2 =	vpsel p1, v15, v2;
	v10 =	vld [tilespmem:s31+$0x10];
	v1 =	vpsel p1, v16, v1  }
0x65: {  	p2 =	slt.s32 s5, s26;
	p1 =	sge.s32 s5, s24;
	v15 =	vld [tilespmem:s31+$0x20]  }
0x66: {  	s0 =	sadd.s32 $0x1, s0;
	p1 =	por !p1, !p2;
	v16 =	vld [tilespmem:s31+$0x30];
	s31 =	sadd.s32 $0x80, s31  }
0x67: {  	s30 =	sadd.s32 $0x1, s30  }
0x68: {  	s0 =	sadd.s32 s30, s25  }
0x69: {  	s0 =	sshll.u32 s0, $0x7  }
0x6a: {  	p0 =	por !p1, !p1;
	v12 =	vmax.f32 v7, v12;
	p1 =	slt.s32 s0, s26  }
.Ltmp4:
0x6b: {  	v13 =	vmax.f32 v6, v13;
	v9 =	vmax.f32 v8, v9;
	v11 =	vmax.f32 v5, v11;
	(pc) =	sbr.rel @p1 .LBB2_3-.Ltmp4, $4  }
0x6c: {  	v7 =	vpsel p0, v12, v7;
	v6 =	vpsel p0, v13, v6;
	v63 =	vmax.f32 v3, v14  }
0x6d: {  	v8 =	vpsel p0, v9, v8;
	v5 =	vpsel p0, v11, v5;
	v3 =	vpsel p0, v63, v3  }
0x6e: {  	v9 =	vmax.f32 v4, v10;
	v10 =	vmax.f32 v2, v15;
	v11 =	vmax.f32 v1, v16  }
0x6f: {  	s28 =	sadd.s32 $0x80, s28;
	v4 =	vpsel p0, v9, v4;
	v2 =	vpsel p0, v10, v2;
	v1 =	vpsel p0, v11, v1  }
.LBB2_6:
0x70: {  	[tilespmem:$0x4180] =	vst v7  }
0x71: {  	[tilespmem:$0x4190] =	vst v6  }
0x72: {  	[tilespmem:$0x41A0] =	vst v8  }
0x73: {  	[tilespmem:$0x41B0] =	vst v5  }
0x74: {  	[tilespmem:$0x41C0] =	vst v3  }
0x75: {  	[tilespmem:$0x41D0] =	vst v4  }
0x76: {  	[tilespmem:$0x41E0] =	vst v2  }
0x77: {  	[tilespmem:$0x41F0] =	vst v1  }
0x78: {  	[hbm4b:s9+s2] =	stream.linear.scatter [tilespmem:s21], [sflag:$0x1], $0x80, $0x38;
	[tilespmem:$0x4280] =	vst v63  }
0x79: {  	_ =	swait.ge [sflag:s17], $0x80  }
0x7a: {  	[sflag:s17] =	ssyncset.done $0x0  }
0x7b: {  	[sflag:s17] =	ssyncadd.s32 $0xFFFFFF80  }
0x7c: {  	v1 =	vld [tilespmem:s7+$0x0];
	_ =	sdelay $0x1  }
0x7d: {  	v2 =	vld [tilespmem:s7+$0x100];
	_ =	sdelay $0x2  }
0x7e: {  	v1 =	vxor.u32 $0x80000000, v1  }
0x7f: {  	v3 =	vnsel vm0, $0x7FFFFFFF, v1  }
0x80: {  	v2 =	vxor.u32 $0x80000000, v2;
	v1 =	vnsel vm2, $0x7FFFFFFF, v1;
	(xrf0) =	vmax.scan.msk.u32 $0xffff, v3  }
0x81: {  	(xrf0) =	vmax.scan.msk.u32 $0xffff, v1;
	v1 =	vnsel vm0, $0x7FFFFFFF, v2  }
0x82: {  	(xrf0) =	vmax.scan.msk.u32 $0xffff, v1;
	_ =	sdelay $0x3  }
0x83: {  	v1, _, _ =	vpop (xrf0)  }
0x84: {  	v2, _, _ =	vpop (xrf0);
	(v2sf) =	vpush v1, $0xF  }
0x85: {  	(v2sf) =	vpush v2, $0xF;
	v1, _, _ =	vpop (xrf0)  }
0x86: {  	(v2sf) =	vpush v1, $0xF;
	_ =	sdelay $0xc  }
0x87: {  	s0 =	spop (v2sf)  }
0x88: {  	s5 =	spop (v2sf)  }
0x89: {  	s24 =	spop (v2sf)  }
0x8a: {  	s24 =	sshll.u32 s24, $0x4  }
0x8b: {  	s24 =	sand.u32 $0x1FFFFFF0, s24  }
0x8c: {  	s24 =	sadd.s32 s4, s24  }
0x8d: {  	[tilespmem:s19], [sflag:$0x1] =	stream.linear.gather [hbm4b:s24+s2], $0x80, $0x38;
	[tilespmem:$0x4280] =	vst v63  }
0x8e: {  	s24 =	sxor.u32 $0x80000000, s0  }
0x8f: {  	p1 =	sgt.s32 s0, $0xFFFFFFFF;
	s0 =	sand.u32 $0x7F, s0;
	p0 =	slt.s32 s24, $0x1  }
0x90: {  	s25 =	sshra.s32 s24, $0x1F;
	p6 =	sne.s32 s0, $0x0;
	p0 =	por p1, p0  }
0x91: {  	s30 =	sshrl.u32 s25, $0x19;
	p0 =	por !p6, !p0  }
0x92: {  	s25 =	simm.s32 $0x1;
	s0 =	sadd.s32 s30, s24;
	p0 =	por !p0, !p0  }
0x93: {  	s0 =	sshra.s32 s0, $0x7;
	s25 =	simm.s32 @!p0 $0x0  }
0x94: {  	s25 =	ssub.s32 s0, s25  }
0x95: {  	s26 =	sxor.u32 $0x80000000, s5;
	_ =	swait.ge [sflag:s17], $0x80;
	s31 =	sshll.u32 s25, $0x7  }
0x96: {  	[sflag:s17] =	ssyncset.done $0x0;
	p1 =	sge.s32 s31, s26  }
.Ltmp5:
0x97: {  	[sflag:s17] =	ssyncadd.s32 $0xFFFFFF80;
	(pc) =	sbr.rel @p1 .LBB2_11-.Ltmp5, $4  }
0x98: {  	[hbm4b:s10+s2] =	stream.linear.scatter [tilespmem:s19], [sflag:$0x1], $0x80, $0x38;
	[tilespmem:$0x4280] =	vst v63  }
0x99: {  	v6 =	vimm.f32 $-Inf;
	_ =	swait.ge [sflag:s17], $0x80  }
0x9a: {  	v7 =	vimm.f32 $-Inf;
	v5 =	vimm.f32 $-Inf;
	v4 =	vimm.f32 $-Inf;
	[sflag:s17] =	ssyncset.done $0x0  }
0x9b: {  	v3 =	vimm.f32 $-Inf;
	v2 =	vimm.f32 $-Inf;
	v1 =	vimm.f32 $-Inf;
	[sflag:s17] =	ssyncadd.s32 $0xFFFFFF80  }
0x9c: {  	s5 =	simm.s32 $0xFFFFFFFF  }
0x9d: {  	v1 =	vimm.f32 $-Inf;
	v2 =	vimm.f32 $-Inf;
	s5 =	simm.s32 @!p0 $0x0  }
0x9e: {  	s0 =	sshll.u32 s0, $0x7;
	v4 =	vimm.f32 $-Inf;
	v3 =	vimm.f32 $-Inf;
	v5 =	vimm.f32 $-Inf;
	s5 =	sshll.u32 s5, $0x7  }
0x9f: {  	s29 =	simm.s32 $0x0;
	v7 =	vimm.f32 $-Inf;
	v6 =	vimm.f32 $-Inf;
	v0 =	vimm.f32 $-Inf;
	s30 =	simm.s32 $0x0;
	s28 =	sadd.s32 s5, s0  }
.LBB2_8:
0xa0: {  	s0 =	sadd.s32 s25, s30  }
0xa1: {  	s0 =	sshll.u32 s0, $0xB  }
0xa2: {  	s0 =	sand.u32 $0x1FFFF800, s0  }
0xa3: {  	s0 =	sadd.s32 s3, s0  }
0xa4: {  	[tilespmem:s20], [sflag:$0x1] =	stream.linear.gather [hbm4b:s0+s29], $0x4000, $0x38;
	[tilespmem:$0x4280] =	vst v63  }
0xa5: {  	_ =	swait.ge [sflag:s17], $0x4000  }
0xa6: {  	[sflag:s17] =	ssyncset.done $0x0  }
0xa7: {  	s0 =	simm.s32 $0x1C0;
	[sflag:s17] =	ssyncadd.s32 $0xFFFFC000  }
0xa8: {  	v11 =	vld [tilespmem:s0+$0xFFFFFFC0]  }
0xa9: {  	v12 =	vld [tilespmem:s0+$0xFFFFFFD0]  }
0xaa: {  	v8 =	vld [tilespmem:s0+$0xFFFFFFE0]  }
0xab: {  	v10 =	vld [tilespmem:s0+$0xFFFFFFF0]  }
0xac: {  	v13 =	vld [tilespmem:s0+$0x0]  }
0xad: {  	s5 =	sadd.s32 $0x0, s28;
	v9 =	vld [tilespmem:s0+$0x10]  }
0xae: {  	p0 =	sge.s32 s5, s24;
	p1 =	slt.s32 s5, s26;
	v14 =	vld [tilespmem:s0+$0x20]  }
0xaf: {  	s31 =	simm.s32 $0x240;
	p1 =	por !p0, !p1;
	v15 =	vld [tilespmem:s0+$0x30];
	s0 =	simm.s32 $0x1  }
.LBB2_9:
0xb0: {  	p0 =	sne.s32 s0, $0x7F;
	p1 =	por !p1, !p1;
	v16 =	vmax.f32 v0, v11;
	v11 =	vld [tilespmem:s31+$0xFFFFFFC0];
	v17 =	vmax.f32 v6, v12  }
0xb1: {  	v12 =	vld [tilespmem:s31+$0xFFFFFFD0];
	v0 =	vpsel p1, v16, v0;
	v6 =	vpsel p1, v17, v6  }
0xb2: {  	v16 =	vmax.f32 v7, v8;
	v17 =	vmax.f32 v5, v10;
	v13 =	vmax.f32 v3, v13;
	v8 =	vld [tilespmem:s31+$0xFFFFFFE0]  }
.Ltmp6:
0xb3: {  	v7 =	vpsel p1, v16, v7;
	v5 =	vpsel p1, v17, v5;
	v3 =	vpsel p1, v13, v3;
	v10 =	vld [tilespmem:s31+$0xFFFFFFF0];
	(pc) =	sbr.rel @p0 .LBB2_9-.Ltmp6, $4  }
0xb4: {  	v16 =	vmax.f32 v4, v9;
	v14 =	vmax.f32 v2, v14;
	v13 =	vld [tilespmem:s31+$0x0];
	v15 =	vmax.f32 v1, v15  }
0xb5: {  	s5 =	sadd.s32 s0, s28;
	v4 =	vpsel p1, v16, v4;
	v2 =	vpsel p1, v14, v2;
	v9 =	vld [tilespmem:s31+$0x10];
	v1 =	vpsel p1, v15, v1  }
0xb6: {  	p2 =	slt.s32 s5, s26;
	p1 =	sge.s32 s5, s24;
	v14 =	vld [tilespmem:s31+$0x20]  }
0xb7: {  	s0 =	sadd.s32 $0x1, s0;
	p1 =	por !p1, !p2;
	v15 =	vld [tilespmem:s31+$0x30];
	s31 =	sadd.s32 $0x80, s31  }
0xb8: {  	s30 =	sadd.s32 $0x1, s30  }
0xb9: {  	s0 =	sadd.s32 s30, s25  }
0xba: {  	s0 =	sshll.u32 s0, $0x7  }
0xbb: {  	p0 =	por !p1, !p1;
	v11 =	vmax.f32 v0, v11;
	p1 =	slt.s32 s0, s26  }
.Ltmp7:
0xbc: {  	v12 =	vmax.f32 v6, v12;
	v8 =	vmax.f32 v7, v8;
	v10 =	vmax.f32 v5, v10;
	(pc) =	sbr.rel @p1 .LBB2_8-.Ltmp7, $4  }
0xbd: {  	v0 =	vpsel p0, v11, v0;
	v6 =	vpsel p0, v12, v6;
	v61 =	vmax.f32 v3, v13  }
0xbe: {  	v7 =	vpsel p0, v8, v7;
	v5 =	vpsel p0, v10, v5;
	v3 =	vpsel p0, v61, v3  }
0xbf: {  	v8 =	vmax.f32 v4, v9;
	v62 =	vmax.f32 v2, v14;
	v63 =	vmax.f32 v1, v15  }
0xc0: {  	s28 =	sadd.s32 $0x80, s28;
	v4 =	vpsel p0, v8, v4;
	v2 =	vpsel p0, v62, v2;
	v1 =	vpsel p0, v63, v1  }
.LBB2_11:
0xc1: {  	[tilespmem:$0x4180] =	vst v0  }
0xc2: {  	[tilespmem:$0x4190] =	vst v6  }
0xc3: {  	[tilespmem:$0x41A0] =	vst v7  }
0xc4: {  	[tilespmem:$0x41B0] =	vst v5  }
0xc5: {  	[tilespmem:$0x41C0] =	vst v3  }
0xc6: {  	[tilespmem:$0x41D0] =	vst v4  }
0xc7: {  	[tilespmem:$0x41E0] =	vst v2  }
0xc8: {  	[tilespmem:$0x41F0] =	vst v1  }
0xc9: {  	[hbm4b:s11+s2] =	stream.linear.scatter [tilespmem:s21], [sflag:$0x1], $0x80, $0x38;
	[tilespmem:$0x4280] =	vst v63  }
0xca: {  	_ =	swait.ge [sflag:s17], $0x80  }
0xcb: {  	[sflag:s17] =	ssyncset.done $0x0  }
0xcc: {  	[sflag:s17] =	ssyncadd.s32 $0xFFFFFF80  }
0xcd: {  	v0 =	vld [tilespmem:s7+$0x0];
	_ =	sdelay $0x1  }
0xce: {  	v1 =	vld [tilespmem:s7+$0x100];
	_ =	sdelay $0x2  }
0xcf: {  	v0 =	vxor.u32 $0x80000000, v0  }
0xd0: {  	v2 =	vnsel vm2, $0x7FFFFFFF, v0  }
0xd1: {  	v1 =	vxor.u32 $0x80000000, v1;
	v0 =	vnsel vm3, $0x7FFFFFFF, v0;
	(xrf0) =	vmax.scan.msk.u32 $0xffff, v2  }
0xd2: {  	(xrf0) =	vmax.scan.msk.u32 $0xffff, v0;
	v0 =	vnsel vm2, $0x7FFFFFFF, v1  }
0xd3: {  	(xrf0) =	vmax.scan.msk.u32 $0xffff, v0;
	_ =	sdelay $0x3  }
0xd4: {  	v0, _, _ =	vpop (xrf0)  }
0xd5: {  	v1, _, _ =	vpop (xrf0);
	(v2sf) =	vpush v0, $0xF  }
0xd6: {  	(v2sf) =	vpush v1, $0xF;
	v0, _, _ =	vpop (xrf0)  }
0xd7: {  	(v2sf) =	vpush v0, $0xF;
	_ =	sdelay $0xc  }
0xd8: {  	s0 =	spop (v2sf)  }
0xd9: {  	s5 =	spop (v2sf)  }
0xda: {  	s24 =	spop (v2sf)  }
0xdb: {  	s24 =	sshll.u32 s24, $0x4  }
0xdc: {  	s24 =	sand.u32 $0x1FFFFFF0, s24  }
0xdd: {  	s24 =	sadd.s32 s4, s24  }
0xde: {  	[tilespmem:s19], [sflag:$0x1] =	stream.linear.gather [hbm4b:s24+s2], $0x80, $0x38;
	[tilespmem:$0x4280] =	vst v63  }
0xdf: {  	s24 =	sxor.u32 $0x80000000, s0  }
0xe0: {  	p1 =	sgt.s32 s0, $0xFFFFFFFF;
	s0 =	sand.u32 $0x7F, s0;
	p0 =	slt.s32 s24, $0x1  }
0xe1: {  	s25 =	sshra.s32 s24, $0x1F;
	p6 =	sne.s32 s0, $0x0;
	p0 =	por p1, p0  }
0xe2: {  	s30 =	sshrl.u32 s25, $0x19;
	p0 =	por !p6, !p0  }
0xe3: {  	s25 =	simm.s32 $0x1;
	s0 =	sadd.s32 s30, s24;
	p0 =	por !p0, !p0  }
0xe4: {  	s0 =	sshra.s32 s0, $0x7;
	s25 =	simm.s32 @!p0 $0x0  }
0xe5: {  	s25 =	ssub.s32 s0, s25  }
0xe6: {  	s26 =	sxor.u32 $0x80000000, s5;
	_ =	swait.ge [sflag:s17], $0x80;
	s31 =	sshll.u32 s25, $0x7  }
0xe7: {  	[sflag:s17] =	ssyncset.done $0x0;
	p1 =	sge.s32 s31, s26  }
.Ltmp8:
0xe8: {  	[sflag:s17] =	ssyncadd.s32 $0xFFFFFF80;
	(pc) =	sbr.rel @p1 .LBB2_16-.Ltmp8, $4  }
0xe9: {  	[hbm4b:s12+s2] =	stream.linear.scatter [tilespmem:s19], [sflag:$0x1], $0x80, $0x38;
	[tilespmem:$0x4280] =	vst v63  }
0xea: {  	v7 =	vimm.f32 $-Inf;
	v6 =	vimm.f32 $-Inf;
	v8 =	vimm.f32 $-Inf;
	_ =	swait.ge [sflag:s17], $0x80  }
0xeb: {  	v5 =	vimm.f32 $-Inf;
	v3 =	vimm.f32 $-Inf;
	v4 =	vimm.f32 $-Inf;
	[sflag:s17] =	ssyncset.done $0x0  }
0xec: {  	v2 =	vimm.f32 $-Inf;
	v1 =	vimm.f32 $-Inf;
	v0 =	vimm.f32 $-Inf;
	[sflag:s17] =	ssyncadd.s32 $0xFFFFFF80  }
0xed: {  	s5 =	simm.s32 $0xFFFFFFFF  }
0xee: {  	v1 =	vimm.f32 $-Inf;
	v2 =	vimm.f32 $-Inf;
	s5 =	simm.s32 @!p0 $0x0  }
0xef: {  	s0 =	sshll.u32 s0, $0x7;
	v4 =	vimm.f32 $-Inf;
	v3 =	vimm.f32 $-Inf;
	v5 =	vimm.f32 $-Inf;
	s5 =	sshll.u32 s5, $0x7  }
0xf0: {  	s29 =	simm.s32 $0x0;
	v8 =	vimm.f32 $-Inf;
	v6 =	vimm.f32 $-Inf;
	v7 =	vimm.f32 $-Inf;
	s30 =	simm.s32 $0x0;
	s28 =	sadd.s32 s5, s0  }
.LBB2_13:
0xf1: {  	s0 =	sadd.s32 s25, s30  }
0xf2: {  	s0 =	sshll.u32 s0, $0xB  }
0xf3: {  	s0 =	sand.u32 $0x1FFFF800, s0  }
0xf4: {  	s0 =	sadd.s32 s3, s0  }
0xf5: {  	[tilespmem:s20], [sflag:$0x1] =	stream.linear.gather [hbm4b:s0+s29], $0x4000, $0x38;
	[tilespmem:$0x4280] =	vst v63  }
0xf6: {  	_ =	swait.ge [sflag:s17], $0x4000  }
0xf7: {  	[sflag:s17] =	ssyncset.done $0x0  }
0xf8: {  	s0 =	simm.s32 $0x1C0;
	[sflag:s17] =	ssyncadd.s32 $0xFFFFC000  }
0xf9: {  	v12 =	vld [tilespmem:s0+$0xFFFFFFC0]  }
0xfa: {  	v13 =	vld [tilespmem:s0+$0xFFFFFFD0]  }
0xfb: {  	v9 =	vld [tilespmem:s0+$0xFFFFFFE0]  }
0xfc: {  	v11 =	vld [tilespmem:s0+$0xFFFFFFF0]  }
0xfd: {  	v14 =	vld [tilespmem:s0+$0x0]  }
0xfe: {  	s5 =	sadd.s32 $0x0, s28;
	v10 =	vld [tilespmem:s0+$0x10]  }
0xff: {  	p0 =	sge.s32 s5, s24;
	p1 =	slt.s32 s5, s26;
	v15 =	vld [tilespmem:s0+$0x20]  }
0x100: {  	s31 =	simm.s32 $0x240;
	p1 =	por !p0, !p1;
	v16 =	vld [tilespmem:s0+$0x30];
	s0 =	simm.s32 $0x1  }
.LBB2_14:
0x101: {  	p0 =	sne.s32 s0, $0x7F;
	p1 =	por !p1, !p1;
	v17 =	vmax.f32 v7, v12;
	v12 =	vld [tilespmem:s31+$0xFFFFFFC0];
	v18 =	vmax.f32 v6, v13  }
0x102: {  	v13 =	vld [tilespmem:s31+$0xFFFFFFD0];
	v7 =	vpsel p1, v17, v7;
	v6 =	vpsel p1, v18, v6  }
0x103: {  	v17 =	vmax.f32 v8, v9;
	v18 =	vmax.f32 v5, v11;
	v14 =	vmax.f32 v3, v14;
	v9 =	vld [tilespmem:s31+$0xFFFFFFE0]  }
.Ltmp9:
0x104: {  	v8 =	vpsel p1, v17, v8;
	v5 =	vpsel p1, v18, v5;
	v3 =	vpsel p1, v14, v3;
	v11 =	vld [tilespmem:s31+$0xFFFFFFF0];
	(pc) =	sbr.rel @p0 .LBB2_14-.Ltmp9, $4  }
0x105: {  	v17 =	vmax.f32 v4, v10;
	v15 =	vmax.f32 v2, v15;
	v14 =	vld [tilespmem:s31+$0x0];
	v16 =	vmax.f32 v1, v16  }
0x106: {  	s5 =	sadd.s32 s0, s28;
	v4 =	vpsel p1, v17, v4;
	v2 =	vpsel p1, v15, v2;
	v10 =	vld [tilespmem:s31+$0x10];
	v1 =	vpsel p1, v16, v1  }
0x107: {  	p2 =	slt.s32 s5, s26;
	p1 =	sge.s32 s5, s24;
	v15 =	vld [tilespmem:s31+$0x20]  }
0x108: {  	s0 =	sadd.s32 $0x1, s0;
	p1 =	por !p1, !p2;
	v16 =	vld [tilespmem:s31+$0x30];
	s31 =	sadd.s32 $0x80, s31  }
0x109: {  	s30 =	sadd.s32 $0x1, s30  }
0x10a: {  	s0 =	sadd.s32 s30, s25  }
0x10b: {  	s0 =	sshll.u32 s0, $0x7  }
0x10c: {  	p0 =	por !p1, !p1;
	v12 =	vmax.f32 v7, v12;
	p1 =	slt.s32 s0, s26  }
.Ltmp10:
0x10d: {  	v13 =	vmax.f32 v6, v13;
	v9 =	vmax.f32 v8, v9;
	v11 =	vmax.f32 v5, v11;
	(pc) =	sbr.rel @p1 .LBB2_13-.Ltmp10, $4  }
0x10e: {  	v7 =	vpsel p0, v12, v7;
	v6 =	vpsel p0, v13, v6;
	v63 =	vmax.f32 v3, v14  }
0x10f: {  	v8 =	vpsel p0, v9, v8;
	v5 =	vpsel p0, v11, v5;
	v3 =	vpsel p0, v63, v3  }
0x110: {  	v9 =	vmax.f32 v4, v10;
	v10 =	vmax.f32 v2, v15;
	v11 =	vmax.f32 v1, v16  }
0x111: {  	s28 =	sadd.s32 $0x80, s28;
	v4 =	vpsel p0, v9, v4;
	v2 =	vpsel p0, v10, v2;
	v1 =	vpsel p0, v11, v1  }
.LBB2_16:
0x112: {  	[tilespmem:$0x4180] =	vst v7  }
0x113: {  	[tilespmem:$0x4190] =	vst v6  }
0x114: {  	[tilespmem:$0x41A0] =	vst v8  }
0x115: {  	[tilespmem:$0x41B0] =	vst v5  }
0x116: {  	[tilespmem:$0x41C0] =	vst v3  }
0x117: {  	[tilespmem:$0x41D0] =	vst v4  }
0x118: {  	[tilespmem:$0x41E0] =	vst v2  }
0x119: {  	[tilespmem:$0x41F0] =	vst v1  }
0x11a: {  	[hbm4b:s13+s2] =	stream.linear.scatter [tilespmem:s21], [sflag:$0x1], $0x80, $0x38;
	[tilespmem:$0x4280] =	vst v63  }
0x11b: {  	_ =	swait.ge [sflag:s17], $0x80  }
0x11c: {  	[sflag:s17] =	ssyncset.done $0x0  }
0x11d: {  	[sflag:s17] =	ssyncadd.s32 $0xFFFFFF80  }
0x11e: {  	v1 =	vld [tilespmem:s7+$0x0]  }
0x11f: {  	v2 =	vld [tilespmem:s22+$0x0]  }
0x120: {  	v3 =	vld [tilespmem:s7+$0x100];
	_ =	sdelay $0x2  }
0x121: {  	v1 =	vxor.u32 $0x80000000, v1  }
0x122: {  	v2 =	vxor.u32 $0x80000000, v2;
	v1 =	vnsel vm3, $0x7FFFFFFF, v1  }
0x123: {  	(xrf0) =	vmax.scan.msk.u32 $0xffff, v1;
	v1 =	vnsel vm4, $0x7FFFFFFF, v2;
	v2 =	vxor.u32 $0x80000000, v3  }
0x124: {  	(xrf0) =	vmax.scan.msk.u32 $0xffff, v1;
	v1 =	vnsel vm3, $0x7FFFFFFF, v2  }
0x125: {  	(xrf0) =	vmax.scan.msk.u32 $0xffff, v1;
	_ =	sdelay $0x3  }
0x126: {  	v1, _, _ =	vpop (xrf0)  }
0x127: {  	v2, _, _ =	vpop (xrf0);
	(v2sf) =	vpush v1, $0xF  }
0x128: {  	(v2sf) =	vpush v2, $0xF;
	v1, _, _ =	vpop (xrf0)  }
0x129: {  	(v2sf) =	vpush v1, $0xF;
	_ =	sdelay $0xc  }
0x12a: {  	s0 =	spop (v2sf)  }
0x12b: {  	s5 =	spop (v2sf)  }
0x12c: {  	s24 =	spop (v2sf)  }
0x12d: {  	s24 =	sshll.u32 s24, $0x4  }
0x12e: {  	s24 =	sand.u32 $0x1FFFFFF0, s24  }
0x12f: {  	s24 =	sadd.s32 s4, s24  }
0x130: {  	[tilespmem:s19], [sflag:$0x1] =	stream.linear.gather [hbm4b:s24+s2], $0x80, $0x38;
	[tilespmem:$0x4280] =	vst v63  }
0x131: {  	s24 =	sxor.u32 $0x80000000, s0  }
0x132: {  	p1 =	sgt.s32 s0, $0xFFFFFFFF;
	s0 =	sand.u32 $0x7F, s0;
	p0 =	slt.s32 s24, $0x1  }
0x133: {  	s25 =	sshra.s32 s24, $0x1F;
	p6 =	sne.s32 s0, $0x0;
	p0 =	por p1, p0  }
0x134: {  	s30 =	sshrl.u32 s25, $0x19;
	p0 =	por !p6, !p0  }
0x135: {  	s25 =	simm.s32 $0x1;
	s0 =	sadd.s32 s30, s24;
	p0 =	por !p0, !p0  }
0x136: {  	s0 =	sshra.s32 s0, $0x7;
	s25 =	simm.s32 @!p0 $0x0  }
0x137: {  	s25 =	ssub.s32 s0, s25  }
0x138: {  	s26 =	sxor.u32 $0x80000000, s5;
	_ =	swait.ge [sflag:s17], $0x80;
	s31 =	sshll.u32 s25, $0x7  }
0x139: {  	[sflag:s17] =	ssyncset.done $0x0;
	p1 =	sge.s32 s31, s26  }
.Ltmp11:
0x13a: {  	[sflag:s17] =	ssyncadd.s32 $0xFFFFFF80;
	(pc) =	sbr.rel @p1 .LBB2_21-.Ltmp11, $4  }
0x13b: {  	[hbm4b:s14+s2] =	stream.linear.scatter [tilespmem:s19], [sflag:$0x1], $0x80, $0x38;
	[tilespmem:$0x4280] =	vst v63  }
0x13c: {  	v6 =	vimm.f32 $-Inf;
	_ =	swait.ge [sflag:s17], $0x80  }
0x13d: {  	v7 =	vimm.f32 $-Inf;
	v5 =	vimm.f32 $-Inf;
	v4 =	vimm.f32 $-Inf;
	[sflag:s17] =	ssyncset.done $0x0  }
0x13e: {  	v3 =	vimm.f32 $-Inf;
	v2 =	vimm.f32 $-Inf;
	v1 =	vimm.f32 $-Inf;
	[sflag:s17] =	ssyncadd.s32 $0xFFFFFF80  }
0x13f: {  	s5 =	simm.s32 $0xFFFFFFFF  }
0x140: {  	v1 =	vimm.f32 $-Inf;
	v2 =	vimm.f32 $-Inf;
	s5 =	simm.s32 @!p0 $0x0  }
0x141: {  	s0 =	sshll.u32 s0, $0x7;
	v4 =	vimm.f32 $-Inf;
	v3 =	vimm.f32 $-Inf;
	v5 =	vimm.f32 $-Inf;
	s5 =	sshll.u32 s5, $0x7  }
0x142: {  	s29 =	simm.s32 $0x0;
	v7 =	vimm.f32 $-Inf;
	v6 =	vimm.f32 $-Inf;
	v0 =	vimm.f32 $-Inf;
	s30 =	simm.s32 $0x0;
	s28 =	sadd.s32 s5, s0  }
.LBB2_18:
0x143: {  	s0 =	sadd.s32 s25, s30  }
0x144: {  	s0 =	sshll.u32 s0, $0xB  }
0x145: {  	s0 =	sand.u32 $0x1FFFF800, s0  }
0x146: {  	s0 =	sadd.s32 s3, s0  }
0x147: {  	[tilespmem:s20], [sflag:$0x1] =	stream.linear.gather [hbm4b:s0+s29], $0x4000, $0x38;
	[tilespmem:$0x4280] =	vst v63  }
0x148: {  	_ =	swait.ge [sflag:s17], $0x4000  }
0x149: {  	[sflag:s17] =	ssyncset.done $0x0  }
0x14a: {  	s0 =	simm.s32 $0x1C0;
	[sflag:s17] =	ssyncadd.s32 $0xFFFFC000  }
0x14b: {  	v11 =	vld [tilespmem:s0+$0xFFFFFFC0]  }
0x14c: {  	v12 =	vld [tilespmem:s0+$0xFFFFFFD0]  }
0x14d: {  	v8 =	vld [tilespmem:s0+$0xFFFFFFE0]  }
0x14e: {  	v10 =	vld [tilespmem:s0+$0xFFFFFFF0]  }
0x14f: {  	v13 =	vld [tilespmem:s0+$0x0]  }
0x150: {  	s5 =	sadd.s32 $0x0, s28;
	v9 =	vld [tilespmem:s0+$0x10]  }
0x151: {  	p0 =	sge.s32 s5, s24;
	p1 =	slt.s32 s5, s26;
	v14 =	vld [tilespmem:s0+$0x20]  }
0x152: {  	s31 =	simm.s32 $0x240;
	p1 =	por !p0, !p1;
	v15 =	vld [tilespmem:s0+$0x30];
	s0 =	simm.s32 $0x1  }
.LBB2_19:
0x153: {  	p0 =	sne.s32 s0, $0x7F;
	p1 =	por !p1, !p1;
	v16 =	vmax.f32 v0, v11;
	v11 =	vld [tilespmem:s31+$0xFFFFFFC0];
	v17 =	vmax.f32 v6, v12  }
0x154: {  	v12 =	vld [tilespmem:s31+$0xFFFFFFD0];
	v0 =	vpsel p1, v16, v0;
	v6 =	vpsel p1, v17, v6  }
0x155: {  	v16 =	vmax.f32 v7, v8;
	v17 =	vmax.f32 v5, v10;
	v13 =	vmax.f32 v3, v13;
	v8 =	vld [tilespmem:s31+$0xFFFFFFE0]  }
.Ltmp12:
0x156: {  	v7 =	vpsel p1, v16, v7;
	v5 =	vpsel p1, v17, v5;
	v3 =	vpsel p1, v13, v3;
	v10 =	vld [tilespmem:s31+$0xFFFFFFF0];
	(pc) =	sbr.rel @p0 .LBB2_19-.Ltmp12, $4  }
0x157: {  	v16 =	vmax.f32 v4, v9;
	v14 =	vmax.f32 v2, v14;
	v13 =	vld [tilespmem:s31+$0x0];
	v15 =	vmax.f32 v1, v15  }
0x158: {  	s5 =	sadd.s32 s0, s28;
	v4 =	vpsel p1, v16, v4;
	v2 =	vpsel p1, v14, v2;
	v9 =	vld [tilespmem:s31+$0x10];
	v1 =	vpsel p1, v15, v1  }
0x159: {  	p2 =	slt.s32 s5, s26;
	p1 =	sge.s32 s5, s24;
	v14 =	vld [tilespmem:s31+$0x20]  }
0x15a: {  	s0 =	sadd.s32 $0x1, s0;
	p1 =	por !p1, !p2;
	v15 =	vld [tilespmem:s31+$0x30];
	s31 =	sadd.s32 $0x80, s31  }
0x15b: {  	s30 =	sadd.s32 $0x1, s30  }
0x15c: {  	s0 =	sadd.s32 s30, s25  }
0x15d: {  	s0 =	sshll.u32 s0, $0x7  }
0x15e: {  	p0 =	por !p1, !p1;
	v11 =	vmax.f32 v0, v11;
	p1 =	slt.s32 s0, s26  }
.Ltmp13:
0x15f: {  	v12 =	vmax.f32 v6, v12;
	v8 =	vmax.f32 v7, v8;
	v10 =	vmax.f32 v5, v10;
	(pc) =	sbr.rel @p1 .LBB2_18-.Ltmp13, $4  }
.Ltmp14:
0x160: {  	v0 =	vpsel p0, v11, v0;
	v6 =	vpsel p0, v12, v6;
	v61 =	vmax.f32 v3, v13;
	(pc) =	sbr.rel @!p1 .LBB2_21-.Ltmp14, $4  }
0x161: {  	v7 =	vpsel p0, v8, v7;
	v5 =	vpsel p0, v10, v5;
	v3 =	vpsel p0, v61, v3  }
0x162: {  	v8 =	vmax.f32 v4, v9;
	v62 =	vmax.f32 v2, v14;
	v63 =	vmax.f32 v1, v15  }
0x163: {  	s28 =	sadd.s32 $0x80, s28;
	v4 =	vpsel p0, v8, v4;
	v2 =	vpsel p0, v62, v2;
	v1 =	vpsel p0, v63, v1  }
0x164: {  	_ = 	snop  }
.LBB2_22:
0x165: {  	_ =	sfence.sel $0x180000  }
0x166: {  	[bflag:$0x0] =	sbarrier.arrive $0xFFFF  }
0x167: {  	_ =	strace $0x9000004D  }
0x168: {  	s0 =	stileid.u32;
	[bflag:$0x2] =	sbarrier.arrive $0xFFFF  }
0x169: {  	p0 =	sne.s32 s0, $0x0;
	s0 =	rddreg [dreg:$0x2]  }
0x16a: {  	s0 =	sadd.s32 @!p0 $0x100000, s0  }
0x16b: {  	[sflag:s0] =	ssyncadd.tile.s32 @!p0 $0x1;
	_ =	shalt  }
.Lfunc_end2:
_tile_overlayer_lowered:
.L_overlay_start_2:
0x16c: {  	(tag) =	ssettag $0x2  }
0x16d: {  	s0 =	rddreg [dreg:$0x0];
	s2 =	stileid.u32  }
0x16e: {  	s1 =	rddreg [dreg:$0x1];
	p0 =	sne.s32 s2, $0x0  }
0x16f: {  	s3 =	rddreg [dreg:$0x2];
	[bflag:$0x3] =	sbarrier.arrive $0xFFFF;
	s2 =	simm.s32 @!p0 $0x1C01  }
0x170: {  	[timem:s3], [sflag:s2] =	dma.local @!p0 [hbm:s0], s1  }
0x171: {  	s0 =	simm.s32 @!p0 $0x1  }
0x172: {  	_ =	swait.ge @!p0 [sflag:s0], s1  }
0x173: {  	s1 =	ssub.s32 @!p0 $0x0, s1;
	[sflag:s0] =	ssyncset.done @!p0 $0x0  }
0x174: {  	[sflag:s0] =	ssyncadd.s32 @!p0 s1  }
0x175: {  	[bflag:$0x3] =	sbarrier.arrive $0xFFFF  }
0x176: {  	_ =	shalt  }

// kernel: kernel.8.cloned.1.call-start
scs
__scs_entry_jumppad:
0x0: {  	(pc) =	sbr.rel $0x88, $3  }
0x1: {  	(tag) =	ssettag $0x0;
	lr =	simm.s32 $0x1  }
0x2: {  	[smem:$0x3F96] =	sst lr;
	_ =	strace $0xD0000000  }
0x3: {  	_ = 	snop  }
0x4: {  	_ = 	snop  }
0x5: {  	_ = 	snop  }
0x6: {  	_ = 	snop  }
0x7: {  	_ = 	snop  }
__scs_overlays_trampoline_lowered:
0x8: {  	[smem:$0x3FA5] =	sst s0  }
0x9: {  	[smem:$0x3FA6] =	sst s1  }
0xa: {  	[smem:$0x3FA7] =	sst s2  }
0xb: {  	[smem:$0x3FA8] =	sst s3  }
0xc: {  	[smem:$0x3FA9] =	sst s4  }
0xd: {  	[smem:$0x3FAA] =	sst s5  }
0xe: {  	[smem:$0x3FAB] =	sst s6  }
0xf: {  	[smem:$0x3FAC] =	sst s7  }
0x10: {  	[smem:$0x3FAD] =	sst s8  }
0x11: {  	[smem:$0x3FAE] =	sst s9;
	s0 =	simm.s32 @!p0 $0x0  }
0x12: {  	s1 =	sld [smem:$0x3F94];
	s0 =	simm.s32 @p0 $0x1  }
0x13: {  	[smem:$0x3FAF] =	sst s0;
	s0 =	simm.s32 @!p1 $0x0  }
0x14: {  	s2 =	sld [smem:$0x3F93];
	s0 =	simm.s32 @p1 $0x1  }
0x15: {  	[smem:$0x3FB0] =	sst s0;
	s0 =	simm.s32 @!p2 $0x0  }
0x16: {  	s3 =	sld [smem:$0x3FDB];
	s0 =	simm.s32 @p2 $0x1  }
0x17: {  	s4 =	simm.s32 $0x1BF5;
	[smem:$0x3FB2] =	sst s0  }
0x18: {  	s0 =	sld [smem:$0x3F95];
	_ =	swait.ge [sflag:s4], $0x0  }
0x19: {  	s7 =	sld [smem:$0x3F96]  }
0x1a: {  	s8 =	sadd.s32 $0xFFFFE003, lr  }
0x1b: {  	s9 =	sadd.s32 $0xFFFFFEF7, lr;
	s5 =	simm.s32 $0xFFFFFFFF;
	p2 =	slt.u32 s8, $0xFFFFF086  }
0x1c: {  	p1 =	slt.u32 s9, $0xF7A;
	s5 =	simm.s32 @!p2 $0x0  }
0x1d: {  	s5 =	simm.s32 @p1 $0x1;
	p0 =	seq.s32 s7, s2  }
0x1e: {  	s7 =	smul.u32 @!p0 $0xF7A, s2;
	p2 =	seq.s32 @!p0 s5, $0x0  }
0x1f: {  	s9 =	smul.u32 $0xF7A, s1;
	s8 =	simm.s32 @!p0 $0x1BF5;
	p2 =	por !p2, p0  }
0x20: {  	[sflag:s8] =	ssyncset.s32 @!p0 $0xFFFFF086;
	s6 =	sadd.s32 @!p0 s3, s7;
	s7 =	simm.s32 @!p0 $0x108  }
0x21: {  	s3 =	sadd.s32 s3, s9;
	s6 =	sadd.s32 @!p0 $0x88, s6;
	s7 =	simm.s32 @p2 $0x1082  }
0x22: {  	[simem:s7], [sflag:s8] =	dma.local @!p0 [hbm:s6], $0xF7A  }
0x23: {  	s9 =	sor.u32 $0xD0000000, s2;
	s6 =	simm.s32 $0x108;
	_ =	swait.ge @!p0 [sflag:s8], $0x0  }
0x24: {  	s3 =	sadd.s32 $0x88, s3;
	s6 =	simm.s32 @!p1 $0x1082;
	[sflag:s4] =	ssyncset.s32 $0xFFFFF086  }
0x25: {  	[simem:s6], [sflag:s4] =	dma.local [hbm:s3], $0xF7A  }
0x26: {  	[smem:$0x3F96] =	sst s1;
	(tag) =	ssettag s2;
	_ =	strace s9  }
0x27: {  	s1 =	sld [smem:$0x3FA6]  }
0x28: {  	s2 =	sld [smem:$0x3FA7]  }
0x29: {  	s4 =	sld [smem:$0x3FA9]  }
0x2a: {  	p0 =	seq.s32 s5, $0x0;
	s5 =	sld [smem:$0x3FAA]  }
0x2b: {  	s6 =	sld [smem:$0x3FAB]  }
0x2c: {  	s7 =	sld [smem:$0x3FAC]  }
0x2d: {  	s3 =	simm.s32 $0x108;
	s8 =	sld [smem:$0x3FAD]  }
0x2e: {  	s3 =	simm.s32 @!p0 $0x1082;
	s9 =	sld [smem:$0x3FAE]  }
0x2f: {  	lr =	sadd.s32 s0, s3;
	s0 =	sld [smem:$0x3FA5]  }
0x30: {  	s3 =	sld [smem:$0x3FA8]  }
0x31: {  	[smem:$0x3FB1] =	sst s10  }
0x32: {  	s10 =	sld [smem:$0x3FAF];
	_ =	sdelay $0x3  }
0x33: {  	p0 =	seq.s32 s10, $0x1;
	s10 =	sld [smem:$0x3FB1];
	_ =	sdelay $0x3  }
0x34: {  	[smem:$0x3FB1] =	sst s10  }
0x35: {  	s10 =	sld [smem:$0x3FB0];
	_ =	sdelay $0x3  }
0x36: {  	p1 =	seq.s32 s10, $0x1;
	s10 =	sld [smem:$0x3FB1];
	_ =	sdelay $0x3  }
0x37: {  	[smem:$0x3FB1] =	sst s10  }
0x38: {  	s10 =	sld [smem:$0x3FB2]  }
0x39: {  	_ = 	snop;
	(pc) =	sbr.ind lr, $3  }
0x3a: {  	_ = 	snop  }
0x3b: {  	_ = 	snop  }
0x3c: {  	p2 =	seq.s32 s10, $0x1;
	s10 =	sld [smem:$0x3FB1]  }
0x3d: {  	_ =	shalt  }
0x3e: {  	_ =	shalt  }
0x3f: {  	_ =	shalt  }
0x40: {  	_ =	shalt  }
0x41: {  	_ =	shalt  }
0x42: {  	_ =	shalt  }
0x43: {  	_ =	shalt  }
0x44: {  	_ =	shalt  }
0x45: {  	_ =	shalt  }
0x46: {  	_ =	shalt  }
0x47: {  	_ =	shalt  }
0x48: {  	_ =	shalt  }
0x49: {  	_ =	shalt  }
0x4a: {  	_ =	shalt  }
0x4b: {  	_ =	shalt  }
0x4c: {  	_ =	shalt  }
0x4d: {  	_ =	shalt  }
0x4e: {  	_ =	shalt  }
0x4f: {  	_ =	shalt  }
0x50: {  	_ =	shalt  }
0x51: {  	_ =	shalt  }
0x52: {  	_ =	shalt  }
0x53: {  	_ =	shalt  }
0x54: {  	_ =	shalt  }
0x55: {  	_ =	shalt  }
0x56: {  	_ =	shalt  }
0x57: {  	_ =	shalt  }
0x58: {  	_ =	shalt  }
0x59: {  	_ =	shalt  }
0x5a: {  	_ =	shalt  }
0x5b: {  	_ =	shalt  }
0x5c: {  	_ =	shalt  }
0x5d: {  	_ =	shalt  }
0x5e: {  	_ =	shalt  }
0x5f: {  	_ =	shalt  }
0x60: {  	_ =	shalt  }
0x61: {  	_ =	shalt  }
0x62: {  	_ =	shalt  }
0x63: {  	_ =	shalt  }
0x64: {  	_ =	shalt  }
0x65: {  	_ =	shalt  }
0x66: {  	_ =	shalt  }
0x67: {  	_ =	shalt  }
0x68: {  	_ =	shalt  }
0x69: {  	_ =	shalt  }
0x6a: {  	_ =	shalt  }
0x6b: {  	_ =	shalt  }
0x6c: {  	_ =	shalt  }
0x6d: {  	_ =	shalt  }
0x6e: {  	_ =	shalt  }
0x6f: {  	_ =	shalt  }
0x70: {  	_ =	shalt  }
0x71: {  	_ =	shalt  }
0x72: {  	_ =	shalt  }
0x73: {  	_ =	shalt  }
0x74: {  	_ =	shalt  }
0x75: {  	_ =	shalt  }
0x76: {  	_ =	shalt  }
0x77: {  	_ =	shalt  }
0x78: {  	_ =	shalt  }
0x79: {  	_ =	shalt  }
0x7a: {  	_ =	shalt  }
0x7b: {  	_ =	shalt  }
0x7c: {  	_ =	shalt  }
0x7d: {  	_ =	shalt  }
0x7e: {  	_ =	shalt  }
0x7f: {  	_ =	shalt  }
0x80: {  	_ =	shalt  }
0x81: {  	_ =	shalt  }
0x82: {  	_ =	shalt  }
0x83: {  	_ =	shalt  }
0x84: {  	_ =	shalt  }
0x85: {  	_ =	shalt  }
0x86: {  	_ =	shalt  }
0x87: {  	_ =	shalt  }
.Lfunc_end0:
.L_simem_size_0:
called_computation_lowered:
.L_overlay_start_0:
0x88: {  	s2 =	sld [smem:$0x3FD9]  }
0x89: {  	s3 =	sld [smem:$0x3FFE];
	_ =	sdelay $0x1  }
0x8a: {  	s1 =	srdreg.scid  }
0x8b: {  	s0 =	sand.u32 $0x1, s1  }
0x8c: {  	s16 =	sshll.u32 s0, $0xA;
	s2 =	sadd.s32 s3, s2  }
0x8d: {  	s2 =	sadd.s32 s2, s16  }
0x8e: {  	[smem:$0x3FBD] =	sst s2  }
0x8f: {  	_ = 	snop  }
0x90: {  	(tm) =	ssettm $0x1  }
0x91: {  	s17 =	sld [smem:$0x3FFB];
	_ =	sdelay $0x3  }
0x92: {  	_ =	strace s17  }
0x93: {  	s2 =	sld [smem:$0x3FFC];
	_ =	sdelay $0x3  }
0x94: {  	_ =	strace s2  }
0x95: {  	s2 =	sld [smem:$0x3FFD];
	_ =	sdelay $0x3  }
0x96: {  	_ =	strace s2  }
0x97: {  	_ =	strace $0x8FFFFFFF  }
0x98: {  	s18 =	sld [smem:$0x3FDB];
	_ =	sdelay $0x1  }
0x99: {  	s19 =	simm.s32 $_scs_section_size  }
0x9a: {  	s4 =	simm.s32 $_size__tile_overlayer_lowered;
	s5 =	simm.s32 $_tile_overlayer_lowered  }
0x9b: {  	s22 =	simm.s32 $0x1BFF;
	s21 =	sshll.u32 s5, $0x1;
	s2 =	sadd.s32 s19, s18  }
0x9c: {  	s6 =	simm.s32 $0x0;
	s20 =	sshll.u32 s4, $0x1;
	s4 =	sadd.s32 s21, s2  }
0x9d: {  	[timem:s6], [sflag:s22] =	dma.local [hbm:s4], s20  }
0x9e: {  	_ =	swait.ge [sflag:s22], s20  }
0x9f: {  	s3 =	ssub.s32 $0x0, s20;
	[sflag:s22] =	ssyncset.done $0x0  }
0xa0: {  	[sflag:s22] =	ssyncadd.s32 s3;
	_ =	sdelay $0x1  }
0xa1: {  	s23 =	simm.s32 $0x1B8B  }
0xa2: {  	_ =	swait.ge [sflag:s23], $0x1  }
0xa3: {  	[sflag:s23] =	ssyncset.done $0x0  }
0xa4: {  	s25 =	simm.s32 $0x1B8E;
	s24 =	sld [smem:$0x3FFE];
	[sflag:s23] =	ssyncadd.s32 $0xFFFFFFFF  }
0xa5: {  	s26 =	simm.s32 $execute0_lowered;
	[smem:$0x3FD2] =	sst s25  }
0xa6: {  	s4 =	sshll.u32 s26, $0x1;
	_ =	strace $0x80000046;
	[dreg:$0x1] =	wrdreg $0xFFFFFFFF  }
0xa7: {  	s28 =	simm.s32 $_size_execute0_lowered;
	s2 =	sadd.s32 s2, s4;
	[dreg:$0x0] =	wrdreg $0x0  }
0xa8: {  	s4 =	sshll.u32 s28, $0x1;
	[dreg:$0x2] =	wrdreg s2  }
0xa9: {  	[dreg:$0x3] =	wrdreg s4  }
0xaa: {  	[dreg:$0x4] =	wrdreg $0xC0  }
0xab: {  	_ =	task [dreg:s6], $0x5FFFF  }
0xac: {  	[dreg:$0x1] =	wrdreg $0xFFFFFFFF  }
0xad: {  	[dreg:$0x0] =	wrdreg $0x60  }
0xae: {  	[dreg:$0x2] =	wrdreg s24  }
0xaf: {  	[dreg:$0x3] =	wrdreg $0x9  }
0xb0: {  	_ =	task.clear_ibuf [dreg:s6], $0x4FFFF;
	_ =	strace $0x90000046  }
0xb1: {  	s29 =	simm.s32 $0x9;
	_ =	strace $0x80000048  }
0xb2: {  	_ =	swait.ge [sflag:s29], $0x1  }
0xb3: {  	[sflag:s29] =	ssyncadd.s32 $0xFFFFFFFF  }
0xb4: {  	_ =	strace $0x90000048  }
0xb5: {  	_ =	sfence  }
0xb6: {  	s30 =	sld [smem:$0x0];
	_ =	sdelay $0x2  }
0xb7: {  	s31 =	sshll.u32 s1, $0xD;
	s1 =	sshrl.u32 s1, $0x2  }
0xb8: {  	s3 =	sand.u32 $0x4000, s31;
	s1 =	sadd.s32 s1, s30  }
0xb9: {  	s0 =	sor.u32 s3, s0;
	s1 =	sshll.u32 s1, $0x11  }
0xba: {  	s0 =	sor.u32 s1, s0  }
0xbb: {  	s0 =	sadd.s32 $0x8F2B, s0  }
0xbc: {  	[sflag:s0] =	ssyncadd.remote.s32 $0x1  }
0xbd: {  	_ =	sfence.sel $0xFFFF  }
0xbe: {  	[dreg:$0x0] =	wrdreg $0xFFFFFFFF;
	(pc) =	sbr.abs _section_cstart, $3  }
0xbf: {  	[dreg:$0x1] =	wrdreg $0xFFFFFFFF  }
0xc0: {  	_ =	task.clear_ibuf [dreg:s6], $0x2FFFF;
	_ =	strace $0x9FFFFFFF  }
0xc1: {  	(tm) =	ssettm $0x7FFFFFFF  }
tec
execute0_lowered:
.L_overlay_start_1:
0x0: {  	(tag) =	ssettag $0x1  }
0x1: {  	s3 =	rddreg [dreg:$0x0]  }
0x2: {  	s0 =	rddreg [dreg:$0x1];
	s2 =	simm.s32 $0x0;
	s4 =	srdreg.scid  }
0x3: {  	s1 =	stileid.u32;
	s9 =	simm.s32 $0x2780;
	s4 =	sand.u32 $0x1, s4  }
0x4: {  	s5 =	sshrl.u32 s1, $0x2;
	s6 =	sshll.u32 s1, $0x8;
	[smem:$0x7FF] =	sst s2  }
0x5: {  	s7 =	sshll.u32 s4, $0x7;
	s6 =	sand.u32 $0x300, s6;
	s8 =	smul.u32 $0x13C00, s5  }
0x6: {  	s5 =	smul.u32 $0x14000, s5;
	s4 =	ssub.s32 $0x2, s4;
	s6 =	sor.u32 s7, s6  }
0x7: {  	_ =	strace $0x80000047;
	s31 =	sshrl.u32 s4, $0x1;
	s7 =	sor.u32 s8, s6  }
0x8: {  	s5 =	sor.u32 s5, s6;
	s6 =	simm.s32 $0x80;
	s7 =	sshrl.u32 s7, $0x3  }
0x9: {  	s8 =	simm.s32 $0x1;
	s5 =	sshrl.u32 s5, $0x3;
	s30 =	sadd.s32 s7, s3  }
0xa: {  	s5 =	sadd.s32 s5, s3;
	s7 =	ssub.s32 s4, s31;
	s3 =	sadd.s32 $0x4600, s30  }
0xb: {  	v0 =	vimm.f32 $0.0e+00;
	v1 =	vimm.f32 $1.000000000e+00;
	s4 =	sadd.s32 $0xE400, s5;
	s5 =	smax.u32 s7, $0x1;
	s7 =	simm.s32 $0x400  }
.LBB2_1:
0xc: {  	s10 =	simm.s32 $0x40;
	s11 =	simm.s32 $0x0  }
.LBB2_2:
0xd: {  	p0 =	sne.s32 s10, $0x9FC0;
	[tilespmem:s11+$0x2780] =	vst v0;
	s11 =	smov.u32 s10;
	s10 =	sadd.s32 $0x40, s10  }
.Ltmp0:
0xe: {  	(pc) =	sbr.rel @p0 .LBB2_2-.Ltmp0, $2  }
0xf: {  	_ =	sdelay $0x2  }
0x10: {  	s11 =	sshra.s32 s11, $0x2  }
0x11: {  	[tilespmem:s11+$0x2780] =	vst v0;
	s10 =	simm.s32 $0x0  }
0x12: {  	[tilespmem:s10], [sflag:$0x1] =	stream.strided.gather [hbm4b:s3+s6], $0x2780, s7, s6, $0x38;
	[tilespmem:$0x4F80] =	vst v63  }
0x13: {  	_ =	swait.ge [sflag:s8], $0x2780  }
0x14: {  	[sflag:s8] =	ssyncset.done $0x0  }
0x15: {  	s11 =	simm.s32 $0x0;
	s10 =	simm.s32 $0x40;
	[sflag:s8] =	ssyncadd.s32 $0xFFFFD880  }
.LBB2_4:
0x16: {  	p0 =	sne.s32 s10, $0x9DC0;
	v2 =	vld [tilespmem:s11+$0x0];
	_ =	sdelay $0x3  }
.Ltmp1:
0x17: {  	(pc) =	sbr.rel @p0 .LBB2_4-.Ltmp1, $2  }
0x18: {  	_ =	sdelay $0x2  }
0x19: {  	s11 =	sshra.s32 s10, $0x2;
	s10 =	sadd.s32 $0x40, s10;
	[tilespmem:v2+s9+$0x0] =	vst.idx.add.f32.msk $0xffff, v1  }
0x1a: {  	v2 =	vld [tilespmem:s11+$0x0];
	_ =	sdelay $0x5  }
0x1b: {  	s2 =	sadd.s32 $0x1, s2  }
0x1c: {  	p0 =	sne.s32 s2, s5  }
.Ltmp2:
0x1d: {  	[tilespmem:v2+s9+$0x0] =	vst.idx.add.f32.msk $0xffff, v1;
	(pc) =	sbr.rel @p0 .LBB2_1-.Ltmp2, $4  }
0x1e: {  	[hbm4b:s4+s6] =	stream.strided.scatter [tilespmem:s9], [sflag:$0x1], $0x2800, s7, s6, $0x38;
	[tilespmem:$0x4F80] =	vst v63  }
0x1f: {  	_ =	swait.ge [sflag:s8], $0x2800  }
0x20: {  	[sflag:s8] =	ssyncset.done $0x0  }
0x21: {  	[sflag:s8] =	ssyncadd.s32 $0xFFFFD800  }
0x22: {  	_ =	sfence.sel $0x180000  }
0x23: {  	[bflag:$0x0] =	sbarrier.arrive $0xFFFF  }
0x24: {  	p0 =	sne.s32 s1, $0x0;
	_ =	strace $0x90000047  }
0x25: {  	s0 =	sadd.s32 @!p0 $0x100000, s0;
	[bflag:$0x2] =	sbarrier.arrive $0xFFFF  }
0x26: {  	[sflag:s0] =	ssyncadd.tile.s32 @!p0 $0x1;
	_ =	shalt  }
.Lfunc_end2:
_tile_overlayer_lowered:
.L_overlay_start_2:
0x27: {  	(tag) =	ssettag $0x2  }
0x28: {  	s0 =	rddreg [dreg:$0x0];
	s2 =	stileid.u32  }
0x29: {  	s1 =	rddreg [dreg:$0x1];
	p0 =	sne.s32 s2, $0x0  }
0x2a: {  	s3 =	rddreg [dreg:$0x2];
	[bflag:$0x3] =	sbarrier.arrive $0xFFFF;
	s2 =	simm.s32 @!p0 $0x1C01  }
0x2b: {  	[timem:s3], [sflag:s2] =	dma.local @!p0 [hbm:s0], s1  }
0x2c: {  	s0 =	simm.s32 @!p0 $0x1  }
0x2d: {  	_ =	swait.ge @!p0 [sflag:s0], s1  }
0x2e: {  	s1 =	ssub.s32 @!p0 $0x0, s1;
	[sflag:s0] =	ssyncset.done @!p0 $0x0  }
0x2f: {  	[sflag:s0] =	ssyncadd.s32 @!p0 s1  }
0x30: {  	[bflag:$0x3] =	sbarrier.arrive $0xFFFF  }
0x31: {  	_ =	shalt  }

</sc_bundles>
